<compile_context>
chip_gen: v7x
topology: tpu7x:2x2x1
jax: 0.10.2.dev20260603
libtpu: 0.0.44.dev20260713+nightly
codegen_flags: <defaults>
</compile_context>

<pallas_src>
import functools

import jax
import jax.numpy as jnp
from jax import lax
from jax.experimental import pallas as pl
from jax.experimental.pallas import tpu as pltpu
from jax.experimental.pallas import tpu_sc as plsc

N_NODES = 10000
HID = 128
N_CLASSES = 2000
NPROTO = 5
MARGIN_V = -0.1
LOSS_WV = 0.1
BATCH = 1024

NC, NS, LANES = 2, 16, 16
NW = NC * NS
NPAD = 10240
ROWS_PT = NPAD // NS
E_REAL = 320000
EPT = 10240
EPAD = NW * EPT
CH = 128
NCHUNK = EPT // CH
IBLK = 16
IDS_PT = BATCH // NW

def _sc_deg_emb_body(dst_hbm, ones_hbm, ids_hbm, emb_hbm, deg_out, hid_out,
                     idx_v, ones_v, ids_v, erows_v, acc_sh, sem):
    c = lax.axis_index("c")
    s = lax.axis_index("s")
    wid = c * NS + s

    pltpu.sync_copy(ids_hbm.at[pl.ds(wid * IDS_PT, IDS_PT)], ids_v)
    pltpu.async_copy(emb_hbm.at[ids_v], erows_v, sem).wait()
    pltpu.sync_copy(erows_v, hid_out.at[pl.ds(wid * IDS_PT, IDS_PT)])

    pltpu.sync_copy(dst_hbm.at[pl.ds(wid * NCHUNK, NCHUNK)], idx_v)

    def _zrow(i, carry):
        for j in range(HID // LANES):
            ones_v[i, pl.ds(j * LANES, LANES)] = jnp.zeros((LANES,),
                                                           jnp.float32)
        return carry
    lax.fori_loop(0, CH, _zrow, 0)
    rbase = s * ROWS_PT

    def _zcp(k, carry):
        pltpu.sync_copy(ones_v, acc_sh.at[pl.ds(rbase + k * CH, CH)])
        return carry
    lax.fori_loop(0, ROWS_PT // CH, _zcp, 0)
    pltpu.sync_copy(ones_hbm, ones_v)
    plsc.subcore_barrier()

    def _chunk(i, carry):
        pltpu.sync_copy(ones_v, acc_sh.at[idx_v.at[i]], add=True)
        return carry
    lax.fori_loop(0, NCHUNK, _chunk, 0)
    plsc.subcore_barrier()

    pltpu.sync_copy(acc_sh.at[pl.ds(rbase, ROWS_PT)],
                    deg_out.at[pl.ds(c * NPAD + rbase, ROWS_PT)])


def _sc_edge_scatter_body(g_hbm, src_hbm, dst_hbm, acc_out,
                          sidx, didx, rows0, rows1, acc_sh, sem0, sem1):
    c = lax.axis_index("c")
    s = lax.axis_index("s")
    wid = c * NS + s

    def _zrow(i, carry):
        for j in range(HID // LANES):
            rows0[i, pl.ds(j * LANES, LANES)] = jnp.zeros((LANES,),
                                                          jnp.float32)
        return carry
    lax.fori_loop(0, CH, _zrow, 0)
    rbase = s * ROWS_PT

    def _zcp(k, carry):
        pltpu.sync_copy(rows0, acc_sh.at[pl.ds(rbase + k * CH, CH)])
        return carry
    lax.fori_loop(0, ROWS_PT // CH, _zcp, 0)
    plsc.subcore_barrier()

    def _blk(b, carry):
        base = wid * NCHUNK + b * IBLK
        pltpu.sync_copy(src_hbm.at[pl.ds(base, IBLK)], sidx)
        pltpu.sync_copy(dst_hbm.at[pl.ds(base, IBLK)], didx)
        pltpu.async_copy(g_hbm.at[sidx.at[0]], rows0, sem0)

        def _pair(k, carry2):
            i0 = 2 * k
            pltpu.async_copy(g_hbm.at[sidx.at[i0 + 1]], rows1, sem1)
            pltpu.make_async_copy(g_hbm.at[sidx.at[i0]], rows0, sem0).wait()
            pltpu.sync_copy(rows0, acc_sh.at[didx.at[i0]], add=True)

            @pl.when(k < IBLK // 2 - 1)
            def _():
                pltpu.async_copy(g_hbm.at[sidx.at[i0 + 2]], rows0, sem0)

            pltpu.make_async_copy(g_hbm.at[sidx.at[i0 + 1]], rows1,
                                  sem1).wait()
            pltpu.sync_copy(rows1, acc_sh.at[didx.at[i0 + 1]], add=True)
            return carry2
        lax.fori_loop(0, IBLK // 2, _pair, 0)
        return carry
    lax.fori_loop(0, NCHUNK // IBLK, _blk, 0)
    plsc.subcore_barrier()

    pltpu.sync_copy(acc_sh.at[pl.ds(rbase, ROWS_PT)],
                    acc_out.at[pl.ds(c * NPAD + rbase, ROWS_PT)])


@functools.cache
def _sc_kernels():
    mesh = plsc.VectorSubcoreMesh(
        core_axis_name="c", subcore_axis_name="s",
        num_cores=NC, num_subcores=NS)
    deg_emb = pl.kernel(
        _sc_deg_emb_body,
        out_type=(
            jax.ShapeDtypeStruct((NC * NPAD, HID), jnp.float32),
            jax.ShapeDtypeStruct((BATCH, HID), jnp.float32),
        ),
        mesh=mesh,
        scratch_types=[
            pltpu.VMEM((NCHUNK, CH), jnp.int32),
            pltpu.VMEM((CH, HID), jnp.float32),
            pltpu.VMEM((IDS_PT,), jnp.int32),
            pltpu.VMEM((IDS_PT, HID), jnp.float32),
            pltpu.VMEM_SHARED((NPAD, HID), jnp.float32),
            pltpu.SemaphoreType.DMA,
        ],
    )
    edge_scatter = pl.kernel(
        _sc_edge_scatter_body,
        out_type=jax.ShapeDtypeStruct((NC * NPAD, HID), jnp.float32),
        mesh=mesh,
        scratch_types=[
            pltpu.VMEM((IBLK, CH), jnp.int32),
            pltpu.VMEM((IBLK, CH), jnp.int32),
            pltpu.VMEM((CH, HID), jnp.float32),
            pltpu.VMEM((CH, HID), jnp.float32),
            pltpu.VMEM_SHARED((NPAD, HID), jnp.float32),
            pltpu.SemaphoreType.DMA,
            pltpu.SemaphoreType.DMA,
        ],
    )
    return deg_emb, edge_scatter


def _bdot(a, b):
    return jnp.dot(a, b, preferred_element_type=jnp.float32,
                   precision=jax.lax.Precision.HIGHEST)


def _tc_pre1(x_ref, w_ref, d0_ref, d1_ref, g_ref, dis_ref):
    deg = d0_ref[...] + d1_ref[...] + 1.0
    dis = 1.0 / jnp.sqrt(deg)
    dis_ref[...] = dis
    g_ref[...] = dis * _bdot(x_ref[...], w_ref[...])


def _tc_mid(a0_ref, a1_ref, g_ref, dis_ref, b_ref, w_ref, out_ref):
    x = dis_ref[...] * (a0_ref[...] + a1_ref[...] + g_ref[...]) + b_ref[...]
    x = jnp.maximum(x, 0.0)
    out_ref[...] = dis_ref[...] * _bdot(x, w_ref[...])


def _tc_post(a0_ref, a1_ref, g_ref, dis_ref, b_ref, pn_ref, ps_ref):
    x = dis_ref[...] * (a0_ref[...] + a1_ref[...] + g_ref[...]) + b_ref[...]
    x = jnp.maximum(x, 0.0)
    nrm = jnp.sqrt(jnp.sum(x * x, axis=1, keepdims=True))
    pn = x / jnp.maximum(nrm, 1e-12)
    pn_ref[...] = pn
    ps_ref[...] = jnp.sum(pn, axis=0, keepdims=True)


BB = 256


def _tc_sim_loss(hid_ref, pnt_ref, lab_ref, ps_ref, out_ref, loss_ref, acc_ref):
    b = pl.program_id(0)
    h = hid_ref[...]
    hn = h / jnp.maximum(jnp.sqrt(jnp.sum(h * h, axis=1, keepdims=True)), 1e-12)
    m = _bdot(hn, pnt_ref[0])
    for j in range(1, NPROTO):
        m = jnp.maximum(m, _bdot(hn, pnt_ref[j]))
    outv = (1.0 + m) * 0.5
    out_ref[...] = outv

    lab = lab_ref[...]
    col = lax.broadcasted_iota(jnp.int32, (BB, N_CLASSES), 1)
    true_s = jnp.sum(jnp.where(col == lab, outv, 0.0), axis=1, keepdims=True)
    pred_s = jnp.max(outv, axis=1, keepdims=True)
    esum = jnp.sum(jnp.exp(outv), axis=1, keepdims=True)
    msk = (true_s - pred_s > MARGIN_V).astype(jnp.float32)
    ce = (jnp.log(esum) - true_s) * msk
    ce_sum = jnp.sum(ce)
    m_sum = jnp.sum(msk)

    @pl.when(b == 0)
    def _():
        acc_ref[0] = ce_sum
        acc_ref[1] = m_sum

    @pl.when(b > 0)
    def _():
        acc_ref[0] += ce_sum
        acc_ref[1] += m_sum

    @pl.when(b == pl.num_programs(0) - 1)
    def _():
        psv = ps_ref[...]
        disp = -jnp.sum(psv * psv) / (float(N_NODES) * float(N_NODES))
        nm = acc_ref[1]
        total = acc_ref[0] / jnp.maximum(nm, 1.0) + LOSS_WV * disp
        loss_ref[...] = jnp.broadcast_to(jnp.where(nm == 0.0, 0.0, total),
                                         (1, 1))


_pre1 = pl.pallas_call(
    _tc_pre1,
    out_shape=(jax.ShapeDtypeStruct((N_NODES, HID), jnp.float32),
               jax.ShapeDtypeStruct((N_NODES, 1), jnp.float32)),
)

_mid = pl.pallas_call(
    _tc_mid,
    out_shape=jax.ShapeDtypeStruct((N_NODES, HID), jnp.float32),
)

_post = pl.pallas_call(
    _tc_post,
    out_shape=(jax.ShapeDtypeStruct((N_NODES, HID), jnp.float32),
               jax.ShapeDtypeStruct((1, HID), jnp.float32)),
)

_sim_loss = pl.pallas_call(
    _tc_sim_loss,
    grid=(BATCH // BB,),
    in_specs=[
        pl.BlockSpec((BB, HID), lambda b: (b, 0)),
        pl.BlockSpec((NPROTO, HID, N_CLASSES), lambda b: (0, 0, 0)),
        pl.BlockSpec((BB, 1), lambda b: (b, 0)),
        pl.BlockSpec((1, HID), lambda b: (0, 0)),
    ],
    out_specs=[
        pl.BlockSpec((BB, N_CLASSES), lambda b: (b, 0)),
        pl.BlockSpec((1, 1), lambda b: (0, 0)),
    ],
    out_shape=(jax.ShapeDtypeStruct((BATCH, N_CLASSES), jnp.float32),
               jax.ShapeDtypeStruct((1, 1), jnp.float32)),
    scratch_shapes=[pltpu.SMEM((2,), jnp.float32)],
)


def kernel(input_ids, attention_mask, labels, edge_index, enc_emb,
           node_features, W1, b1, W2, b2):
    del attention_mask
    ids = input_ids[:, 0].astype(jnp.int32)
    npad = EPAD - E_REAL
    srcp = jnp.concatenate(
        [edge_index[0].astype(jnp.int32),
         jnp.zeros((npad,), jnp.int32)]).reshape(NW * NCHUNK, CH)
    dstp = jnp.concatenate(
        [edge_index[1].astype(jnp.int32),
         jnp.full((npad,), N_NODES, jnp.int32)]).reshape(NW * NCHUNK, CH)

    sc_deg_emb, sc_edge_scatter = _sc_kernels()
    ones_rows = jnp.ones((CH, HID), jnp.float32)
    deg_part, hidden = sc_deg_emb(dstp, ones_rows, ids, enc_emb)
    d0 = deg_part[:N_NODES, :1]
    d1 = deg_part[NPAD:NPAD + N_NODES, :1]

    g1, dis = _pre1(node_features, W1, d0, d1)
    acc1 = sc_edge_scatter(g1, srcp, dstp)
    g2 = _mid(acc1[:N_NODES], acc1[NPAD:NPAD + N_NODES], g1, dis,
              b1.reshape(1, HID), W2)
    acc2 = sc_edge_scatter(g2, srcp, dstp)
    pn, ps = _post(acc2[:N_NODES], acc2[NPAD:NPAD + N_NODES], g2, dis,
                   b2.reshape(1, HID))

    pnt = pn.reshape(N_CLASSES, NPROTO, HID).transpose(1, 2, 0)
    out, loss = _sim_loss(hidden, pnt, labels.reshape(BATCH, 1).astype(jnp.int32), ps)
    return out, loss[0, 0]

# --- scband reference (transcript-rebuilt; emitter-appended) ---
"""Pipeline reference for scband-hierarchical-prototype-classifier-3049426780612 (READ-ONLY COPY).

The authoritative reference and input builder live on the scoring server;
editing this copy changes nothing except your own understanding.
"""

import jax, jax.numpy as jnp
import numpy as np

NUM_NODES = 10000
HIDDEN = 128
NUM_CLASSES = 2000
P = 5
MARGIN = -0.1
LOSS_W = 0.1
VOCAB = 30522
N_EDGES = 320000
B, L = 1024, 128


def setup_inputs(seed: int = 0):
    key = jax.random.key(seed)
    ks = jax.random.split(key, 10)
    input_ids = jax.random.randint(ks[0], (B, L), 0, VOCAB)
    attention_mask = jnp.ones((B, L), dtype=jnp.int32)
    labels = jax.random.randint(ks[1], (B,), 0, NUM_CLASSES)
    edge_index = jax.random.randint(ks[2], (2, N_EDGES), 0, NUM_NODES)
    enc_emb = jax.random.normal(ks[3], (VOCAB, HIDDEN), dtype=jnp.float32) * 0.02
    node_features = jax.random.normal(ks[4], (NUM_NODES, HIDDEN), dtype=jnp.float32) * 0.02
    W1 = jax.random.normal(ks[5], (HIDDEN, HIDDEN), dtype=jnp.float32) / np.sqrt(HIDDEN)
    b1 = jnp.zeros((HIDDEN,), dtype=jnp.float32)
    W2 = jax.random.normal(ks[6], (HIDDEN, HIDDEN), dtype=jnp.float32) / np.sqrt(HIDDEN)
    b2 = jnp.zeros((HIDDEN,), dtype=jnp.float32)
    return {"input_ids": input_ids, "attention_mask": attention_mask, "labels": labels,
            "edge_index": edge_index, "enc_emb": enc_emb, "node_features": node_features,
            "W1": W1, "b1": b1, "W2": W2, "b2": b2}


def gcn_conv(x, src, dst, W, b):
    # GCNConv with self-loops and symmetric normalization
    deg = jnp.zeros((NUM_NODES,), dtype=x.dtype).at[dst].add(1.0)
    dis = jnp.where(deg > 0, 1.0 / jnp.sqrt(jnp.maximum(deg, 1e-12)), 0.0)
    norm = dis[src] * dis[dst]
    h = x @ W
    msg = jnp.take(h, src, axis=0) * norm[:, None]
    out = jax.ops.segment_sum(msg, dst, num_segments=NUM_NODES)
    return out + b


def reference(input_ids, attention_mask, labels, edge_index, enc_emb, node_features, W1, b1, W2, b2):
    bsz = input_ids.shape[0]
    # encoder under no_grad: CLS-token embedding lookup stands in for last_hidden_state[:, 0]
    hidden = jax.lax.stop_gradient(jnp.take(enc_emb, input_ids[:, 0], axis=0))
    loops = jnp.arange(NUM_NODES)
    src = jnp.concatenate([edge_index[0], loops])
    dst = jnp.concatenate([edge_index[1], loops])
    x = node_features
    x = jax.nn.relu(gcn_conv(x, src, dst, W1, b1))
    x = jax.nn.relu(gcn_conv(x, src, dst, W2, b2))
    hn = hidden / jnp.maximum(jnp.linalg.norm(hidden, axis=1, keepdims=True), 1e-12)
    pn = x / jnp.maximum(jnp.linalg.norm(x, axis=1, keepdims=True), 1e-12)
    cos_sim = hn @ pn.T
    sim_scores = (1.0 + cos_sim) / 2.0
    sim_per_class = sim_scores.reshape(bsz, NUM_CLASSES, P)
    output = sim_per_class.max(axis=2)
    true_scores = output[jnp.arange(bsz), labels]
    pred_scores = output.max(axis=1)
    margin_values = true_scores - pred_scores
    mask = (margin_values > MARGIN).astype(output.dtype)
    nmask = mask.sum()
    lse = jax.nn.logsumexp(output, axis=1)
    ce_per = lse - true_scores
    ce_loss = jnp.sum(ce_per * mask) / jnp.maximum(nmask, 1.0)
    dispersion_loss = -(pn @ pn.T).mean()
    total_loss = ce_loss + LOSS_W * dispersion_loss
    total_loss = jnp.where(nmask == 0, jnp.zeros((), output.dtype), total_loss)
    return output, total_loss

if __name__ == "__main__":
    import jax
    _d = setup_inputs()
    print(jax.jit(kernel)(*tuple(_d.values())))

</pallas_src>

<mosaic_0001>
#map = affine_map<(d0, d1) -> (0, 0)>
module attributes {stable_mosaic.version = 14 : i64} {
  func.func @_sc_edge_scatter_body(%arg0: i32, %arg1: i32, %arg2: memref<10000x128xf32, #tpu.memory_space<hbm>>, %arg3: memref<2560x128xi32, #tpu.memory_space<hbm>>, %arg4: memref<2560x128xi32, #tpu.memory_space<hbm>>, %arg5: memref<20480x128xf32, #tpu.memory_space<hbm>>, %arg6: memref<16x128xi32, #tpu.memory_space<vmem>>, %arg7: memref<16x128xi32, #tpu.memory_space<vmem>>, %arg8: memref<128x128xf32, #tpu.memory_space<vmem>>, %arg9: memref<128x128xf32, #tpu.memory_space<vmem>>, %arg10: memref<10240x128xf32, #tpu.memory_space<vmem_shared>>, %arg11: memref<!tpu.dma_semaphore, #tpu.memory_space<semaphore_mem>>, %arg12: memref<!tpu.dma_semaphore, #tpu.memory_space<semaphore_mem>>) attributes {dimension_semantics = [#tpu.dimension_semantics<core_parallel>, #tpu.dimension_semantics<subcore_parallel>], iteration_bounds = array<i64: 2, 16>, scalar_prefetch = 0 : i64, scratch_operands = 7 : i64, tpu.core_type = #tpu.core_type<sc_vector_subcore>, window_params = [{transform_indices = #map}, {transform_indices = #map}, {transform_indices = #map}, {transform_indices = #map}]} {
    %mul3A = arith.constant 16 : i32
    %mul3A_0 = arith.muli %arg0, %mul3A : i32
    %add3A = arith.addi %mul3A_0, %arg1 : i32
    %scan3A = arith.constant 0 : i32
    %scan3A_1 = arith.constant 0 : i32
    %scan3A_2 = arith.constant 128 : i32
    %scan3A_3 = arith.addi %scan3A_1, %scan3A_2 : i32
    %scan3A_4 = arith.constant 1 : i32
    scf.for %scan3A_24 = %scan3A_1 to %scan3A_3 step %scan3A_4  : i32 {
      %broadcast_in_dim3A = arith.constant 0.000000e+00 : f32
      %broadcast_in_dim3A_25 = vector.broadcast %broadcast_in_dim3A : f32 to vector<16xf32>
      %swap3A = arith.index_cast %scan3A_24 : i32 to index
      %swap3A_26 = arith.constant 0 : index
      %swap3A_27 = tpu.vector_load %arg8[%swap3A, %swap3A_26] {strides = array<i32>} : memref<128x128xf32, #tpu.memory_space<vmem>>, vector<1x16xf32>,
      %swap3A_28 = vector.shape_cast %swap3A_27 : vector<1x16xf32> to vector<16xf32>
      %swap3A_29 = vector.shape_cast %broadcast_in_dim3A_25 : vector<16xf32> to vector<1x16xf32>
      tpu.vector_store %arg8[%swap3A, %swap3A_26], %swap3A_29 {strides = array<i32>} : memref<128x128xf32, #tpu.memory_space<vmem>>, vector<1x16xf32>,
      %broadcast_in_dim3A_30 = arith.constant 0.000000e+00 : f32
      %broadcast_in_dim3A_31 = vector.broadcast %broadcast_in_dim3A_30 : f32 to vector<16xf32>
      %swap3A_32 = arith.index_cast %scan3A_24 : i32 to index
      %swap3A_33 = arith.constant 16 : index
      %swap3A_34 = tpu.vector_load %arg8[%swap3A_32, %swap3A_33] {strides = array<i32>} : memref<128x128xf32, #tpu.memory_space<vmem>>, vector<1x16xf32>,
      %swap3A_35 = vector.shape_cast %swap3A_34 : vector<1x16xf32> to vector<16xf32>
      %swap3A_36 = vector.shape_cast %broadcast_in_dim3A_31 : vector<16xf32> to vector<1x16xf32>
      tpu.vector_store %arg8[%swap3A_32, %swap3A_33], %swap3A_36 {strides = array<i32>} : memref<128x128xf32, #tpu.memory_space<vmem>>, vector<1x16xf32>,
      %broadcast_in_dim3A_37 = arith.constant 0.000000e+00 : f32
      %broadcast_in_dim3A_38 = vector.broadcast %broadcast_in_dim3A_37 : f32 to vector<16xf32>
      %swap3A_39 = arith.index_cast %scan3A_24 : i32 to index
      %swap3A_40 = arith.constant 32 : index
      %swap3A_41 = tpu.vector_load %arg8[%swap3A_39, %swap3A_40] {strides = array<i32>} : memref<128x128xf32, #tpu.memory_space<vmem>>, vector<1x16xf32>,
      %swap3A_42 = vector.shape_cast %swap3A_41 : vector<1x16xf32> to vector<16xf32>
      %swap3A_43 = vector.shape_cast %broadcast_in_dim3A_38 : vector<16xf32> to vector<1x16xf32>
      tpu.vector_store %arg8[%swap3A_39, %swap3A_40], %swap3A_43 {strides = array<i32>} : memref<128x128xf32, #tpu.memory_space<vmem>>, vector<1x16xf32>,
      %broadcast_in_dim3A_44 = arith.constant 0.000000e+00 : f32
      %broadcast_in_dim3A_45 = vector.broadcast %broadcast_in_dim3A_44 : f32 to vector<16xf32>
      %swap3A_46 = arith.index_cast %scan3A_24 : i32 to index
      %swap3A_47 = arith.constant 48 : index
      %swap3A_48 = tpu.vector_load %arg8[%swap3A_46, %swap3A_47] {strides = array<i32>} : memref<128x128xf32, #tpu.memory_space<vmem>>, vector<1x16xf32>,
      %swap3A_49 = vector.shape_cast %swap3A_48 : vector<1x16xf32> to vector<16xf32>
      %swap3A_50 = vector.shape_cast %broadcast_in_dim3A_45 : vector<16xf32> to vector<1x16xf32>
      tpu.vector_store %arg8[%swap3A_46, %swap3A_47], %swap3A_50 {strides = array<i32>} : memref<128x128xf32, #tpu.memory_space<vmem>>, vector<1x16xf32>,
      %broadcast_in_dim3A_51 = arith.constant 0.000000e+00 : f32
      %broadcast_in_dim3A_52 = vector.broadcast %broadcast_in_dim3A_51 : f32 to vector<16xf32>
      %swap3A_53 = arith.index_cast %scan3A_24 : i32 to index
      %swap3A_54 = arith.constant 64 : index
      %swap3A_55 = tpu.vector_load %arg8[%swap3A_53, %swap3A_54] {strides = array<i32>} : memref<128x128xf32, #tpu.memory_space<vmem>>, vector<1x16xf32>,
      %swap3A_56 = vector.shape_cast %swap3A_55 : vector<1x16xf32> to vector<16xf32>
      %swap3A_57 = vector.shape_cast %broadcast_in_dim3A_52 : vector<16xf32> to vector<1x16xf32>
      tpu.vector_store %arg8[%swap3A_53, %swap3A_54], %swap3A_57 {strides = array<i32>} : memref<128x128xf32, #tpu.memory_space<vmem>>, vector<1x16xf32>,
      %broadcast_in_dim3A_58 = arith.constant 0.000000e+00 : f32
      %broadcast_in_dim3A_59 = vector.broadcast %broadcast_in_dim3A_58 : f32 to vector<16xf32>
      %swap3A_60 = arith.index_cast %scan3A_24 : i32 to index
      %swap3A_61 = arith.constant 80 : index
      %swap3A_62 = tpu.vector_load %arg8[%swap3A_60, %swap3A_61] {strides = array<i32>} : memref<128x128xf32, #tpu.memory_space<vmem>>, vector<1x16xf32>,
      %swap3A_63 = vector.shape_cast %swap3A_62 : vector<1x16xf32> to vector<16xf32>
      %swap3A_64 = vector.shape_cast %broadcast_in_dim3A_59 : vector<16xf32> to vector<1x16xf32>
      tpu.vector_store %arg8[%swap3A_60, %swap3A_61], %swap3A_64 {strides = array<i32>} : memref<128x128xf32, #tpu.memory_space<vmem>>, vector<1x16xf32>,
      %broadcast_in_dim3A_65 = arith.constant 0.000000e+00 : f32
      %broadcast_in_dim3A_66 = vector.broadcast %broadcast_in_dim3A_65 : f32 to vector<16xf32>
      %swap3A_67 = arith.index_cast %scan3A_24 : i32 to index
      %swap3A_68 = arith.constant 96 : index
      %swap3A_69 = tpu.vector_load %arg8[%swap3A_67, %swap3A_68] {strides = array<i32>} : memref<128x128xf32, #tpu.memory_space<vmem>>, vector<1x16xf32>,
      %swap3A_70 = vector.shape_cast %swap3A_69 : vector<1x16xf32> to vector<16xf32>
      %swap3A_71 = vector.shape_cast %broadcast_in_dim3A_66 : vector<16xf32> to vector<1x16xf32>
      tpu.vector_store %arg8[%swap3A_67, %swap3A_68], %swap3A_71 {strides = array<i32>} : memref<128x128xf32, #tpu.memory_space<vmem>>, vector<1x16xf32>,
      %broadcast_in_dim3A_72 = arith.constant 0.000000e+00 : f32
      %broadcast_in_dim3A_73 = vector.broadcast %broadcast_in_dim3A_72 : f32 to vector<16xf32>
      %swap3A_74 = arith.index_cast %scan3A_24 : i32 to index
      %swap3A_75 = arith.constant 112 : index
      %swap3A_76 = tpu.vector_load %arg8[%swap3A_74, %swap3A_75] {strides = array<i32>} : memref<128x128xf32, #tpu.memory_space<vmem>>, vector<1x16xf32>,
      %swap3A_77 = vector.shape_cast %swap3A_76 : vector<1x16xf32> to vector<16xf32>
      %swap3A_78 = vector.shape_cast %broadcast_in_dim3A_73 : vector<16xf32> to vector<1x16xf32>
      tpu.vector_store %arg8[%swap3A_74, %swap3A_75], %swap3A_78 {strides = array<i32>} : memref<128x128xf32, #tpu.memory_space<vmem>>, vector<1x16xf32>,
    }
    %scan3A_5 = arith.constant 128 : i32
    %mul3A_6 = arith.constant 640 : i32
    %mul3A_7 = arith.muli %arg1, %mul3A_6 : i32
    %scan3A_8 = arith.constant 0 : i32
    %scan3A_9 = arith.constant 0 : i32
    %scan3A_10 = arith.constant 5 : i32
    %scan3A_11 = arith.addi %scan3A_9, %scan3A_10 : i32
    %scan3A_12 = arith.constant 1 : i32
    scf.for %scan3A_24 = %scan3A_9 to %scan3A_11 step %scan3A_12  : i32 {
      %mul3A_25 = arith.constant 128 : i32
      %mul3A_26 = arith.muli %scan3A_24, %mul3A_25 : i32
      %add3A_27 = arith.addi %mul3A_7, %mul3A_26 : i32
      "tpu.region"() ({
        %run_scoped3A = tpu.sem_alloc : memref<!tpu.dma_semaphore, #tpu.memory_space<semaphore_mem>>
        %dma_start3A = arith.constant 0 : i32
        %dma_start3A_28 = tpu.memref_slice %arg10[%add3A_27, %dma_start3A] : memref<10240x128xf32, #tpu.memory_space<vmem_shared>> -> memref<128x128xf32, #tpu.memory_space<vmem_shared>>
        %dma_start3A_29 = arith.constant 0 : i32
        %dma_start3A_30 = tpu.memref_slice %arg10[%add3A_27, %dma_start3A_29] : memref<10240x128xf32, #tpu.memory_space<vmem_shared>> -> memref<128x128xf32, #tpu.memory_space<vmem_shared>>
        tpu.enqueue_dma source(%arg8 : memref<128x128xf32, #tpu.memory_space<vmem>>) target(%dma_start3A_30 : memref<128x128xf32, #tpu.memory_space<vmem_shared>>) target_semaphore(%run_scoped3A : memref<!tpu.dma_semaphore, #tpu.memory_space<semaphore_mem>>)
        %dma_wait3A = arith.constant 0 : i32
        %dma_wait3A_31 = tpu.memref_slice %arg10[%add3A_27, %dma_wait3A] : memref<10240x128xf32, #tpu.memory_space<vmem_shared>> -> memref<128x128xf32, #tpu.memory_space<vmem_shared>>
        %dma_wait3A_32 = arith.constant 0 : i32
        %dma_wait3A_33 = tpu.memref_slice %arg10[%add3A_27, %dma_wait3A_32] : memref<10240x128xf32, #tpu.memory_space<vmem_shared>> -> memref<128x128xf32, #tpu.memory_space<vmem_shared>>
        tpu.wait_dma2 semaphore(%run_scoped3A : memref<!tpu.dma_semaphore, #tpu.memory_space<semaphore_mem>>) src(%arg8 : memref<128x128xf32, #tpu.memory_space<vmem>>) dst(%dma_wait3A_33 : memref<128x128xf32, #tpu.memory_space<vmem_shared>>)
        tpu.yield
      }) : () -> ()
    }
    %scan3A_13 = arith.constant 5 : i32
    %barrier3A = arith.constant 0 : index
    tpu.barrier barrier_id(%barrier3A)
    %scan3A_14 = arith.constant 0 : i32
    %scan3A_15 = arith.constant 0 : i32
    %scan3A_16 = arith.constant 5 : i32
    %scan3A_17 = arith.addi %scan3A_15, %scan3A_16 : i32
    %scan3A_18 = arith.constant 1 : i32
    scf.for %scan3A_24 = %scan3A_15 to %scan3A_17 step %scan3A_18  : i32 {
      %mul3A_25 = arith.constant 80 : i32
      %mul3A_26 = arith.muli %add3A, %mul3A_25 : i32
      %mul3A_27 = arith.constant 16 : i32
      %mul3A_28 = arith.muli %scan3A_24, %mul3A_27 : i32
      %add3A_29 = arith.addi %mul3A_26, %mul3A_28 : i32
      "tpu.region"() ({
        %run_scoped3A = tpu.sem_alloc : memref<!tpu.dma_semaphore, #tpu.memory_space<semaphore_mem>>
        %dma_start3A_42 = arith.constant 0 : i32
        %dma_start3A_43 = tpu.memref_slice %arg3[%add3A_29, %dma_start3A_42] : memref<2560x128xi32, #tpu.memory_space<hbm>> -> memref<16x128xi32, #tpu.memory_space<hbm>>
        %dma_start3A_44 = arith.constant 0 : i32
        %dma_start3A_45 = tpu.memref_slice %arg3[%add3A_29, %dma_start3A_44] : memref<2560x128xi32, #tpu.memory_space<hbm>> -> memref<16x128xi32, #tpu.memory_space<hbm>>
        tpu.enqueue_dma source(%dma_start3A_45 : memref<16x128xi32, #tpu.memory_space<hbm>>) target(%arg6 : memref<16x128xi32, #tpu.memory_space<vmem>>) target_semaphore(%run_scoped3A : memref<!tpu.dma_semaphore, #tpu.memory_space<semaphore_mem>>)
        %dma_wait3A = arith.constant 0 : i32
        %dma_wait3A_46 = tpu.memref_slice %arg3[%add3A_29, %dma_wait3A] : memref<2560x128xi32, #tpu.memory_space<hbm>> -> memref<16x128xi32, #tpu.memory_space<hbm>>
        %dma_wait3A_47 = arith.constant 0 : i32
        %dma_wait3A_48 = tpu.memref_slice %arg3[%add3A_29, %dma_wait3A_47] : memref<2560x128xi32, #tpu.memory_space<hbm>> -> memref<16x128xi32, #tpu.memory_space<hbm>>
        tpu.wait_dma2 semaphore(%run_scoped3A : memref<!tpu.dma_semaphore, #tpu.memory_space<semaphore_mem>>) src(%dma_wait3A_48 : memref<16x128xi32, #tpu.memory_space<hbm>>) dst(%arg6 : memref<16x128xi32, #tpu.memory_space<vmem>>)
        tpu.yield
      }) : () -> ()
      "tpu.region"() ({
        %run_scoped3A = tpu.sem_alloc : memref<!tpu.dma_semaphore, #tpu.memory_space<semaphore_mem>>
        %dma_start3A_42 = arith.constant 0 : i32
        %dma_start3A_43 = tpu.memref_slice %arg4[%add3A_29, %dma_start3A_42] : memref<2560x128xi32, #tpu.memory_space<hbm>> -> memref<16x128xi32, #tpu.memory_space<hbm>>
        %dma_start3A_44 = arith.constant 0 : i32
        %dma_start3A_45 = tpu.memref_slice %arg4[%add3A_29, %dma_start3A_44] : memref<2560x128xi32, #tpu.memory_space<hbm>> -> memref<16x128xi32, #tpu.memory_space<hbm>>
        tpu.enqueue_dma source(%dma_start3A_45 : memref<16x128xi32, #tpu.memory_space<hbm>>) target(%arg7 : memref<16x128xi32, #tpu.memory_space<vmem>>) target_semaphore(%run_scoped3A : memref<!tpu.dma_semaphore, #tpu.memory_space<semaphore_mem>>)
        %dma_wait3A = arith.constant 0 : i32
        %dma_wait3A_46 = tpu.memref_slice %arg4[%add3A_29, %dma_wait3A] : memref<2560x128xi32, #tpu.memory_space<hbm>> -> memref<16x128xi32, #tpu.memory_space<hbm>>
        %dma_wait3A_47 = arith.constant 0 : i32
        %dma_wait3A_48 = tpu.memref_slice %arg4[%add3A_29, %dma_wait3A_47] : memref<2560x128xi32, #tpu.memory_space<hbm>> -> memref<16x128xi32, #tpu.memory_space<hbm>>
        tpu.wait_dma2 semaphore(%run_scoped3A : memref<!tpu.dma_semaphore, #tpu.memory_space<semaphore_mem>>) src(%dma_wait3A_48 : memref<16x128xi32, #tpu.memory_space<hbm>>) dst(%arg7 : memref<16x128xi32, #tpu.memory_space<vmem>>)
        tpu.yield
      }) : () -> ()
      %dma_start3A = arith.constant 0 : i32
      %dma_start3A_30 = arith.constant 0 : i32
      %dma_start3A_31 = tpu.memref_slice %arg6[%dma_start3A, %dma_start3A_30] : memref<16x128xi32, #tpu.memory_space<vmem>> -> memref<1x128xi32, #tpu.memory_space<vmem>>
      %dma_start3A_32 = tpu.memref_squeeze %dma_start3A_31 : memref<1x128xi32, #tpu.memory_space<vmem>> -> memref<128xi32, #tpu.memory_space<vmem>>
      %dma_start3A_33 = arith.constant 0 : i32
      %dma_start3A_34 = arith.constant 0 : i32
      %dma_start3A_35 = tpu.memref_slice %arg2[%dma_start3A_33, %dma_start3A_34] : memref<10000x128xf32, #tpu.memory_space<hbm>> -> memref<10000x128xf32, #tpu.memory_space<hbm>>
      tpu.enqueue_indirect_dma source(%dma_start3A_35 : memref<10000x128xf32, #tpu.memory_space<hbm>>) target(%arg8 : memref<128x128xf32, #tpu.memory_space<vmem>>) offsets(%dma_start3A_32 : memref<128xi32, #tpu.memory_space<vmem>>) semaphore(%arg11 : memref<!tpu.dma_semaphore, #tpu.memory_space<semaphore_mem>>)
      %scan3A_36 = arith.constant 0 : i32
      %scan3A_37 = arith.constant 0 : i32
      %scan3A_38 = arith.constant 8 : i32
      %scan3A_39 = arith.addi %scan3A_37, %scan3A_38 : i32
      %scan3A_40 = arith.constant 1 : i32
      scf.for %scan3A_42 = %scan3A_37 to %scan3A_39 step %scan3A_40  : i32 {
        %mul3A_43 = arith.constant 2 : i32
        %mul3A_44 = arith.muli %mul3A_43, %scan3A_42 : i32
        %add3A_45 = arith.constant 1 : i32
        %add3A_46 = arith.addi %mul3A_44, %add3A_45 : i32
        %dma_start3A_47 = arith.constant 0 : i32
        %dma_start3A_48 = tpu.memref_slice %arg6[%add3A_46, %dma_start3A_47] : memref<16x128xi32, #tpu.memory_space<vmem>> -> memref<1x128xi32, #tpu.memory_space<vmem>>
        %dma_start3A_49 = tpu.memref_squeeze %dma_start3A_48 : memref<1x128xi32, #tpu.memory_space<vmem>> -> memref<128xi32, #tpu.memory_space<vmem>>
        %dma_start3A_50 = arith.constant 0 : i32
        %dma_start3A_51 = arith.constant 0 : i32
        %dma_start3A_52 = tpu.memref_slice %arg2[%dma_start3A_50, %dma_start3A_51] : memref<10000x128xf32, #tpu.memory_space<hbm>> -> memref<10000x128xf32, #tpu.memory_space<hbm>>
        tpu.enqueue_indirect_dma source(%dma_start3A_52 : memref<10000x128xf32, #tpu.memory_space<hbm>>) target(%arg9 : memref<128x128xf32, #tpu.memory_space<vmem>>) offsets(%dma_start3A_49 : memref<128xi32, #tpu.memory_space<vmem>>) semaphore(%arg12 : memref<!tpu.dma_semaphore, #tpu.memory_space<semaphore_mem>>)
        %dma_wait3A = arith.constant 0 : i32
        %dma_wait3A_53 = tpu.memref_slice %arg6[%mul3A_44, %dma_wait3A] : memref<16x128xi32, #tpu.memory_space<vmem>> -> memref<1x128xi32, #tpu.memory_space<vmem>>
        %dma_wait3A_54 = tpu.memref_squeeze %dma_wait3A_53 : memref<1x128xi32, #tpu.memory_space<vmem>> -> memref<128xi32, #tpu.memory_space<vmem>>
        %dma_wait3A_55 = arith.constant 0 : i32
        %dma_wait3A_56 = arith.constant 0 : i32
        %dma_wait3A_57 = tpu.memref_slice %arg2[%dma_wait3A_55, %dma_wait3A_56] : memref<10000x128xf32, #tpu.memory_space<hbm>> -> memref<10000x128xf32, #tpu.memory_space<hbm>>
        tpu.wait_indirect_dma semaphore(%arg11 : memref<!tpu.dma_semaphore, #tpu.memory_space<semaphore_mem>>) src(%dma_wait3A_57 : memref<10000x128xf32, #tpu.memory_space<hbm>>) dst(%arg8 : memref<128x128xf32, #tpu.memory_space<vmem>>)
        "tpu.region"() ({
          %run_scoped3A = tpu.sem_alloc : memref<!tpu.dma_semaphore, #tpu.memory_space<semaphore_mem>>
          %dma_start3A_70 = arith.constant 0 : i32
          %dma_start3A_71 = tpu.memref_slice %arg7[%mul3A_44, %dma_start3A_70] : memref<16x128xi32, #tpu.memory_space<vmem>> -> memref<1x128xi32, #tpu.memory_space<vmem>>
          %dma_start3A_72 = tpu.memref_squeeze %dma_start3A_71 : memref<1x128xi32, #tpu.memory_space<vmem>> -> memref<128xi32, #tpu.memory_space<vmem>>
          %dma_start3A_73 = arith.constant 0 : i32
          %dma_start3A_74 = arith.constant 0 : i32
          %dma_start3A_75 = tpu.memref_slice %arg10[%dma_start3A_73, %dma_start3A_74] : memref<10240x128xf32, #tpu.memory_space<vmem_shared>> -> memref<10240x128xf32, #tpu.memory_space<vmem_shared>>
          tpu.enqueue_indirect_dma source(%arg8 : memref<128x128xf32, #tpu.memory_space<vmem>>) target(%dma_start3A_75 : memref<10240x128xf32, #tpu.memory_space<vmem_shared>>) offsets(%dma_start3A_72 : memref<128xi32, #tpu.memory_space<vmem>>) semaphore(%run_scoped3A : memref<!tpu.dma_semaphore, #tpu.memory_space<semaphore_mem>>) {add = true}
          %dma_wait3A_76 = arith.constant 0 : i32
          %dma_wait3A_77 = tpu.memref_slice %arg7[%mul3A_44, %dma_wait3A_76] : memref<16x128xi32, #tpu.memory_space<vmem>> -> memref<1x128xi32, #tpu.memory_space<vmem>>
          %dma_wait3A_78 = tpu.memref_squeeze %dma_wait3A_77 : memref<1x128xi32, #tpu.memory_space<vmem>> -> memref<128xi32, #tpu.memory_space<vmem>>
          %dma_wait3A_79 = arith.constant 0 : i32
          %dma_wait3A_80 = arith.constant 0 : i32
          %dma_wait3A_81 = tpu.memref_slice %arg10[%dma_wait3A_79, %dma_wait3A_80] : memref<10240x128xf32, #tpu.memory_space<vmem_shared>> -> memref<10240x128xf32, #tpu.memory_space<vmem_shared>>
          tpu.wait_indirect_dma semaphore(%run_scoped3A : memref<!tpu.dma_semaphore, #tpu.memory_space<semaphore_mem>>) src(%arg8 : memref<128x128xf32, #tpu.memory_space<vmem>>) dst(%dma_wait3A_81 : memref<10240x128xf32, #tpu.memory_space<vmem_shared>>)
          tpu.yield
        }) : () -> ()
        %lt3A = arith.constant 7 : i32
        %lt3A_58 = arith.cmpi slt, %scan3A_42, %lt3A : i32
        %convert_element_type3A = arith.extui %lt3A_58 : i1 to i32
        %cond3A = arith.constant 0 : i32
        %cond3A_59 = arith.cmpi ne, %convert_element_type3A, %cond3A : i32
        scf.if %cond3A_59 {
          %add3A_70 = arith.constant 2 : i32
          %add3A_71 = arith.addi %mul3A_44, %add3A_70 : i32
          %dma_start3A_72 = arith.constant 0 : i32
          %dma_start3A_73 = tpu.memref_slice %arg6[%add3A_71, %dma_start3A_72] : memref<16x128xi32, #tpu.memory_space<vmem>> -> memref<1x128xi32, #tpu.memory_space<vmem>>
          %dma_start3A_74 = tpu.memref_squeeze %dma_start3A_73 : memref<1x128xi32, #tpu.memory_space<vmem>> -> memref<128xi32, #tpu.memory_space<vmem>>
          %dma_start3A_75 = arith.constant 0 : i32
          %dma_start3A_76 = arith.constant 0 : i32
          %dma_start3A_77 = tpu.memref_slice %arg2[%dma_start3A_75, %dma_start3A_76] : memref<10000x128xf32, #tpu.memory_space<hbm>> -> memref<10000x128xf32, #tpu.memory_space<hbm>>
          tpu.enqueue_indirect_dma source(%dma_start3A_77 : memref<10000x128xf32, #tpu.memory_space<hbm>>) target(%arg8 : memref<128x128xf32, #tpu.memory_space<vmem>>) offsets(%dma_start3A_74 : memref<128xi32, #tpu.memory_space<vmem>>) semaphore(%arg11 : memref<!tpu.dma_semaphore, #tpu.memory_space<semaphore_mem>>)
        } else {
        }
        %add3A_60 = arith.constant 1 : i32
        %add3A_61 = arith.addi %mul3A_44, %add3A_60 : i32
        %dma_wait3A_62 = arith.constant 0 : i32
        %dma_wait3A_63 = tpu.memref_slice %arg6[%add3A_61, %dma_wait3A_62] : memref<16x128xi32, #tpu.memory_space<vmem>> -> memref<1x128xi32, #tpu.memory_space<vmem>>
        %dma_wait3A_64 = tpu.memref_squeeze %dma_wait3A_63 : memref<1x128xi32, #tpu.memory_space<vmem>> -> memref<128xi32, #tpu.memory_space<vmem>>
        %dma_wait3A_65 = arith.constant 0 : i32
        %dma_wait3A_66 = arith.constant 0 : i32
        %dma_wait3A_67 = tpu.memref_slice %arg2[%dma_wait3A_65, %dma_wait3A_66] : memref<10000x128xf32, #tpu.memory_space<hbm>> -> memref<10000x128xf32, #tpu.memory_space<hbm>>
        tpu.wait_indirect_dma semaphore(%arg12 : memref<!tpu.dma_semaphore, #tpu.memory_space<semaphore_mem>>) src(%dma_wait3A_67 : memref<10000x128xf32, #tpu.memory_space<hbm>>) dst(%arg9 : memref<128x128xf32, #tpu.memory_space<vmem>>)
        %add3A_68 = arith.constant 1 : i32
        %add3A_69 = arith.addi %mul3A_44, %add3A_68 : i32
        "tpu.region"() ({
          %run_scoped3A = tpu.sem_alloc : memref<!tpu.dma_semaphore, #tpu.memory_space<semaphore_mem>>
          %dma_start3A_70 = arith.constant 0 : i32
          %dma_start3A_71 = tpu.memref_slice %arg7[%add3A_69, %dma_start3A_70] : memref<16x128xi32, #tpu.memory_space<vmem>> -> memref<1x128xi32, #tpu.memory_space<vmem>>
          %dma_start3A_72 = tpu.memref_squeeze %dma_start3A_71 : memref<1x128xi32, #tpu.memory_space<vmem>> -> memref<128xi32, #tpu.memory_space<vmem>>
          %dma_start3A_73 = arith.constant 0 : i32
          %dma_start3A_74 = arith.constant 0 : i32
          %dma_start3A_75 = tpu.memref_slice %arg10[%dma_start3A_73, %dma_start3A_74] : memref<10240x128xf32, #tpu.memory_space<vmem_shared>> -> memref<10240x128xf32, #tpu.memory_space<vmem_shared>>
          tpu.enqueue_indirect_dma source(%arg9 : memref<128x128xf32, #tpu.memory_space<vmem>>) target(%dma_start3A_75 : memref<10240x128xf32, #tpu.memory_space<vmem_shared>>) offsets(%dma_start3A_72 : memref<128xi32, #tpu.memory_space<vmem>>) semaphore(%run_scoped3A : memref<!tpu.dma_semaphore, #tpu.memory_space<semaphore_mem>>) {add = true}
          %dma_wait3A_76 = arith.constant 0 : i32
          %dma_wait3A_77 = tpu.memref_slice %arg7[%add3A_69, %dma_wait3A_76] : memref<16x128xi32, #tpu.memory_space<vmem>> -> memref<1x128xi32, #tpu.memory_space<vmem>>
          %dma_wait3A_78 = tpu.memref_squeeze %dma_wait3A_77 : memref<1x128xi32, #tpu.memory_space<vmem>> -> memref<128xi32, #tpu.memory_space<vmem>>
          %dma_wait3A_79 = arith.constant 0 : i32
          %dma_wait3A_80 = arith.constant 0 : i32
          %dma_wait3A_81 = tpu.memref_slice %arg10[%dma_wait3A_79, %dma_wait3A_80] : memref<10240x128xf32, #tpu.memory_space<vmem_shared>> -> memref<10240x128xf32, #tpu.memory_space<vmem_shared>>
          tpu.wait_indirect_dma semaphore(%run_scoped3A : memref<!tpu.dma_semaphore, #tpu.memory_space<semaphore_mem>>) src(%arg9 : memref<128x128xf32, #tpu.memory_space<vmem>>) dst(%dma_wait3A_81 : memref<10240x128xf32, #tpu.memory_space<vmem_shared>>)
          tpu.yield
        }) : () -> ()
      }
      %scan3A_41 = arith.constant 8 : i32
    }
    %scan3A_19 = arith.constant 5 : i32
    %barrier3A_20 = arith.constant 0 : index
    tpu.barrier barrier_id(%barrier3A_20)
    %mul3A_21 = arith.constant 10240 : i32
    %mul3A_22 = arith.muli %arg0, %mul3A_21 : i32
    %add3A_23 = arith.addi %mul3A_22, %mul3A_7 : i32
    "tpu.region"() ({
      %run_scoped3A = tpu.sem_alloc : memref<!tpu.dma_semaphore, #tpu.memory_space<semaphore_mem>>
      %dma_start3A = arith.constant 0 : i32
      %dma_start3A_24 = tpu.memref_slice %arg5[%add3A_23, %dma_start3A] : memref<20480x128xf32, #tpu.memory_space<hbm>> -> memref<640x128xf32, #tpu.memory_space<hbm>>
      %dma_start3A_25 = arith.constant 0 : i32
      %dma_start3A_26 = tpu.memref_slice %arg10[%mul3A_7, %dma_start3A_25] : memref<10240x128xf32, #tpu.memory_space<vmem_shared>> -> memref<640x128xf32, #tpu.memory_space<vmem_shared>>
      tpu.enqueue_dma source(%dma_start3A_26 : memref<640x128xf32, #tpu.memory_space<vmem_shared>>) target(%dma_start3A_24 : memref<640x128xf32, #tpu.memory_space<hbm>>) target_semaphore(%run_scoped3A : memref<!tpu.dma_semaphore, #tpu.memory_space<semaphore_mem>>)
      %dma_wait3A = arith.constant 0 : i32
      %dma_wait3A_27 = tpu.memref_slice %arg5[%add3A_23, %dma_wait3A] : memref<20480x128xf32, #tpu.memory_space<hbm>> -> memref<640x128xf32, #tpu.memory_space<hbm>>
      %dma_wait3A_28 = arith.constant 0 : i32
      %dma_wait3A_29 = tpu.memref_slice %arg10[%mul3A_7, %dma_wait3A_28] : memref<10240x128xf32, #tpu.memory_space<vmem_shared>> -> memref<640x128xf32, #tpu.memory_space<vmem_shared>>
      tpu.wait_dma2 semaphore(%run_scoped3A : memref<!tpu.dma_semaphore, #tpu.memory_space<semaphore_mem>>) src(%dma_wait3A_29 : memref<640x128xf32, #tpu.memory_space<vmem_shared>>) dst(%dma_wait3A_27 : memref<640x128xf32, #tpu.memory_space<hbm>>)
      tpu.yield
    }) : () -> ()
    return
  }
}

#map = affine_map<(d0, d1) -> (0, 0)>
#map1 = affine_map<(d0, d1) -> (0)>
module attributes {stable_mosaic.version = 14 : i64} {
  func.func @_sc_deg_emb_body(%arg0: i32, %arg1: i32, %arg2: memref<2560x128xi32, #tpu.memory_space<hbm>>, %arg3: memref<128x128xf32, #tpu.memory_space<hbm>>, %arg4: memref<1024xi32, #tpu.memory_space<hbm>>, %arg5: memref<30522x128xf32, #tpu.memory_space<hbm>>, %arg6: memref<20480x128xf32, #tpu.memory_space<hbm>>, %arg7: memref<1024x128xf32, #tpu.memory_space<hbm>>, %arg8: memref<80x128xi32, #tpu.memory_space<vmem>>, %arg9: memref<128x128xf32, #tpu.memory_space<vmem>>, %arg10: memref<32xi32, #tpu.memory_space<vmem>>, %arg11: memref<32x128xf32, #tpu.memory_space<vmem>>, %arg12: memref<10240x128xf32, #tpu.memory_space<vmem_shared>>, %arg13: memref<!tpu.dma_semaphore, #tpu.memory_space<semaphore_mem>>) attributes {dimension_semantics = [#tpu.dimension_semantics<core_parallel>, #tpu.dimension_semantics<subcore_parallel>], iteration_bounds = array<i64: 2, 16>, scalar_prefetch = 0 : i64, scratch_operands = 6 : i64, tpu.core_type = #tpu.core_type<sc_vector_subcore>, window_params = [{transform_indices = #map}, {transform_indices = #map}, {transform_indices = #map1}, {transform_indices = #map}, {transform_indices = #map}, {transform_indices = #map}]} {
    %mul3A = arith.constant 16 : i32
    %mul3A_0 = arith.muli %arg0, %mul3A : i32
    %add3A = arith.addi %mul3A_0, %arg1 : i32
    %mul3A_1 = arith.constant 32 : i32
    %mul3A_2 = arith.muli %add3A, %mul3A_1 : i32
    "tpu.region"() ({
      %run_scoped3A = tpu.sem_alloc : memref<!tpu.dma_semaphore, #tpu.memory_space<semaphore_mem>>
      %dma_start3A_34 = tpu.memref_slice %arg4[%mul3A_2] : memref<1024xi32, #tpu.memory_space<hbm>> -> memref<32xi32, #tpu.memory_space<hbm>>
      %dma_start3A_35 = tpu.memref_slice %arg4[%mul3A_2] : memref<1024xi32, #tpu.memory_space<hbm>> -> memref<32xi32, #tpu.memory_space<hbm>>
      tpu.enqueue_dma source(%dma_start3A_35 : memref<32xi32, #tpu.memory_space<hbm>>) target(%arg10 : memref<32xi32, #tpu.memory_space<vmem>>) target_semaphore(%run_scoped3A : memref<!tpu.dma_semaphore, #tpu.memory_space<semaphore_mem>>)
      %dma_wait3A_36 = tpu.memref_slice %arg4[%mul3A_2] : memref<1024xi32, #tpu.memory_space<hbm>> -> memref<32xi32, #tpu.memory_space<hbm>>
      %dma_wait3A_37 = tpu.memref_slice %arg4[%mul3A_2] : memref<1024xi32, #tpu.memory_space<hbm>> -> memref<32xi32, #tpu.memory_space<hbm>>
      tpu.wait_dma2 semaphore(%run_scoped3A : memref<!tpu.dma_semaphore, #tpu.memory_space<semaphore_mem>>) src(%dma_wait3A_37 : memref<32xi32, #tpu.memory_space<hbm>>) dst(%arg10 : memref<32xi32, #tpu.memory_space<vmem>>)
      tpu.yield
    }) : () -> ()
    %dma_start3A = arith.constant 0 : i32
    %dma_start3A_3 = arith.constant 0 : i32
    %dma_start3A_4 = tpu.memref_slice %arg5[%dma_start3A, %dma_start3A_3] : memref<30522x128xf32, #tpu.memory_space<hbm>> -> memref<30522x128xf32, #tpu.memory_space<hbm>>
    tpu.enqueue_indirect_dma source(%dma_start3A_4 : memref<30522x128xf32, #tpu.memory_space<hbm>>) target(%arg11 : memref<32x128xf32, #tpu.memory_space<vmem>>) offsets(%arg10 : memref<32xi32, #tpu.memory_space<vmem>>) semaphore(%arg13 : memref<!tpu.dma_semaphore, #tpu.memory_space<semaphore_mem>>)
    %dma_wait3A = arith.constant 0 : i32
    %dma_wait3A_5 = arith.constant 0 : i32
    %dma_wait3A_6 = tpu.memref_slice %arg5[%dma_wait3A, %dma_wait3A_5] : memref<30522x128xf32, #tpu.memory_space<hbm>> -> memref<30522x128xf32, #tpu.memory_space<hbm>>
    tpu.wait_indirect_dma semaphore(%arg13 : memref<!tpu.dma_semaphore, #tpu.memory_space<semaphore_mem>>) src(%dma_wait3A_6 : memref<30522x128xf32, #tpu.memory_space<hbm>>) dst(%arg11 : memref<32x128xf32, #tpu.memory_space<vmem>>)
    %mul3A_7 = arith.constant 32 : i32
    %mul3A_8 = arith.muli %add3A, %mul3A_7 : i32
    "tpu.region"() ({
      %run_scoped3A = tpu.sem_alloc : memref<!tpu.dma_semaphore, #tpu.memory_space<semaphore_mem>>
      %dma_start3A_34 = arith.constant 0 : i32
      %dma_start3A_35 = tpu.memref_slice %arg7[%mul3A_8, %dma_start3A_34] : memref<1024x128xf32, #tpu.memory_space<hbm>> -> memref<32x128xf32, #tpu.memory_space<hbm>>
      %dma_start3A_36 = arith.constant 0 : i32
      %dma_start3A_37 = tpu.memref_slice %arg7[%mul3A_8, %dma_start3A_36] : memref<1024x128xf32, #tpu.memory_space<hbm>> -> memref<32x128xf32, #tpu.memory_space<hbm>>
      tpu.enqueue_dma source(%arg11 : memref<32x128xf32, #tpu.memory_space<vmem>>) target(%dma_start3A_37 : memref<32x128xf32, #tpu.memory_space<hbm>>) target_semaphore(%run_scoped3A : memref<!tpu.dma_semaphore, #tpu.memory_space<semaphore_mem>>)
      %dma_wait3A_38 = arith.constant 0 : i32
      %dma_wait3A_39 = tpu.memref_slice %arg7[%mul3A_8, %dma_wait3A_38] : memref<1024x128xf32, #tpu.memory_space<hbm>> -> memref<32x128xf32, #tpu.memory_space<hbm>>
      %dma_wait3A_40 = arith.constant 0 : i32
      %dma_wait3A_41 = tpu.memref_slice %arg7[%mul3A_8, %dma_wait3A_40] : memref<1024x128xf32, #tpu.memory_space<hbm>> -> memref<32x128xf32, #tpu.memory_space<hbm>>
      tpu.wait_dma2 semaphore(%run_scoped3A : memref<!tpu.dma_semaphore, #tpu.memory_space<semaphore_mem>>) src(%arg11 : memref<32x128xf32, #tpu.memory_space<vmem>>) dst(%dma_wait3A_41 : memref<32x128xf32, #tpu.memory_space<hbm>>)
      tpu.yield
    }) : () -> ()
    %mul3A_9 = arith.constant 80 : i32
    %mul3A_10 = arith.muli %add3A, %mul3A_9 : i32
    "tpu.region"() ({
      %run_scoped3A = tpu.sem_alloc : memref<!tpu.dma_semaphore, #tpu.memory_space<semaphore_mem>>
      %dma_start3A_34 = arith.constant 0 : i32
      %dma_start3A_35 = tpu.memref_slice %arg2[%mul3A_10, %dma_start3A_34] : memref<2560x128xi32, #tpu.memory_space<hbm>> -> memref<80x128xi32, #tpu.memory_space<hbm>>
      %dma_start3A_36 = arith.constant 0 : i32
      %dma_start3A_37 = tpu.memref_slice %arg2[%mul3A_10, %dma_start3A_36] : memref<2560x128xi32, #tpu.memory_space<hbm>> -> memref<80x128xi32, #tpu.memory_space<hbm>>
      tpu.enqueue_dma source(%dma_start3A_37 : memref<80x128xi32, #tpu.memory_space<hbm>>) target(%arg8 : memref<80x128xi32, #tpu.memory_space<vmem>>) target_semaphore(%run_scoped3A : memref<!tpu.dma_semaphore, #tpu.memory_space<semaphore_mem>>)
      %dma_wait3A_38 = arith.constant 0 : i32
      %dma_wait3A_39 = tpu.memref_slice %arg2[%mul3A_10, %dma_wait3A_38] : memref<2560x128xi32, #tpu.memory_space<hbm>> -> memref<80x128xi32, #tpu.memory_space<hbm>>
      %dma_wait3A_40 = arith.constant 0 : i32
      %dma_wait3A_41 = tpu.memref_slice %arg2[%mul3A_10, %dma_wait3A_40] : memref<2560x128xi32, #tpu.memory_space<hbm>> -> memref<80x128xi32, #tpu.memory_space<hbm>>
      tpu.wait_dma2 semaphore(%run_scoped3A : memref<!tpu.dma_semaphore, #tpu.memory_space<semaphore_mem>>) src(%dma_wait3A_41 : memref<80x128xi32, #tpu.memory_space<hbm>>) dst(%arg8 : memref<80x128xi32, #tpu.memory_space<vmem>>)
      tpu.yield
    }) : () -> ()
    %scan3A = arith.constant 0 : i32
    %scan3A_11 = arith.constant 0 : i32
    %scan3A_12 = arith.constant 128 : i32
    %scan3A_13 = arith.addi %scan3A_11, %scan3A_12 : i32
    %scan3A_14 = arith.constant 1 : i32
    scf.for %scan3A_34 = %scan3A_11 to %scan3A_13 step %scan3A_14  : i32 {
      %broadcast_in_dim3A = arith.constant 0.000000e+00 : f32
      %broadcast_in_dim3A_35 = vector.broadcast %broadcast_in_dim3A : f32 to vector<16xf32>
      %swap3A = arith.index_cast %scan3A_34 : i32 to index
      %swap3A_36 = arith.constant 0 : index
      %swap3A_37 = tpu.vector_load %arg9[%swap3A, %swap3A_36] {strides = array<i32>} : memref<128x128xf32, #tpu.memory_space<vmem>>, vector<1x16xf32>,
      %swap3A_38 = vector.shape_cast %swap3A_37 : vector<1x16xf32> to vector<16xf32>
      %swap3A_39 = vector.shape_cast %broadcast_in_dim3A_35 : vector<16xf32> to vector<1x16xf32>
      tpu.vector_store %arg9[%swap3A, %swap3A_36], %swap3A_39 {strides = array<i32>} : memref<128x128xf32, #tpu.memory_space<vmem>>, vector<1x16xf32>,
      %broadcast_in_dim3A_40 = arith.constant 0.000000e+00 : f32
      %broadcast_in_dim3A_41 = vector.broadcast %broadcast_in_dim3A_40 : f32 to vector<16xf32>
      %swap3A_42 = arith.index_cast %scan3A_34 : i32 to index
      %swap3A_43 = arith.constant 16 : index
      %swap3A_44 = tpu.vector_load %arg9[%swap3A_42, %swap3A_43] {strides = array<i32>} : memref<128x128xf32, #tpu.memory_space<vmem>>, vector<1x16xf32>,
      %swap3A_45 = vector.shape_cast %swap3A_44 : vector<1x16xf32> to vector<16xf32>
      %swap3A_46 = vector.shape_cast %broadcast_in_dim3A_41 : vector<16xf32> to vector<1x16xf32>
      tpu.vector_store %arg9[%swap3A_42, %swap3A_43], %swap3A_46 {strides = array<i32>} : memref<128x128xf32, #tpu.memory_space<vmem>>, vector<1x16xf32>,
      %broadcast_in_dim3A_47 = arith.constant 0.000000e+00 : f32
      %broadcast_in_dim3A_48 = vector.broadcast %broadcast_in_dim3A_47 : f32 to vector<16xf32>
      %swap3A_49 = arith.index_cast %scan3A_34 : i32 to index
      %swap3A_50 = arith.constant 32 : index
      %swap3A_51 = tpu.vector_load %arg9[%swap3A_49, %swap3A_50] {strides = array<i32>} : memref<128x128xf32, #tpu.memory_space<vmem>>, vector<1x16xf32>,
      %swap3A_52 = vector.shape_cast %swap3A_51 : vector<1x16xf32> to vector<16xf32>
      %swap3A_53 = vector.shape_cast %broadcast_in_dim3A_48 : vector<16xf32> to vector<1x16xf32>
      tpu.vector_store %arg9[%swap3A_49, %swap3A_50], %swap3A_53 {strides = array<i32>} : memref<128x128xf32, #tpu.memory_space<vmem>>, vector<1x16xf32>,
      %broadcast_in_dim3A_54 = arith.constant 0.000000e+00 : f32
      %broadcast_in_dim3A_55 = vector.broadcast %broadcast_in_dim3A_54 : f32 to vector<16xf32>
      %swap3A_56 = arith.index_cast %scan3A_34 : i32 to index
      %swap3A_57 = arith.constant 48 : index
      %swap3A_58 = tpu.vector_load %arg9[%swap3A_56, %swap3A_57] {strides = array<i32>} : memref<128x128xf32, #tpu.memory_space<vmem>>, vector<1x16xf32>,
      %swap3A_59 = vector.shape_cast %swap3A_58 : vector<1x16xf32> to vector<16xf32>
      %swap3A_60 = vector.shape_cast %broadcast_in_dim3A_55 : vector<16xf32> to vector<1x16xf32>
      tpu.vector_store %arg9[%swap3A_56, %swap3A_57], %swap3A_60 {strides = array<i32>} : memref<128x128xf32, #tpu.memory_space<vmem>>, vector<1x16xf32>,
      %broadcast_in_dim3A_61 = arith.constant 0.000000e+00 : f32
      %broadcast_in_dim3A_62 = vector.broadcast %broadcast_in_dim3A_61 : f32 to vector<16xf32>
      %swap3A_63 = arith.index_cast %scan3A_34 : i32 to index
      %swap3A_64 = arith.constant 64 : index
      %swap3A_65 = tpu.vector_load %arg9[%swap3A_63, %swap3A_64] {strides = array<i32>} : memref<128x128xf32, #tpu.memory_space<vmem>>, vector<1x16xf32>,
      %swap3A_66 = vector.shape_cast %swap3A_65 : vector<1x16xf32> to vector<16xf32>
      %swap3A_67 = vector.shape_cast %broadcast_in_dim3A_62 : vector<16xf32> to vector<1x16xf32>
      tpu.vector_store %arg9[%swap3A_63, %swap3A_64], %swap3A_67 {strides = array<i32>} : memref<128x128xf32, #tpu.memory_space<vmem>>, vector<1x16xf32>,
      %broadcast_in_dim3A_68 = arith.constant 0.000000e+00 : f32
      %broadcast_in_dim3A_69 = vector.broadcast %broadcast_in_dim3A_68 : f32 to vector<16xf32>
      %swap3A_70 = arith.index_cast %scan3A_34 : i32 to index
      %swap3A_71 = arith.constant 80 : index
      %swap3A_72 = tpu.vector_load %arg9[%swap3A_70, %swap3A_71] {strides = array<i32>} : memref<128x128xf32, #tpu.memory_space<vmem>>, vector<1x16xf32>,
      %swap3A_73 = vector.shape_cast %swap3A_72 : vector<1x16xf32> to vector<16xf32>
      %swap3A_74 = vector.shape_cast %broadcast_in_dim3A_69 : vector<16xf32> to vector<1x16xf32>
      tpu.vector_store %arg9[%swap3A_70, %swap3A_71], %swap3A_74 {strides = array<i32>} : memref<128x128xf32, #tpu.memory_space<vmem>>, vector<1x16xf32>,
      %broadcast_in_dim3A_75 = arith.constant 0.000000e+00 : f32
      %broadcast_in_dim3A_76 = vector.broadcast %broadcast_in_dim3A_75 : f32 to vector<16xf32>
      %swap3A_77 = arith.index_cast %scan3A_34 : i32 to index
      %swap3A_78 = arith.constant 96 : index
      %swap3A_79 = tpu.vector_load %arg9[%swap3A_77, %swap3A_78] {strides = array<i32>} : memref<128x128xf32, #tpu.memory_space<vmem>>, vector<1x16xf32>,
      %swap3A_80 = vector.shape_cast %swap3A_79 : vector<1x16xf32> to vector<16xf32>
      %swap3A_81 = vector.shape_cast %broadcast_in_dim3A_76 : vector<16xf32> to vector<1x16xf32>
      tpu.vector_store %arg9[%swap3A_77, %swap3A_78], %swap3A_81 {strides = array<i32>} : memref<128x128xf32, #tpu.memory_space<vmem>>, vector<1x16xf32>,
      %broadcast_in_dim3A_82 = arith.constant 0.000000e+00 : f32
      %broadcast_in_dim3A_83 = vector.broadcast %broadcast_in_dim3A_82 : f32 to vector<16xf32>
      %swap3A_84 = arith.index_cast %scan3A_34 : i32 to index
      %swap3A_85 = arith.constant 112 : index
      %swap3A_86 = tpu.vector_load %arg9[%swap3A_84, %swap3A_85] {strides = array<i32>} : memref<128x128xf32, #tpu.memory_space<vmem>>, vector<1x16xf32>,
      %swap3A_87 = vector.shape_cast %swap3A_86 : vector<1x16xf32> to vector<16xf32>
      %swap3A_88 = vector.shape_cast %broadcast_in_dim3A_83 : vector<16xf32> to vector<1x16xf32>
      tpu.vector_store %arg9[%swap3A_84, %swap3A_85], %swap3A_88 {strides = array<i32>} : memref<128x128xf32, #tpu.memory_space<vmem>>, vector<1x16xf32>,
    }
    %scan3A_15 = arith.constant 128 : i32
    %mul3A_16 = arith.constant 640 : i32
    %mul3A_17 = arith.muli %arg1, %mul3A_16 : i32
    %scan3A_18 = arith.constant 0 : i32
    %scan3A_19 = arith.constant 0 : i32
    %scan3A_20 = arith.constant 5 : i32
    %scan3A_21 = arith.addi %scan3A_19, %scan3A_20 : i32
    %scan3A_22 = arith.constant 1 : i32
    scf.for %scan3A_34 = %scan3A_19 to %scan3A_21 step %scan3A_22  : i32 {
      %mul3A_35 = arith.constant 128 : i32
      %mul3A_36 = arith.muli %scan3A_34, %mul3A_35 : i32
      %add3A_37 = arith.addi %mul3A_17, %mul3A_36 : i32
      "tpu.region"() ({
        %run_scoped3A = tpu.sem_alloc : memref<!tpu.dma_semaphore, #tpu.memory_space<semaphore_mem>>
        %dma_start3A_38 = arith.constant 0 : i32
        %dma_start3A_39 = tpu.memref_slice %arg12[%add3A_37, %dma_start3A_38] : memref<10240x128xf32, #tpu.memory_space<vmem_shared>> -> memref<128x128xf32, #tpu.memory_space<vmem_shared>>
        %dma_start3A_40 = arith.constant 0 : i32
        %dma_start3A_41 = tpu.memref_slice %arg12[%add3A_37, %dma_start3A_40] : memref<10240x128xf32, #tpu.memory_space<vmem_shared>> -> memref<128x128xf32, #tpu.memory_space<vmem_shared>>
        tpu.enqueue_dma source(%arg9 : memref<128x128xf32, #tpu.memory_space<vmem>>) target(%dma_start3A_41 : memref<128x128xf32, #tpu.memory_space<vmem_shared>>) target_semaphore(%run_scoped3A : memref<!tpu.dma_semaphore, #tpu.memory_space<semaphore_mem>>)
        %dma_wait3A_42 = arith.constant 0 : i32
        %dma_wait3A_43 = tpu.memref_slice %arg12[%add3A_37, %dma_wait3A_42] : memref<10240x128xf32, #tpu.memory_space<vmem_shared>> -> memref<128x128xf32, #tpu.memory_space<vmem_shared>>
        %dma_wait3A_44 = arith.constant 0 : i32
        %dma_wait3A_45 = tpu.memref_slice %arg12[%add3A_37, %dma_wait3A_44] : memref<10240x128xf32, #tpu.memory_space<vmem_shared>> -> memref<128x128xf32, #tpu.memory_space<vmem_shared>>
        tpu.wait_dma2 semaphore(%run_scoped3A : memref<!tpu.dma_semaphore, #tpu.memory_space<semaphore_mem>>) src(%arg9 : memref<128x128xf32, #tpu.memory_space<vmem>>) dst(%dma_wait3A_45 : memref<128x128xf32, #tpu.memory_space<vmem_shared>>)
        tpu.yield
      }) : () -> ()
    }
    %scan3A_23 = arith.constant 5 : i32
    "tpu.region"() ({
      %run_scoped3A = tpu.sem_alloc : memref<!tpu.dma_semaphore, #tpu.memory_space<semaphore_mem>>
      tpu.enqueue_dma source(%arg3 : memref<128x128xf32, #tpu.memory_space<hbm>>) target(%arg9 : memref<128x128xf32, #tpu.memory_space<vmem>>) target_semaphore(%run_scoped3A : memref<!tpu.dma_semaphore, #tpu.memory_space<semaphore_mem>>)
      tpu.wait_dma2 semaphore(%run_scoped3A : memref<!tpu.dma_semaphore, #tpu.memory_space<semaphore_mem>>) src(%arg3 : memref<128x128xf32, #tpu.memory_space<hbm>>) dst(%arg9 : memref<128x128xf32, #tpu.memory_space<vmem>>)
      tpu.yield
    }) : () -> ()
    %barrier3A = arith.constant 0 : index
    tpu.barrier barrier_id(%barrier3A)
    %scan3A_24 = arith.constant 0 : i32
    %scan3A_25 = arith.constant 0 : i32
    %scan3A_26 = arith.constant 80 : i32
    %scan3A_27 = arith.addi %scan3A_25, %scan3A_26 : i32
    %scan3A_28 = arith.constant 1 : i32
    scf.for %scan3A_34 = %scan3A_25 to %scan3A_27 step %scan3A_28  : i32 {
      "tpu.region"() ({
        %run_scoped3A = tpu.sem_alloc : memref<!tpu.dma_semaphore, #tpu.memory_space<semaphore_mem>>
        %dma_start3A_35 = arith.constant 0 : i32
        %dma_start3A_36 = tpu.memref_slice %arg8[%scan3A_34, %dma_start3A_35] : memref<80x128xi32, #tpu.memory_space<vmem>> -> memref<1x128xi32, #tpu.memory_space<vmem>>
        %dma_start3A_37 = tpu.memref_squeeze %dma_start3A_36 : memref<1x128xi32, #tpu.memory_space<vmem>> -> memref<128xi32, #tpu.memory_space<vmem>>
        %dma_start3A_38 = arith.constant 0 : i32
        %dma_start3A_39 = arith.constant 0 : i32
        %dma_start3A_40 = tpu.memref_slice %arg12[%dma_start3A_38, %dma_start3A_39] : memref<10240x128xf32, #tpu.memory_space<vmem_shared>> -> memref<10240x128xf32, #tpu.memory_space<vmem_shared>>
        tpu.enqueue_indirect_dma source(%arg9 : memref<128x128xf32, #tpu.memory_space<vmem>>) target(%dma_start3A_40 : memref<10240x128xf32, #tpu.memory_space<vmem_shared>>) offsets(%dma_start3A_37 : memref<128xi32, #tpu.memory_space<vmem>>) semaphore(%run_scoped3A : memref<!tpu.dma_semaphore, #tpu.memory_space<semaphore_mem>>) {add = true}
        %dma_wait3A_41 = arith.constant 0 : i32
        %dma_wait3A_42 = tpu.memref_slice %arg8[%scan3A_34, %dma_wait3A_41] : memref<80x128xi32, #tpu.memory_space<vmem>> -> memref<1x128xi32, #tpu.memory_space<vmem>>
        %dma_wait3A_43 = tpu.memref_squeeze %dma_wait3A_42 : memref<1x128xi32, #tpu.memory_space<vmem>> -> memref<128xi32, #tpu.memory_space<vmem>>
        %dma_wait3A_44 = arith.constant 0 : i32
        %dma_wait3A_45 = arith.constant 0 : i32
        %dma_wait3A_46 = tpu.memref_slice %arg12[%dma_wait3A_44, %dma_wait3A_45] : memref<10240x128xf32, #tpu.memory_space<vmem_shared>> -> memref<10240x128xf32, #tpu.memory_space<vmem_shared>>
        tpu.wait_indirect_dma semaphore(%run_scoped3A : memref<!tpu.dma_semaphore, #tpu.memory_space<semaphore_mem>>) src(%arg9 : memref<128x128xf32, #tpu.memory_space<vmem>>) dst(%dma_wait3A_46 : memref<10240x128xf32, #tpu.memory_space<vmem_shared>>)
        tpu.yield
      }) : () -> ()
    }
    %scan3A_29 = arith.constant 80 : i32
    %barrier3A_30 = arith.constant 0 : index
    tpu.barrier barrier_id(%barrier3A_30)
    %mul3A_31 = arith.constant 10240 : i32
    %mul3A_32 = arith.muli %arg0, %mul3A_31 : i32
    %add3A_33 = arith.addi %mul3A_32, %mul3A_17 : i32
    "tpu.region"() ({
      %run_scoped3A = tpu.sem_alloc : memref<!tpu.dma_semaphore, #tpu.memory_space<semaphore_mem>>
      %dma_start3A_34 = arith.constant 0 : i32
      %dma_start3A_35 = tpu.memref_slice %arg6[%add3A_33, %dma_start3A_34] : memref<20480x128xf32, #tpu.memory_space<hbm>> -> memref<640x128xf32, #tpu.memory_space<hbm>>
      %dma_start3A_36 = arith.constant 0 : i32
      %dma_start3A_37 = tpu.memref_slice %arg12[%mul3A_17, %dma_start3A_36] : memref<10240x128xf32, #tpu.memory_space<vmem_shared>> -> memref<640x128xf32, #tpu.memory_space<vmem_shared>>
      tpu.enqueue_dma source(%dma_start3A_37 : memref<640x128xf32, #tpu.memory_space<vmem_shared>>) target(%dma_start3A_35 : memref<640x128xf32, #tpu.memory_space<hbm>>) target_semaphore(%run_scoped3A : memref<!tpu.dma_semaphore, #tpu.memory_space<semaphore_mem>>)
      %dma_wait3A_38 = arith.constant 0 : i32
      %dma_wait3A_39 = tpu.memref_slice %arg6[%add3A_33, %dma_wait3A_38] : memref<20480x128xf32, #tpu.memory_space<hbm>> -> memref<640x128xf32, #tpu.memory_space<hbm>>
      %dma_wait3A_40 = arith.constant 0 : i32
      %dma_wait3A_41 = tpu.memref_slice %arg12[%mul3A_17, %dma_wait3A_40] : memref<10240x128xf32, #tpu.memory_space<vmem_shared>> -> memref<640x128xf32, #tpu.memory_space<vmem_shared>>
      tpu.wait_dma2 semaphore(%run_scoped3A : memref<!tpu.dma_semaphore, #tpu.memory_space<semaphore_mem>>) src(%dma_wait3A_41 : memref<640x128xf32, #tpu.memory_space<vmem_shared>>) dst(%dma_wait3A_39 : memref<640x128xf32, #tpu.memory_space<hbm>>)
      tpu.yield
    }) : () -> ()
    return
  }
}

#map = affine_map<(d0, d1) -> (0, 0)>
module attributes {stable_mosaic.version = 14 : i64} {
  func.func @_sc_edge_scatter_body(%arg0: i32, %arg1: i32, %arg2: memref<10000x128xf32, #tpu.memory_space<hbm>>, %arg3: memref<2560x128xi32, #tpu.memory_space<hbm>>, %arg4: memref<2560x128xi32, #tpu.memory_space<hbm>>, %arg5: memref<20480x128xf32, #tpu.memory_space<hbm>>, %arg6: memref<16x128xi32, #tpu.memory_space<vmem>>, %arg7: memref<16x128xi32, #tpu.memory_space<vmem>>, %arg8: memref<128x128xf32, #tpu.memory_space<vmem>>, %arg9: memref<128x128xf32, #tpu.memory_space<vmem>>, %arg10: memref<10240x128xf32, #tpu.memory_space<vmem_shared>>, %arg11: memref<!tpu.dma_semaphore, #tpu.memory_space<semaphore_mem>>, %arg12: memref<!tpu.dma_semaphore, #tpu.memory_space<semaphore_mem>>) attributes {dimension_semantics = [#tpu.dimension_semantics<core_parallel>, #tpu.dimension_semantics<subcore_parallel>], iteration_bounds = array<i64: 2, 16>, scalar_prefetch = 0 : i64, scratch_operands = 7 : i64, tpu.core_type = #tpu.core_type<sc_vector_subcore>, window_params = [{transform_indices = #map}, {transform_indices = #map}, {transform_indices = #map}, {transform_indices = #map}]} {
    %mul3A = arith.constant 16 : i32
    %mul3A_0 = arith.muli %arg0, %mul3A : i32
    %add3A = arith.addi %mul3A_0, %arg1 : i32
    %scan3A = arith.constant 0 : i32
    %scan3A_1 = arith.constant 0 : i32
    %scan3A_2 = arith.constant 128 : i32
    %scan3A_3 = arith.addi %scan3A_1, %scan3A_2 : i32
    %scan3A_4 = arith.constant 1 : i32
    scf.for %scan3A_24 = %scan3A_1 to %scan3A_3 step %scan3A_4  : i32 {
      %broadcast_in_dim3A = arith.constant 0.000000e+00 : f32
      %broadcast_in_dim3A_25 = vector.broadcast %broadcast_in_dim3A : f32 to vector<16xf32>
      %swap3A = arith.index_cast %scan3A_24 : i32 to index
      %swap3A_26 = arith.constant 0 : index
      %swap3A_27 = tpu.vector_load %arg8[%swap3A, %swap3A_26] {strides = array<i32>} : memref<128x128xf32, #tpu.memory_space<vmem>>, vector<1x16xf32>,
      %swap3A_28 = vector.shape_cast %swap3A_27 : vector<1x16xf32> to vector<16xf32>
      %swap3A_29 = vector.shape_cast %broadcast_in_dim3A_25 : vector<16xf32> to vector<1x16xf32>
      tpu.vector_store %arg8[%swap3A, %swap3A_26], %swap3A_29 {strides = array<i32>} : memref<128x128xf32, #tpu.memory_space<vmem>>, vector<1x16xf32>,
      %broadcast_in_dim3A_30 = arith.constant 0.000000e+00 : f32
      %broadcast_in_dim3A_31 = vector.broadcast %broadcast_in_dim3A_30 : f32 to vector<16xf32>
      %swap3A_32 = arith.index_cast %scan3A_24 : i32 to index
      %swap3A_33 = arith.constant 16 : index
      %swap3A_34 = tpu.vector_load %arg8[%swap3A_32, %swap3A_33] {strides = array<i32>} : memref<128x128xf32, #tpu.memory_space<vmem>>, vector<1x16xf32>,
      %swap3A_35 = vector.shape_cast %swap3A_34 : vector<1x16xf32> to vector<16xf32>
      %swap3A_36 = vector.shape_cast %broadcast_in_dim3A_31 : vector<16xf32> to vector<1x16xf32>
      tpu.vector_store %arg8[%swap3A_32, %swap3A_33], %swap3A_36 {strides = array<i32>} : memref<128x128xf32, #tpu.memory_space<vmem>>, vector<1x16xf32>,
      %broadcast_in_dim3A_37 = arith.constant 0.000000e+00 : f32
      %broadcast_in_dim3A_38 = vector.broadcast %broadcast_in_dim3A_37 : f32 to vector<16xf32>
      %swap3A_39 = arith.index_cast %scan3A_24 : i32 to index
      %swap3A_40 = arith.constant 32 : index
      %swap3A_41 = tpu.vector_load %arg8[%swap3A_39, %swap3A_40] {strides = array<i32>} : memref<128x128xf32, #tpu.memory_space<vmem>>, vector<1x16xf32>,
      %swap3A_42 = vector.shape_cast %swap3A_41 : vector<1x16xf32> to vector<16xf32>
      %swap3A_43 = vector.shape_cast %broadcast_in_dim3A_38 : vector<16xf32> to vector<1x16xf32>
      tpu.vector_store %arg8[%swap3A_39, %swap3A_40], %swap3A_43 {strides = array<i32>} : memref<128x128xf32, #tpu.memory_space<vmem>>, vector<1x16xf32>,
      %broadcast_in_dim3A_44 = arith.constant 0.000000e+00 : f32
      %broadcast_in_dim3A_45 = vector.broadcast %broadcast_in_dim3A_44 : f32 to vector<16xf32>
      %swap3A_46 = arith.index_cast %scan3A_24 : i32 to index
      %swap3A_47 = arith.constant 48 : index
      %swap3A_48 = tpu.vector_load %arg8[%swap3A_46, %swap3A_47] {strides = array<i32>} : memref<128x128xf32, #tpu.memory_space<vmem>>, vector<1x16xf32>,
      %swap3A_49 = vector.shape_cast %swap3A_48 : vector<1x16xf32> to vector<16xf32>
      %swap3A_50 = vector.shape_cast %broadcast_in_dim3A_45 : vector<16xf32> to vector<1x16xf32>
      tpu.vector_store %arg8[%swap3A_46, %swap3A_47], %swap3A_50 {strides = array<i32>} : memref<128x128xf32, #tpu.memory_space<vmem>>, vector<1x16xf32>,
      %broadcast_in_dim3A_51 = arith.constant 0.000000e+00 : f32
      %broadcast_in_dim3A_52 = vector.broadcast %broadcast_in_dim3A_51 : f32 to vector<16xf32>
      %swap3A_53 = arith.index_cast %scan3A_24 : i32 to index
      %swap3A_54 = arith.constant 64 : index
      %swap3A_55 = tpu.vector_load %arg8[%swap3A_53, %swap3A_54] {strides = array<i32>} : memref<128x128xf32, #tpu.memory_space<vmem>>, vector<1x16xf32>,
      %swap3A_56 = vector.shape_cast %swap3A_55 : vector<1x16xf32> to vector<16xf32>
      %swap3A_57 = vector.shape_cast %broadcast_in_dim3A_52 : vector<16xf32> to vector<1x16xf32>
      tpu.vector_store %arg8[%swap3A_53, %swap3A_54], %swap3A_57 {strides = array<i32>} : memref<128x128xf32, #tpu.memory_space<vmem>>, vector<1x16xf32>,
      %broadcast_in_dim3A_58 = arith.constant 0.000000e+00 : f32
      %broadcast_in_dim3A_59 = vector.broadcast %broadcast_in_dim3A_58 : f32 to vector<16xf32>
      %swap3A_60 = arith.index_cast %scan3A_24 : i32 to index
      %swap3A_61 = arith.constant 80 : index
      %swap3A_62 = tpu.vector_load %arg8[%swap3A_60, %swap3A_61] {strides = array<i32>} : memref<128x128xf32, #tpu.memory_space<vmem>>, vector<1x16xf32>,
      %swap3A_63 = vector.shape_cast %swap3A_62 : vector<1x16xf32> to vector<16xf32>
      %swap3A_64 = vector.shape_cast %broadcast_in_dim3A_59 : vector<16xf32> to vector<1x16xf32>
      tpu.vector_store %arg8[%swap3A_60, %swap3A_61], %swap3A_64 {strides = array<i32>} : memref<128x128xf32, #tpu.memory_space<vmem>>, vector<1x16xf32>,
      %broadcast_in_dim3A_65 = arith.constant 0.000000e+00 : f32
      %broadcast_in_dim3A_66 = vector.broadcast %broadcast_in_dim3A_65 : f32 to vector<16xf32>
      %swap3A_67 = arith.index_cast %scan3A_24 : i32 to index
      %swap3A_68 = arith.constant 96 : index
      %swap3A_69 = tpu.vector_load %arg8[%swap3A_67, %swap3A_68] {strides = array<i32>} : memref<128x128xf32, #tpu.memory_space<vmem>>, vector<1x16xf32>,
      %swap3A_70 = vector.shape_cast %swap3A_69 : vector<1x16xf32> to vector<16xf32>
      %swap3A_71 = vector.shape_cast %broadcast_in_dim3A_66 : vector<16xf32> to vector<1x16xf32>
      tpu.vector_store %arg8[%swap3A_67, %swap3A_68], %swap3A_71 {strides = array<i32>} : memref<128x128xf32, #tpu.memory_space<vmem>>, vector<1x16xf32>,
      %broadcast_in_dim3A_72 = arith.constant 0.000000e+00 : f32
      %broadcast_in_dim3A_73 = vector.broadcast %broadcast_in_dim3A_72 : f32 to vector<16xf32>
      %swap3A_74 = arith.index_cast %scan3A_24 : i32 to index
      %swap3A_75 = arith.constant 112 : index
      %swap3A_76 = tpu.vector_load %arg8[%swap3A_74, %swap3A_75] {strides = array<i32>} : memref<128x128xf32, #tpu.memory_space<vmem>>, vector<1x16xf32>,
      %swap3A_77 = vector.shape_cast %swap3A_76 : vector<1x16xf32> to vector<16xf32>
      %swap3A_78 = vector.shape_cast %broadcast_in_dim3A_73 : vector<16xf32> to vector<1x16xf32>
      tpu.vector_store %arg8[%swap3A_74, %swap3A_75], %swap3A_78 {strides = array<i32>} : memref<128x128xf32, #tpu.memory_space<vmem>>, vector<1x16xf32>,
    }
    %scan3A_5 = arith.constant 128 : i32
    %mul3A_6 = arith.constant 640 : i32
    %mul3A_7 = arith.muli %arg1, %mul3A_6 : i32
    %scan3A_8 = arith.constant 0 : i32
    %scan3A_9 = arith.constant 0 : i32
    %scan3A_10 = arith.constant 5 : i32
    %scan3A_11 = arith.addi %scan3A_9, %scan3A_10 : i32
    %scan3A_12 = arith.constant 1 : i32
    scf.for %scan3A_24 = %scan3A_9 to %scan3A_11 step %scan3A_12  : i32 {
      %mul3A_25 = arith.constant 128 : i32
      %mul3A_26 = arith.muli %scan3A_24, %mul3A_25 : i32
      %add3A_27 = arith.addi %mul3A_7, %mul3A_26 : i32
      "tpu.region"() ({
        %run_scoped3A = tpu.sem_alloc : memref<!tpu.dma_semaphore, #tpu.memory_space<semaphore_mem>>
        %dma_start3A = arith.constant 0 : i32
        %dma_start3A_28 = tpu.memref_slice %arg10[%add3A_27, %dma_start3A] : memref<10240x128xf32, #tpu.memory_space<vmem_shared>> -> memref<128x128xf32, #tpu.memory_space<vmem_shared>>
        %dma_start3A_29 = arith.constant 0 : i32
        %dma_start3A_30 = tpu.memref_slice %arg10[%add3A_27, %dma_start3A_29] : memref<10240x128xf32, #tpu.memory_space<vmem_shared>> -> memref<128x128xf32, #tpu.memory_space<vmem_shared>>
        tpu.enqueue_dma source(%arg8 : memref<128x128xf32, #tpu.memory_space<vmem>>) target(%dma_start3A_30 : memref<128x128xf32, #tpu.memory_space<vmem_shared>>) target_semaphore(%run_scoped3A : memref<!tpu.dma_semaphore, #tpu.memory_space<semaphore_mem>>)
        %dma_wait3A = arith.constant 0 : i32
        %dma_wait3A_31 = tpu.memref_slice %arg10[%add3A_27, %dma_wait3A] : memref<10240x128xf32, #tpu.memory_space<vmem_shared>> -> memref<128x128xf32, #tpu.memory_space<vmem_shared>>
        %dma_wait3A_32 = arith.constant 0 : i32
        %dma_wait3A_33 = tpu.memref_slice %arg10[%add3A_27, %dma_wait3A_32] : memref<10240x128xf32, #tpu.memory_space<vmem_shared>> -> memref<128x128xf32, #tpu.memory_space<vmem_shared>>
        tpu.wait_dma2 semaphore(%run_scoped3A : memref<!tpu.dma_semaphore, #tpu.memory_space<semaphore_mem>>) src(%arg8 : memref<128x128xf32, #tpu.memory_space<vmem>>) dst(%dma_wait3A_33 : memref<128x128xf32, #tpu.memory_space<vmem_shared>>)
        tpu.yield
      }) : () -> ()
    }
    %scan3A_13 = arith.constant 5 : i32
    %barrier3A = arith.constant 0 : index
    tpu.barrier barrier_id(%barrier3A)
    %scan3A_14 = arith.constant 0 : i32
    %scan3A_15 = arith.constant 0 : i32
    %scan3A_16 = arith.constant 5 : i32
    %scan3A_17 = arith.addi %scan3A_15, %scan3A_16 : i32
    %scan3A_18 = arith.constant 1 : i32
    scf.for %scan3A_24 = %scan3A_15 to %scan3A_17 step %scan3A_18  : i32 {
      %mul3A_25 = arith.constant 80 : i32
      %mul3A_26 = arith.muli %add3A, %mul3A_25 : i32
      %mul3A_27 = arith.constant 16 : i32
      %mul3A_28 = arith.muli %scan3A_24, %mul3A_27 : i32
      %add3A_29 = arith.addi %mul3A_26, %mul3A_28 : i32
      "tpu.region"() ({
        %run_scoped3A = tpu.sem_alloc : memref<!tpu.dma_semaphore, #tpu.memory_space<semaphore_mem>>
        %dma_start3A_42 = arith.constant 0 : i32
        %dma_start3A_43 = tpu.memref_slice %arg3[%add3A_29, %dma_start3A_42] : memref<2560x128xi32, #tpu.memory_space<hbm>> -> memref<16x128xi32, #tpu.memory_space<hbm>>
        %dma_start3A_44 = arith.constant 0 : i32
        %dma_start3A_45 = tpu.memref_slice %arg3[%add3A_29, %dma_start3A_44] : memref<2560x128xi32, #tpu.memory_space<hbm>> -> memref<16x128xi32, #tpu.memory_space<hbm>>
        tpu.enqueue_dma source(%dma_start3A_45 : memref<16x128xi32, #tpu.memory_space<hbm>>) target(%arg6 : memref<16x128xi32, #tpu.memory_space<vmem>>) target_semaphore(%run_scoped3A : memref<!tpu.dma_semaphore, #tpu.memory_space<semaphore_mem>>)
        %dma_wait3A = arith.constant 0 : i32
        %dma_wait3A_46 = tpu.memref_slice %arg3[%add3A_29, %dma_wait3A] : memref<2560x128xi32, #tpu.memory_space<hbm>> -> memref<16x128xi32, #tpu.memory_space<hbm>>
        %dma_wait3A_47 = arith.constant 0 : i32
        %dma_wait3A_48 = tpu.memref_slice %arg3[%add3A_29, %dma_wait3A_47] : memref<2560x128xi32, #tpu.memory_space<hbm>> -> memref<16x128xi32, #tpu.memory_space<hbm>>
        tpu.wait_dma2 semaphore(%run_scoped3A : memref<!tpu.dma_semaphore, #tpu.memory_space<semaphore_mem>>) src(%dma_wait3A_48 : memref<16x128xi32, #tpu.memory_space<hbm>>) dst(%arg6 : memref<16x128xi32, #tpu.memory_space<vmem>>)
        tpu.yield
      }) : () -> ()
      "tpu.region"() ({
        %run_scoped3A = tpu.sem_alloc : memref<!tpu.dma_semaphore, #tpu.memory_space<semaphore_mem>>
        %dma_start3A_42 = arith.constant 0 : i32
        %dma_start3A_43 = tpu.memref_slice %arg4[%add3A_29, %dma_start3A_42] : memref<2560x128xi32, #tpu.memory_space<hbm>> -> memref<16x128xi32, #tpu.memory_space<hbm>>
        %dma_start3A_44 = arith.constant 0 : i32
        %dma_start3A_45 = tpu.memref_slice %arg4[%add3A_29, %dma_start3A_44] : memref<2560x128xi32, #tpu.memory_space<hbm>> -> memref<16x128xi32, #tpu.memory_space<hbm>>
        tpu.enqueue_dma source(%dma_start3A_45 : memref<16x128xi32, #tpu.memory_space<hbm>>) target(%arg7 : memref<16x128xi32, #tpu.memory_space<vmem>>) target_semaphore(%run_scoped3A : memref<!tpu.dma_semaphore, #tpu.memory_space<semaphore_mem>>)
        %dma_wait3A = arith.constant 0 : i32
        %dma_wait3A_46 = tpu.memref_slice %arg4[%add3A_29, %dma_wait3A] : memref<2560x128xi32, #tpu.memory_space<hbm>> -> memref<16x128xi32, #tpu.memory_space<hbm>>
        %dma_wait3A_47 = arith.constant 0 : i32
        %dma_wait3A_48 = tpu.memref_slice %arg4[%add3A_29, %dma_wait3A_47] : memref<2560x128xi32, #tpu.memory_space<hbm>> -> memref<16x128xi32, #tpu.memory_space<hbm>>
        tpu.wait_dma2 semaphore(%run_scoped3A : memref<!tpu.dma_semaphore, #tpu.memory_space<semaphore_mem>>) src(%dma_wait3A_48 : memref<16x128xi32, #tpu.memory_space<hbm>>) dst(%arg7 : memref<16x128xi32, #tpu.memory_space<vmem>>)
        tpu.yield
      }) : () -> ()
      %dma_start3A = arith.constant 0 : i32
      %dma_start3A_30 = arith.constant 0 : i32
      %dma_start3A_31 = tpu.memref_slice %arg6[%dma_start3A, %dma_start3A_30] : memref<16x128xi32, #tpu.memory_space<vmem>> -> memref<1x128xi32, #tpu.memory_space<vmem>>
      %dma_start3A_32 = tpu.memref_squeeze %dma_start3A_31 : memref<1x128xi32, #tpu.memory_space<vmem>> -> memref<128xi32, #tpu.memory_space<vmem>>
      %dma_start3A_33 = arith.constant 0 : i32
      %dma_start3A_34 = arith.constant 0 : i32
      %dma_start3A_35 = tpu.memref_slice %arg2[%dma_start3A_33, %dma_start3A_34] : memref<10000x128xf32, #tpu.memory_space<hbm>> -> memref<10000x128xf32, #tpu.memory_space<hbm>>
      tpu.enqueue_indirect_dma source(%dma_start3A_35 : memref<10000x128xf32, #tpu.memory_space<hbm>>) target(%arg8 : memref<128x128xf32, #tpu.memory_space<vmem>>) offsets(%dma_start3A_32 : memref<128xi32, #tpu.memory_space<vmem>>) semaphore(%arg11 : memref<!tpu.dma_semaphore, #tpu.memory_space<semaphore_mem>>)
      %scan3A_36 = arith.constant 0 : i32
      %scan3A_37 = arith.constant 0 : i32
      %scan3A_38 = arith.constant 8 : i32
      %scan3A_39 = arith.addi %scan3A_37, %scan3A_38 : i32
      %scan3A_40 = arith.constant 1 : i32
      scf.for %scan3A_42 = %scan3A_37 to %scan3A_39 step %scan3A_40  : i32 {
        %mul3A_43 = arith.constant 2 : i32
        %mul3A_44 = arith.muli %mul3A_43, %scan3A_42 : i32
        %add3A_45 = arith.constant 1 : i32
        %add3A_46 = arith.addi %mul3A_44, %add3A_45 : i32
        %dma_start3A_47 = arith.constant 0 : i32
        %dma_start3A_48 = tpu.memref_slice %arg6[%add3A_46, %dma_start3A_47] : memref<16x128xi32, #tpu.memory_space<vmem>> -> memref<1x128xi32, #tpu.memory_space<vmem>>
        %dma_start3A_49 = tpu.memref_squeeze %dma_start3A_48 : memref<1x128xi32, #tpu.memory_space<vmem>> -> memref<128xi32, #tpu.memory_space<vmem>>
        %dma_start3A_50 = arith.constant 0 : i32
        %dma_start3A_51 = arith.constant 0 : i32
        %dma_start3A_52 = tpu.memref_slice %arg2[%dma_start3A_50, %dma_start3A_51] : memref<10000x128xf32, #tpu.memory_space<hbm>> -> memref<10000x128xf32, #tpu.memory_space<hbm>>
        tpu.enqueue_indirect_dma source(%dma_start3A_52 : memref<10000x128xf32, #tpu.memory_space<hbm>>) target(%arg9 : memref<128x128xf32, #tpu.memory_space<vmem>>) offsets(%dma_start3A_49 : memref<128xi32, #tpu.memory_space<vmem>>) semaphore(%arg12 : memref<!tpu.dma_semaphore, #tpu.memory_space<semaphore_mem>>)
        %dma_wait3A = arith.constant 0 : i32
        %dma_wait3A_53 = tpu.memref_slice %arg6[%mul3A_44, %dma_wait3A] : memref<16x128xi32, #tpu.memory_space<vmem>> -> memref<1x128xi32, #tpu.memory_space<vmem>>
        %dma_wait3A_54 = tpu.memref_squeeze %dma_wait3A_53 : memref<1x128xi32, #tpu.memory_space<vmem>> -> memref<128xi32, #tpu.memory_space<vmem>>
        %dma_wait3A_55 = arith.constant 0 : i32
        %dma_wait3A_56 = arith.constant 0 : i32
        %dma_wait3A_57 = tpu.memref_slice %arg2[%dma_wait3A_55, %dma_wait3A_56] : memref<10000x128xf32, #tpu.memory_space<hbm>> -> memref<10000x128xf32, #tpu.memory_space<hbm>>
        tpu.wait_indirect_dma semaphore(%arg11 : memref<!tpu.dma_semaphore, #tpu.memory_space<semaphore_mem>>) src(%dma_wait3A_57 : memref<10000x128xf32, #tpu.memory_space<hbm>>) dst(%arg8 : memref<128x128xf32, #tpu.memory_space<vmem>>)
        "tpu.region"() ({
          %run_scoped3A = tpu.sem_alloc : memref<!tpu.dma_semaphore, #tpu.memory_space<semaphore_mem>>
          %dma_start3A_70 = arith.constant 0 : i32
          %dma_start3A_71 = tpu.memref_slice %arg7[%mul3A_44, %dma_start3A_70] : memref<16x128xi32, #tpu.memory_space<vmem>> -> memref<1x128xi32, #tpu.memory_space<vmem>>
          %dma_start3A_72 = tpu.memref_squeeze %dma_start3A_71 : memref<1x128xi32, #tpu.memory_space<vmem>> -> memref<128xi32, #tpu.memory_space<vmem>>
          %dma_start3A_73 = arith.constant 0 : i32
          %dma_start3A_74 = arith.constant 0 : i32
          %dma_start3A_75 = tpu.memref_slice %arg10[%dma_start3A_73, %dma_start3A_74] : memref<10240x128xf32, #tpu.memory_space<vmem_shared>> -> memref<10240x128xf32, #tpu.memory_space<vmem_shared>>
          tpu.enqueue_indirect_dma source(%arg8 : memref<128x128xf32, #tpu.memory_space<vmem>>) target(%dma_start3A_75 : memref<10240x128xf32, #tpu.memory_space<vmem_shared>>) offsets(%dma_start3A_72 : memref<128xi32, #tpu.memory_space<vmem>>) semaphore(%run_scoped3A : memref<!tpu.dma_semaphore, #tpu.memory_space<semaphore_mem>>) {add = true}
          %dma_wait3A_76 = arith.constant 0 : i32
          %dma_wait3A_77 = tpu.memref_slice %arg7[%mul3A_44, %dma_wait3A_76] : memref<16x128xi32, #tpu.memory_space<vmem>> -> memref<1x128xi32, #tpu.memory_space<vmem>>
          %dma_wait3A_78 = tpu.memref_squeeze %dma_wait3A_77 : memref<1x128xi32, #tpu.memory_space<vmem>> -> memref<128xi32, #tpu.memory_space<vmem>>
          %dma_wait3A_79 = arith.constant 0 : i32
          %dma_wait3A_80 = arith.constant 0 : i32
          %dma_wait3A_81 = tpu.memref_slice %arg10[%dma_wait3A_79, %dma_wait3A_80] : memref<10240x128xf32, #tpu.memory_space<vmem_shared>> -> memref<10240x128xf32, #tpu.memory_space<vmem_shared>>
          tpu.wait_indirect_dma semaphore(%run_scoped3A : memref<!tpu.dma_semaphore, #tpu.memory_space<semaphore_mem>>) src(%arg8 : memref<128x128xf32, #tpu.memory_space<vmem>>) dst(%dma_wait3A_81 : memref<10240x128xf32, #tpu.memory_space<vmem_shared>>)
          tpu.yield
        }) : () -> ()
        %lt3A = arith.constant 7 : i32
        %lt3A_58 = arith.cmpi slt, %scan3A_42, %lt3A : i32
        %convert_element_type3A = arith.extui %lt3A_58 : i1 to i32
        %cond3A = arith.constant 0 : i32
        %cond3A_59 = arith.cmpi ne, %convert_element_type3A, %cond3A : i32
        scf.if %cond3A_59 {
          %add3A_70 = arith.constant 2 : i32
          %add3A_71 = arith.addi %mul3A_44, %add3A_70 : i32
          %dma_start3A_72 = arith.constant 0 : i32
          %dma_start3A_73 = tpu.memref_slice %arg6[%add3A_71, %dma_start3A_72] : memref<16x128xi32, #tpu.memory_space<vmem>> -> memref<1x128xi32, #tpu.memory_space<vmem>>
          %dma_start3A_74 = tpu.memref_squeeze %dma_start3A_73 : memref<1x128xi32, #tpu.memory_space<vmem>> -> memref<128xi32, #tpu.memory_space<vmem>>
          %dma_start3A_75 = arith.constant 0 : i32
          %dma_start3A_76 = arith.constant 0 : i32
          %dma_start3A_77 = tpu.memref_slice %arg2[%dma_start3A_75, %dma_start3A_76] : memref<10000x128xf32, #tpu.memory_space<hbm>> -> memref<10000x128xf32, #tpu.memory_space<hbm>>
          tpu.enqueue_indirect_dma source(%dma_start3A_77 : memref<10000x128xf32, #tpu.memory_space<hbm>>) target(%arg8 : memref<128x128xf32, #tpu.memory_space<vmem>>) offsets(%dma_start3A_74 : memref<128xi32, #tpu.memory_space<vmem>>) semaphore(%arg11 : memref<!tpu.dma_semaphore, #tpu.memory_space<semaphore_mem>>)
        } else {
        }
        %add3A_60 = arith.constant 1 : i32
        %add3A_61 = arith.addi %mul3A_44, %add3A_60 : i32
        %dma_wait3A_62 = arith.constant 0 : i32
        %dma_wait3A_63 = tpu.memref_slice %arg6[%add3A_61, %dma_wait3A_62] : memref<16x128xi32, #tpu.memory_space<vmem>> -> memref<1x128xi32, #tpu.memory_space<vmem>>
        %dma_wait3A_64 = tpu.memref_squeeze %dma_wait3A_63 : memref<1x128xi32, #tpu.memory_space<vmem>> -> memref<128xi32, #tpu.memory_space<vmem>>
        %dma_wait3A_65 = arith.constant 0 : i32
        %dma_wait3A_66 = arith.constant 0 : i32
        %dma_wait3A_67 = tpu.memref_slice %arg2[%dma_wait3A_65, %dma_wait3A_66] : memref<10000x128xf32, #tpu.memory_space<hbm>> -> memref<10000x128xf32, #tpu.memory_space<hbm>>
        tpu.wait_indirect_dma semaphore(%arg12 : memref<!tpu.dma_semaphore, #tpu.memory_space<semaphore_mem>>) src(%dma_wait3A_67 : memref<10000x128xf32, #tpu.memory_space<hbm>>) dst(%arg9 : memref<128x128xf32, #tpu.memory_space<vmem>>)
        %add3A_68 = arith.constant 1 : i32
        %add3A_69 = arith.addi %mul3A_44, %add3A_68 : i32
        "tpu.region"() ({
          %run_scoped3A = tpu.sem_alloc : memref<!tpu.dma_semaphore, #tpu.memory_space<semaphore_mem>>
          %dma_start3A_70 = arith.constant 0 : i32
          %dma_start3A_71 = tpu.memref_slice %arg7[%add3A_69, %dma_start3A_70] : memref<16x128xi32, #tpu.memory_space<vmem>> -> memref<1x128xi32, #tpu.memory_space<vmem>>
          %dma_start3A_72 = tpu.memref_squeeze %dma_start3A_71 : memref<1x128xi32, #tpu.memory_space<vmem>> -> memref<128xi32, #tpu.memory_space<vmem>>
          %dma_start3A_73 = arith.constant 0 : i32
          %dma_start3A_74 = arith.constant 0 : i32
          %dma_start3A_75 = tpu.memref_slice %arg10[%dma_start3A_73, %dma_start3A_74] : memref<10240x128xf32, #tpu.memory_space<vmem_shared>> -> memref<10240x128xf32, #tpu.memory_space<vmem_shared>>
          tpu.enqueue_indirect_dma source(%arg9 : memref<128x128xf32, #tpu.memory_space<vmem>>) target(%dma_start3A_75 : memref<10240x128xf32, #tpu.memory_space<vmem_shared>>) offsets(%dma_start3A_72 : memref<128xi32, #tpu.memory_space<vmem>>) semaphore(%run_scoped3A : memref<!tpu.dma_semaphore, #tpu.memory_space<semaphore_mem>>) {add = true}
          %dma_wait3A_76 = arith.constant 0 : i32
          %dma_wait3A_77 = tpu.memref_slice %arg7[%add3A_69, %dma_wait3A_76] : memref<16x128xi32, #tpu.memory_space<vmem>> -> memref<1x128xi32, #tpu.memory_space<vmem>>
          %dma_wait3A_78 = tpu.memref_squeeze %dma_wait3A_77 : memref<1x128xi32, #tpu.memory_space<vmem>> -> memref<128xi32, #tpu.memory_space<vmem>>
          %dma_wait3A_79 = arith.constant 0 : i32
          %dma_wait3A_80 = arith.constant 0 : i32
          %dma_wait3A_81 = tpu.memref_slice %arg10[%dma_wait3A_79, %dma_wait3A_80] : memref<10240x128xf32, #tpu.memory_space<vmem_shared>> -> memref<10240x128xf32, #tpu.memory_space<vmem_shared>>
          tpu.wait_indirect_dma semaphore(%run_scoped3A : memref<!tpu.dma_semaphore, #tpu.memory_space<semaphore_mem>>) src(%arg9 : memref<128x128xf32, #tpu.memory_space<vmem>>) dst(%dma_wait3A_81 : memref<10240x128xf32, #tpu.memory_space<vmem_shared>>)
          tpu.yield
        }) : () -> ()
      }
      %scan3A_41 = arith.constant 8 : i32
    }
    %scan3A_19 = arith.constant 5 : i32
    %barrier3A_20 = arith.constant 0 : index
    tpu.barrier barrier_id(%barrier3A_20)
    %mul3A_21 = arith.constant 10240 : i32
    %mul3A_22 = arith.muli %arg0, %mul3A_21 : i32
    %add3A_23 = arith.addi %mul3A_22, %mul3A_7 : i32
    "tpu.region"() ({
      %run_scoped3A = tpu.sem_alloc : memref<!tpu.dma_semaphore, #tpu.memory_space<semaphore_mem>>
      %dma_start3A = arith.constant 0 : i32
      %dma_start3A_24 = tpu.memref_slice %arg5[%add3A_23, %dma_start3A] : memref<20480x128xf32, #tpu.memory_space<hbm>> -> memref<640x128xf32, #tpu.memory_space<hbm>>
      %dma_start3A_25 = arith.constant 0 : i32
      %dma_start3A_26 = tpu.memref_slice %arg10[%mul3A_7, %dma_start3A_25] : memref<10240x128xf32, #tpu.memory_space<vmem_shared>> -> memref<640x128xf32, #tpu.memory_space<vmem_shared>>
      tpu.enqueue_dma source(%dma_start3A_26 : memref<640x128xf32, #tpu.memory_space<vmem_shared>>) target(%dma_start3A_24 : memref<640x128xf32, #tpu.memory_space<hbm>>) target_semaphore(%run_scoped3A : memref<!tpu.dma_semaphore, #tpu.memory_space<semaphore_mem>>)
      %dma_wait3A = arith.constant 0 : i32
      %dma_wait3A_27 = tpu.memref_slice %arg5[%add3A_23, %dma_wait3A] : memref<20480x128xf32, #tpu.memory_space<hbm>> -> memref<640x128xf32, #tpu.memory_space<hbm>>
      %dma_wait3A_28 = arith.constant 0 : i32
      %dma_wait3A_29 = tpu.memref_slice %arg10[%mul3A_7, %dma_wait3A_28] : memref<10240x128xf32, #tpu.memory_space<vmem_shared>> -> memref<640x128xf32, #tpu.memory_space<vmem_shared>>
      tpu.wait_dma2 semaphore(%run_scoped3A : memref<!tpu.dma_semaphore, #tpu.memory_space<semaphore_mem>>) src(%dma_wait3A_29 : memref<640x128xf32, #tpu.memory_space<vmem_shared>>) dst(%dma_wait3A_27 : memref<640x128xf32, #tpu.memory_space<hbm>>)
      tpu.yield
    }) : () -> ()
    return
  }
}

module attributes {stable_mosaic.version = 14 : i64} {
  func.func @_tc_pre1(%arg0: memref<10000x128xf32, #tpu.memory_space<vmem>>, %arg1: memref<128x128xf32, #tpu.memory_space<vmem>>, %arg2: memref<10000x1xf32, #tpu.memory_space<vmem>>, %arg3: memref<10000x1xf32, #tpu.memory_space<vmem>>, %arg4: memref<10000x128xf32, #tpu.memory_space<vmem>>, %arg5: memref<10000x1xf32, #tpu.memory_space<vmem>>) attributes {dimension_semantics = [], scalar_prefetch = 0 : i64, scratch_operands = 0 : i64, tpu.core_type = #tpu.core_type<tc>} {
    %get3A = arith.constant 0 : index
    %get3A_0 = arith.constant 0 : index
    %get3A_1 = vector.load %arg2[%get3A, %get3A_0] : memref<10000x1xf32, #tpu.memory_space<vmem>>, vector<10000x1xf32>
    %get3A_2 = arith.constant 0 : index
    %get3A_3 = arith.constant 0 : index
    %get3A_4 = vector.load %arg3[%get3A_2, %get3A_3] : memref<10000x1xf32, #tpu.memory_space<vmem>>, vector<10000x1xf32>
    %add3A = arith.addf %get3A_1, %get3A_4 : vector<10000x1xf32>
    %add3A_5 = arith.constant 1.000000e+00 : f32
    %add3A_6 = vector.broadcast %add3A_5 : f32 to vector<10000x1xf32>
    %add3A_7 = arith.addf %add3A, %add3A_6 : vector<10000x1xf32>
    %sqrt3A = math.sqrt %add3A_7 : vector<10000x1xf32>
    %div3A = arith.constant 1.000000e+00 : f32
    %div3A_8 = vector.broadcast %div3A : f32 to vector<10000x1xf32>
    %div3A_9 = arith.divf %div3A_8, %sqrt3A : vector<10000x1xf32>
    %swap3A = arith.constant 0 : index
    %swap3A_10 = arith.constant 0 : index
    %swap3A_11 = vector.load %arg5[%swap3A, %swap3A_10] : memref<10000x1xf32, #tpu.memory_space<vmem>>, vector<10000x1xf32>
    tpu.vector_store %arg5[%swap3A, %swap3A_10], %div3A_9 {strides = array<i32>} : memref<10000x1xf32, #tpu.memory_space<vmem>>, vector<10000x1xf32>,
    %get3A_12 = arith.constant 0 : index
    %get3A_13 = arith.constant 0 : index
    %get3A_14 = vector.load %arg0[%get3A_12, %get3A_13] : memref<10000x128xf32, #tpu.memory_space<vmem>>, vector<10000x128xf32>
    %get3A_15 = arith.constant 0 : index
    %get3A_16 = arith.constant 0 : index
    %get3A_17 = vector.load %arg1[%get3A_15, %get3A_16] : memref<128x128xf32, #tpu.memory_space<vmem>>, vector<128x128xf32>
    %dot_general3A = arith.constant dense<0.000000e+00> : vector<10000x128xf32>
    %dot_general3A_18 = tpu.matmul %get3A_14, %get3A_17, %dot_general3A {dimension_numbers = #tpu.dot_dimension_numbers<[1], [0], [0], [1], [0, 0, 1, 1], [], []>, precision = #tpu.contract_precision<fp32>, transpose_lhs_hint = false} : vector<10000x128xf32>, vector<128x128xf32>, vector<10000x128xf32> -> vector<10000x128xf32>
    %mul3A = vector.broadcast %div3A_9 : vector<10000x1xf32> to vector<10000x128xf32>
    %mul3A_19 = arith.mulf %mul3A, %dot_general3A_18 : vector<10000x128xf32>
    %swap3A_20 = arith.constant 0 : index
    %swap3A_21 = arith.constant 0 : index
    %swap3A_22 = vector.load %arg4[%swap3A_20, %swap3A_21] : memref<10000x128xf32, #tpu.memory_space<vmem>>, vector<10000x128xf32>
    tpu.vector_store %arg4[%swap3A_20, %swap3A_21], %mul3A_19 {strides = array<i32>} : memref<10000x128xf32, #tpu.memory_space<vmem>>, vector<10000x128xf32>,
    return
  }
}

module attributes {stable_mosaic.version = 14 : i64} {
  func.func @_tc_mid(%arg0: memref<10000x128xf32, #tpu.memory_space<vmem>>, %arg1: memref<10000x128xf32, #tpu.memory_space<vmem>>, %arg2: memref<10000x128xf32, #tpu.memory_space<vmem>>, %arg3: memref<10000x1xf32, #tpu.memory_space<vmem>>, %arg4: memref<1x128xf32, #tpu.memory_space<vmem>>, %arg5: memref<128x128xf32, #tpu.memory_space<vmem>>, %arg6: memref<10000x128xf32, #tpu.memory_space<vmem>>) attributes {dimension_semantics = [], scalar_prefetch = 0 : i64, scratch_operands = 0 : i64, tpu.core_type = #tpu.core_type<tc>} {
    %get3A = arith.constant 0 : index
    %get3A_0 = arith.constant 0 : index
    %get3A_1 = vector.load %arg3[%get3A, %get3A_0] : memref<10000x1xf32, #tpu.memory_space<vmem>>, vector<10000x1xf32>
    %get3A_2 = arith.constant 0 : index
    %get3A_3 = arith.constant 0 : index
    %get3A_4 = vector.load %arg0[%get3A_2, %get3A_3] : memref<10000x128xf32, #tpu.memory_space<vmem>>, vector<10000x128xf32>
    %get3A_5 = arith.constant 0 : index
    %get3A_6 = arith.constant 0 : index
    %get3A_7 = vector.load %arg1[%get3A_5, %get3A_6] : memref<10000x128xf32, #tpu.memory_space<vmem>>, vector<10000x128xf32>
    %add3A = arith.addf %get3A_4, %get3A_7 : vector<10000x128xf32>
    %get3A_8 = arith.constant 0 : index
    %get3A_9 = arith.constant 0 : index
    %get3A_10 = vector.load %arg2[%get3A_8, %get3A_9] : memref<10000x128xf32, #tpu.memory_space<vmem>>, vector<10000x128xf32>
    %add3A_11 = arith.addf %add3A, %get3A_10 : vector<10000x128xf32>
    %mul3A = vector.broadcast %get3A_1 : vector<10000x1xf32> to vector<10000x128xf32>
    %mul3A_12 = arith.mulf %mul3A, %add3A_11 : vector<10000x128xf32>
    %get3A_13 = arith.constant 0 : index
    %get3A_14 = arith.constant 0 : index
    %get3A_15 = vector.load %arg4[%get3A_13, %get3A_14] : memref<1x128xf32, #tpu.memory_space<vmem>>, vector<1x128xf32>
    %add3A_16 = vector.broadcast %get3A_15 : vector<1x128xf32> to vector<10000x128xf32>
    %add3A_17 = arith.addf %mul3A_12, %add3A_16 : vector<10000x128xf32>
    %max3A = arith.constant 0.000000e+00 : f32
    %max3A_18 = vector.broadcast %max3A : f32 to vector<10000x128xf32>
    %max3A_19 = arith.maximumf %add3A_17, %max3A_18 : vector<10000x128xf32>
    %get3A_20 = arith.constant 0 : index
    %get3A_21 = arith.constant 0 : index
    %get3A_22 = vector.load %arg3[%get3A_20, %get3A_21] : memref<10000x1xf32, #tpu.memory_space<vmem>>, vector<10000x1xf32>
    %get3A_23 = arith.constant 0 : index
    %get3A_24 = arith.constant 0 : index
    %get3A_25 = vector.load %arg5[%get3A_23, %get3A_24] : memref<128x128xf32, #tpu.memory_space<vmem>>, vector<128x128xf32>
    %dot_general3A = arith.constant dense<0.000000e+00> : vector<10000x128xf32>
    %dot_general3A_26 = tpu.matmul %max3A_19, %get3A_25, %dot_general3A {dimension_numbers = #tpu.dot_dimension_numbers<[1], [0], [0], [1], [0, 0, 1, 1], [], []>, precision = #tpu.contract_precision<fp32>, transpose_lhs_hint = false} : vector<10000x128xf32>, vector<128x128xf32>, vector<10000x128xf32> -> vector<10000x128xf32>
    %mul3A_27 = vector.broadcast %get3A_22 : vector<10000x1xf32> to vector<10000x128xf32>
    %mul3A_28 = arith.mulf %mul3A_27, %dot_general3A_26 : vector<10000x128xf32>
    %swap3A = arith.constant 0 : index
    %swap3A_29 = arith.constant 0 : index
    %swap3A_30 = vector.load %arg6[%swap3A, %swap3A_29] : memref<10000x128xf32, #tpu.memory_space<vmem>>, vector<10000x128xf32>
    tpu.vector_store %arg6[%swap3A, %swap3A_29], %mul3A_28 {strides = array<i32>} : memref<10000x128xf32, #tpu.memory_space<vmem>>, vector<10000x128xf32>,
    return
  }
}

module attributes {stable_mosaic.version = 14 : i64} {
  func.func @_tc_post(%arg0: memref<10000x128xf32, #tpu.memory_space<vmem>>, %arg1: memref<10000x128xf32, #tpu.memory_space<vmem>>, %arg2: memref<10000x128xf32, #tpu.memory_space<vmem>>, %arg3: memref<10000x1xf32, #tpu.memory_space<vmem>>, %arg4: memref<1x128xf32, #tpu.memory_space<vmem>>, %arg5: memref<10000x128xf32, #tpu.memory_space<vmem>>, %arg6: memref<1x128xf32, #tpu.memory_space<vmem>>) attributes {dimension_semantics = [], scalar_prefetch = 0 : i64, scratch_operands = 0 : i64, tpu.core_type = #tpu.core_type<tc>} {
    %get3A = arith.constant 0 : index
    %get3A_0 = arith.constant 0 : index
    %get3A_1 = vector.load %arg3[%get3A, %get3A_0] : memref<10000x1xf32, #tpu.memory_space<vmem>>, vector<10000x1xf32>
    %get3A_2 = arith.constant 0 : index
    %get3A_3 = arith.constant 0 : index
    %get3A_4 = vector.load %arg0[%get3A_2, %get3A_3] : memref<10000x128xf32, #tpu.memory_space<vmem>>, vector<10000x128xf32>
    %get3A_5 = arith.constant 0 : index
    %get3A_6 = arith.constant 0 : index
    %get3A_7 = vector.load %arg1[%get3A_5, %get3A_6] : memref<10000x128xf32, #tpu.memory_space<vmem>>, vector<10000x128xf32>
    %add3A = arith.addf %get3A_4, %get3A_7 : vector<10000x128xf32>
    %get3A_8 = arith.constant 0 : index
    %get3A_9 = arith.constant 0 : index
    %get3A_10 = vector.load %arg2[%get3A_8, %get3A_9] : memref<10000x128xf32, #tpu.memory_space<vmem>>, vector<10000x128xf32>
    %add3A_11 = arith.addf %add3A, %get3A_10 : vector<10000x128xf32>
    %mul3A = vector.broadcast %get3A_1 : vector<10000x1xf32> to vector<10000x128xf32>
    %mul3A_12 = arith.mulf %mul3A, %add3A_11 : vector<10000x128xf32>
    %get3A_13 = arith.constant 0 : index
    %get3A_14 = arith.constant 0 : index
    %get3A_15 = vector.load %arg4[%get3A_13, %get3A_14] : memref<1x128xf32, #tpu.memory_space<vmem>>, vector<1x128xf32>
    %add3A_16 = vector.broadcast %get3A_15 : vector<1x128xf32> to vector<10000x128xf32>
    %add3A_17 = arith.addf %mul3A_12, %add3A_16 : vector<10000x128xf32>
    %max3A = arith.constant 0.000000e+00 : f32
    %max3A_18 = vector.broadcast %max3A : f32 to vector<10000x128xf32>
    %max3A_19 = arith.maximumf %add3A_17, %max3A_18 : vector<10000x128xf32>
    %mul3A_20 = arith.mulf %max3A_19, %max3A_19 : vector<10000x128xf32>
    %reduce_sum3A = arith.constant dense<0.000000e+00> : vector<10000xf32>
    %reduce_sum3A_21 = vector.multi_reduction <add>, %mul3A_20, %reduce_sum3A [1] : vector<10000x128xf32> to vector<10000xf32>
    %broadcast_in_dim3A = vector.shape_cast %reduce_sum3A_21 : vector<10000xf32> to vector<10000x1xf32>
    %sqrt3A = math.sqrt %broadcast_in_dim3A : vector<10000x1xf32>
    %max3A_22 = arith.constant 9.99999996E-13 : f32
    %max3A_23 = vector.broadcast %max3A_22 : f32 to vector<10000x1xf32>
    %max3A_24 = arith.maximumf %sqrt3A, %max3A_23 : vector<10000x1xf32>
    %div3A = vector.broadcast %max3A_24 : vector<10000x1xf32> to vector<10000x128xf32>
    %div3A_25 = arith.divf %max3A_19, %div3A : vector<10000x128xf32>
    %swap3A = arith.constant 0 : index
    %swap3A_26 = arith.constant 0 : index
    %swap3A_27 = vector.load %arg5[%swap3A, %swap3A_26] : memref<10000x128xf32, #tpu.memory_space<vmem>>, vector<10000x128xf32>
    tpu.vector_store %arg5[%swap3A, %swap3A_26], %div3A_25 {strides = array<i32>} : memref<10000x128xf32, #tpu.memory_space<vmem>>, vector<10000x128xf32>,
    %reduce_sum3A_28 = arith.constant dense<0.000000e+00> : vector<128xf32>
    %reduce_sum3A_29 = vector.multi_reduction <add>, %div3A_25, %reduce_sum3A_28 [0] : vector<10000x128xf32> to vector<128xf32>
    %broadcast_in_dim3A_30 = vector.shape_cast %reduce_sum3A_29 : vector<128xf32> to vector<1x128xf32>
    %swap3A_31 = arith.constant 0 : index
    %swap3A_32 = arith.constant 0 : index
    %swap3A_33 = vector.load %arg6[%swap3A_31, %swap3A_32] : memref<1x128xf32, #tpu.memory_space<vmem>>, vector<1x128xf32>
    tpu.vector_store %arg6[%swap3A_31, %swap3A_32], %broadcast_in_dim3A_30 {strides = array<i32>} : memref<1x128xf32, #tpu.memory_space<vmem>>, vector<1x128xf32>,
    return
  }
}

module attributes {stable_mosaic.version = 14 : i64} {
  func.func @_tc_sim_loss(%arg0: i32, %arg1: memref<256x128xf32, #tpu.memory_space<vmem>>, %arg2: memref<5x128x2000xf32, #tpu.memory_space<vmem>>, %arg3: memref<256x1xi32, #tpu.memory_space<vmem>>, %arg4: memref<1x128xf32, #tpu.memory_space<vmem>>, %arg5: memref<256x2000xf32, #tpu.memory_space<vmem>>, %arg6: memref<1x1xf32, #tpu.memory_space<vmem>>, %arg7: memref<2xf32, #tpu.memory_space<smem>>) attributes {dimension_semantics = [#tpu.dimension_semantics<arbitrary>], iteration_bounds = array<i64: 4>, scalar_prefetch = 0 : i64, scratch_operands = 1 : i64, tpu.core_type = #tpu.core_type<tc>, window_params = [{transform_indices = @transform_0, window_bounds = array<i64: 256, 128>}, {pipeline_mode = #tpu.pipeline_mode<synchronous>, transform_indices = @transform_1, window_bounds = array<i64: 5, 128, 2000>}, {transform_indices = @transform_2, window_bounds = array<i64: 256, 1>}, {pipeline_mode = #tpu.pipeline_mode<synchronous>, transform_indices = @transform_3, window_bounds = array<i64: 1, 128>}, {transform_indices = @transform_4, window_bounds = array<i64: 256, 2000>}, {pipeline_mode = #tpu.pipeline_mode<synchronous>, transform_indices = @transform_5, window_bounds = array<i64: 1, 1>}]} {
    %get3A = arith.constant 0 : index
    %get3A_0 = arith.constant 0 : index
    %get3A_1 = vector.load %arg1[%get3A, %get3A_0] : memref<256x128xf32, #tpu.memory_space<vmem>>, vector<256x128xf32>
    %mul3A = arith.mulf %get3A_1, %get3A_1 : vector<256x128xf32>
    %reduce_sum3A = arith.constant dense<0.000000e+00> : vector<256xf32>
    %reduce_sum3A_2 = vector.multi_reduction <add>, %mul3A, %reduce_sum3A [1] : vector<256x128xf32> to vector<256xf32>
    %broadcast_in_dim3A = vector.shape_cast %reduce_sum3A_2 : vector<256xf32> to vector<256x1xf32>
    %sqrt3A = math.sqrt %broadcast_in_dim3A : vector<256x1xf32>
    %max3A = arith.constant 9.99999996E-13 : f32
    %max3A_3 = vector.broadcast %max3A : f32 to vector<256x1xf32>
    %max3A_4 = arith.maximumf %sqrt3A, %max3A_3 : vector<256x1xf32>
    %div3A = vector.broadcast %max3A_4 : vector<256x1xf32> to vector<256x128xf32>
    %div3A_5 = arith.divf %get3A_1, %div3A : vector<256x128xf32>
    %get3A_6 = arith.constant 0 : index
    %get3A_7 = arith.constant 0 : index
    %get3A_8 = arith.constant 0 : index
    %get3A_9 = vector.load %arg2[%get3A_6, %get3A_7, %get3A_8] : memref<5x128x2000xf32, #tpu.memory_space<vmem>>, vector<1x128x2000xf32>
    %get3A_10 = vector.shape_cast %get3A_9 : vector<1x128x2000xf32> to vector<128x2000xf32>
    %dot_general3A = arith.constant dense<0.000000e+00> : vector<256x2000xf32>
    %dot_general3A_11 = tpu.matmul %div3A_5, %get3A_10, %dot_general3A {dimension_numbers = #tpu.dot_dimension_numbers<[1], [0], [0], [1], [0, 0, 1, 1], [], []>, precision = #tpu.contract_precision<fp32>, transpose_lhs_hint = false} : vector<256x128xf32>, vector<128x2000xf32>, vector<256x2000xf32> -> vector<256x2000xf32>
    %get3A_12 = arith.constant 1 : index
    %get3A_13 = arith.constant 0 : index
    %get3A_14 = arith.constant 0 : index
    %get3A_15 = vector.load %arg2[%get3A_12, %get3A_13, %get3A_14] : memref<5x128x2000xf32, #tpu.memory_space<vmem>>, vector<1x128x2000xf32>
    %get3A_16 = vector.shape_cast %get3A_15 : vector<1x128x2000xf32> to vector<128x2000xf32>
    %dot_general3A_17 = arith.constant dense<0.000000e+00> : vector<256x2000xf32>
    %dot_general3A_18 = tpu.matmul %div3A_5, %get3A_16, %dot_general3A_17 {dimension_numbers = #tpu.dot_dimension_numbers<[1], [0], [0], [1], [0, 0, 1, 1], [], []>, precision = #tpu.contract_precision<fp32>, transpose_lhs_hint = false} : vector<256x128xf32>, vector<128x2000xf32>, vector<256x2000xf32> -> vector<256x2000xf32>
    %max3A_19 = arith.maximumf %dot_general3A_11, %dot_general3A_18 : vector<256x2000xf32>
    %get3A_20 = arith.constant 2 : index
    %get3A_21 = arith.constant 0 : index
    %get3A_22 = arith.constant 0 : index
    %get3A_23 = vector.load %arg2[%get3A_20, %get3A_21, %get3A_22] : memref<5x128x2000xf32, #tpu.memory_space<vmem>>, vector<1x128x2000xf32>
    %get3A_24 = vector.shape_cast %get3A_23 : vector<1x128x2000xf32> to vector<128x2000xf32>
    %dot_general3A_25 = arith.constant dense<0.000000e+00> : vector<256x2000xf32>
    %dot_general3A_26 = tpu.matmul %div3A_5, %get3A_24, %dot_general3A_25 {dimension_numbers = #tpu.dot_dimension_numbers<[1], [0], [0], [1], [0, 0, 1, 1], [], []>, precision = #tpu.contract_precision<fp32>, transpose_lhs_hint = false} : vector<256x128xf32>, vector<128x2000xf32>, vector<256x2000xf32> -> vector<256x2000xf32>
    %max3A_27 = arith.maximumf %max3A_19, %dot_general3A_26 : vector<256x2000xf32>
    %get3A_28 = arith.constant 3 : index
    %get3A_29 = arith.constant 0 : index
    %get3A_30 = arith.constant 0 : index
    %get3A_31 = vector.load %arg2[%get3A_28, %get3A_29, %get3A_30] : memref<5x128x2000xf32, #tpu.memory_space<vmem>>, vector<1x128x2000xf32>
    %get3A_32 = vector.shape_cast %get3A_31 : vector<1x128x2000xf32> to vector<128x2000xf32>
    %dot_general3A_33 = arith.constant dense<0.000000e+00> : vector<256x2000xf32>
    %dot_general3A_34 = tpu.matmul %div3A_5, %get3A_32, %dot_general3A_33 {dimension_numbers = #tpu.dot_dimension_numbers<[1], [0], [0], [1], [0, 0, 1, 1], [], []>, precision = #tpu.contract_precision<fp32>, transpose_lhs_hint = false} : vector<256x128xf32>, vector<128x2000xf32>, vector<256x2000xf32> -> vector<256x2000xf32>
    %max3A_35 = arith.maximumf %max3A_27, %dot_general3A_34 : vector<256x2000xf32>
    %get3A_36 = arith.constant 4 : index
    %get3A_37 = arith.constant 0 : index
    %get3A_38 = arith.constant 0 : index
    %get3A_39 = vector.load %arg2[%get3A_36, %get3A_37, %get3A_38] : memref<5x128x2000xf32, #tpu.memory_space<vmem>>, vector<1x128x2000xf32>
    %get3A_40 = vector.shape_cast %get3A_39 : vector<1x128x2000xf32> to vector<128x2000xf32>
    %dot_general3A_41 = arith.constant dense<0.000000e+00> : vector<256x2000xf32>
    %dot_general3A_42 = tpu.matmul %div3A_5, %get3A_40, %dot_general3A_41 {dimension_numbers = #tpu.dot_dimension_numbers<[1], [0], [0], [1], [0, 0, 1, 1], [], []>, precision = #tpu.contract_precision<fp32>, transpose_lhs_hint = false} : vector<256x128xf32>, vector<128x2000xf32>, vector<256x2000xf32> -> vector<256x2000xf32>
    %max3A_43 = arith.maximumf %max3A_35, %dot_general3A_42 : vector<256x2000xf32>
    %add3A = arith.constant 1.000000e+00 : f32
    %add3A_44 = vector.broadcast %add3A : f32 to vector<256x2000xf32>
    %add3A_45 = arith.addf %add3A_44, %max3A_43 : vector<256x2000xf32>
    %mul3A_46 = arith.constant 5.000000e-01 : f32
    %mul3A_47 = vector.broadcast %mul3A_46 : f32 to vector<256x2000xf32>
    %mul3A_48 = arith.mulf %add3A_45, %mul3A_47 : vector<256x2000xf32>
    %swap3A = arith.constant 0 : index
    %swap3A_49 = arith.constant 0 : index
    %swap3A_50 = vector.load %arg5[%swap3A, %swap3A_49] : memref<256x2000xf32, #tpu.memory_space<vmem>>, vector<256x2000xf32>
    tpu.vector_store %arg5[%swap3A, %swap3A_49], %mul3A_48 {strides = array<i32>} : memref<256x2000xf32, #tpu.memory_space<vmem>>, vector<256x2000xf32>,
    %get3A_51 = arith.constant 0 : index
    %get3A_52 = arith.constant 0 : index
    %get3A_53 = vector.load %arg3[%get3A_51, %get3A_52] : memref<256x1xi32, #tpu.memory_space<vmem>>, vector<256x1xi32>
    %iota3A = tpu.iota {dimensions = array<i32: 1>} : vector<256x2000xi32>
    %eq3A = vector.broadcast %get3A_53 : vector<256x1xi32> to vector<256x2000xi32>
    %eq3A_54 = arith.cmpi eq, %iota3A, %eq3A : vector<256x2000xi32>
    %jit3A = arith.constant 0.000000e+00 : f32
    %broadcast_in_dim3A_55 = vector.broadcast %jit3A : f32 to vector<256x2000xf32>
    %select_n3A = arith.select %eq3A_54, %mul3A_48, %broadcast_in_dim3A_55 : vector<256x2000xi1>, vector<256x2000xf32>
    %reduce_sum3A_56 = arith.constant dense<0.000000e+00> : vector<256xf32>
    %reduce_sum3A_57 = vector.multi_reduction <add>, %select_n3A, %reduce_sum3A_56 [1] : vector<256x2000xf32> to vector<256xf32>
    %broadcast_in_dim3A_58 = vector.shape_cast %reduce_sum3A_57 : vector<256xf32> to vector<256x1xf32>
    %reduce_max3A = arith.constant dense<0xFF800000> : vector<256xf32>
    %reduce_max3A_59 = vector.multi_reduction <maximumf>, %mul3A_48, %reduce_max3A [1] : vector<256x2000xf32> to vector<256xf32>
    %broadcast_in_dim3A_60 = vector.shape_cast %reduce_max3A_59 : vector<256xf32> to vector<256x1xf32>
    %exp3A = math.exp %mul3A_48 : vector<256x2000xf32>
    %reduce_sum3A_61 = arith.constant dense<0.000000e+00> : vector<256xf32>
    %reduce_sum3A_62 = vector.multi_reduction <add>, %exp3A, %reduce_sum3A_61 [1] : vector<256x2000xf32> to vector<256xf32>
    %broadcast_in_dim3A_63 = vector.shape_cast %reduce_sum3A_62 : vector<256xf32> to vector<256x1xf32>
    %sub3A = arith.subf %broadcast_in_dim3A_58, %broadcast_in_dim3A_60 : vector<256x1xf32>
    %gt3A = arith.constant -1.000000e-01 : f32
    %gt3A_64 = vector.broadcast %gt3A : f32 to vector<256x1xf32>
    %gt3A_65 = arith.cmpf ogt, %sub3A, %gt3A_64 : vector<256x1xf32>
    %convert_element_type3A = arith.extui %gt3A_65 : vector<256x1xi1> to vector<256x1xi32>
    %convert_element_type3A_66 = arith.sitofp %convert_element_type3A : vector<256x1xi32> to vector<256x1xf32>
    %log3A = math.log %broadcast_in_dim3A_63 : vector<256x1xf32>
    %sub3A_67 = arith.subf %log3A, %broadcast_in_dim3A_58 : vector<256x1xf32>
    %mul3A_68 = arith.mulf %sub3A_67, %convert_element_type3A_66 : vector<256x1xf32>
    %reduce_sum3A_69 = vector.shape_cast %mul3A_68 : vector<256x1xf32> to vector<1x256x1xf32>
    %reduce_sum3A_70 = arith.constant dense<0.000000e+00> : vector<1xf32>
    %reduce_sum3A_71 = vector.multi_reduction <add>, %reduce_sum3A_69, %reduce_sum3A_70 [1, 2] : vector<1x256x1xf32> to vector<1xf32>
    %reduce_sum3A_72 = vector.shape_cast %reduce_sum3A_71 : vector<1xf32> to vector<1x1x1xf32>
    %reduce_sum3A_73 = vector.extract %reduce_sum3A_72[0, 0, 0] : f32 from vector<1x1x1xf32>
    %reduce_sum3A_74 = vector.shape_cast %convert_element_type3A_66 : vector<256x1xf32> to vector<1x256x1xf32>
    %reduce_sum3A_75 = arith.constant dense<0.000000e+00> : vector<1xf32>
    %reduce_sum3A_76 = vector.multi_reduction <add>, %reduce_sum3A_74, %reduce_sum3A_75 [1, 2] : vector<1x256x1xf32> to vector<1xf32>
    %reduce_sum3A_77 = vector.shape_cast %reduce_sum3A_76 : vector<1xf32> to vector<1x1x1xf32>
    %reduce_sum3A_78 = vector.extract %reduce_sum3A_77[0, 0, 0] : f32 from vector<1x1x1xf32>
    %eq3A_79 = arith.constant 0 : i32
    %eq3A_80 = arith.cmpi eq, %arg0, %eq3A_79 : i32
    %convert_element_type3A_81 = arith.extui %eq3A_80 : i1 to i32
    %cond3A = arith.constant 0 : i32
    %cond3A_82 = arith.cmpi ne, %convert_element_type3A_81, %cond3A : i32
    scf.if %cond3A_82 {
      %swap3A_93 = arith.constant 0 : index
      %swap3A_94 = memref.load %arg7[%swap3A_93] : memref<2xf32, #tpu.memory_space<smem>>
      memref.store %reduce_sum3A_73, %arg7[%swap3A_93] : memref<2xf32, #tpu.memory_space<smem>>
      %swap3A_95 = arith.constant 1 : index
      %swap3A_96 = memref.load %arg7[%swap3A_95] : memref<2xf32, #tpu.memory_space<smem>>
      memref.store %reduce_sum3A_78, %arg7[%swap3A_95] : memref<2xf32, #tpu.memory_space<smem>>
    } else {
    }
    %gt3A_83 = arith.constant 0 : i32
    %gt3A_84 = arith.cmpi sgt, %arg0, %gt3A_83 : i32
    %convert_element_type3A_85 = arith.extui %gt3A_84 : i1 to i32
    %cond3A_86 = arith.constant 0 : i32
    %cond3A_87 = arith.cmpi ne, %convert_element_type3A_85, %cond3A_86 : i32
    scf.if %cond3A_87 {
      %get3A_93 = arith.constant 0 : index
      %get3A_94 = memref.load %arg7[%get3A_93] : memref<2xf32, #tpu.memory_space<smem>>
      %add3A_95 = arith.addf %get3A_94, %reduce_sum3A_73 : f32
      %swap3A_96 = arith.constant 0 : index
      %swap3A_97 = memref.load %arg7[%swap3A_96] : memref<2xf32, #tpu.memory_space<smem>>
      memref.store %add3A_95, %arg7[%swap3A_96] : memref<2xf32, #tpu.memory_space<smem>>
      %get3A_98 = arith.constant 1 : index
      %get3A_99 = memref.load %arg7[%get3A_98] : memref<2xf32, #tpu.memory_space<smem>>
      %add3A_100 = arith.addf %get3A_99, %reduce_sum3A_78 : f32
      %swap3A_101 = arith.constant 1 : index
      %swap3A_102 = memref.load %arg7[%swap3A_101] : memref<2xf32, #tpu.memory_space<smem>>
      memref.store %add3A_100, %arg7[%swap3A_101] : memref<2xf32, #tpu.memory_space<smem>>
    } else {
    }
    %eq3A_88 = arith.constant 3 : i32
    %eq3A_89 = arith.cmpi eq, %arg0, %eq3A_88 : i32
    %convert_element_type3A_90 = arith.extui %eq3A_89 : i1 to i32
    %cond3A_91 = arith.constant 0 : i32
    %cond3A_92 = arith.cmpi ne, %convert_element_type3A_90, %cond3A_91 : i32
    scf.if %cond3A_92 {
      %get3A_93 = arith.constant 0 : index
      %get3A_94 = arith.constant 0 : index
      %get3A_95 = vector.load %arg4[%get3A_93, %get3A_94] : memref<1x128xf32, #tpu.memory_space<vmem>>, vector<1x128xf32>
      %mul3A_96 = arith.mulf %get3A_95, %get3A_95 : vector<1x128xf32>
      %reduce_sum3A_97 = vector.shape_cast %mul3A_96 : vector<1x128xf32> to vector<1x1x128xf32>
      %reduce_sum3A_98 = arith.constant dense<0.000000e+00> : vector<1xf32>
      %reduce_sum3A_99 = vector.multi_reduction <add>, %reduce_sum3A_97, %reduce_sum3A_98 [1, 2] : vector<1x1x128xf32> to vector<1xf32>
      %reduce_sum3A_100 = vector.shape_cast %reduce_sum3A_99 : vector<1xf32> to vector<1x1x1xf32>
      %reduce_sum3A_101 = vector.extract %reduce_sum3A_100[0, 0, 0] : f32 from vector<1x1x1xf32>
      %neg3A = arith.constant 0.000000e+00 : f32
      %neg3A_102 = arith.subf %neg3A, %reduce_sum3A_101 : f32
      %div3A_103 = arith.constant 1.000000e+08 : f32
      %div3A_104 = arith.divf %neg3A_102, %div3A_103 : f32
      %get3A_105 = arith.constant 1 : index
      %get3A_106 = memref.load %arg7[%get3A_105] : memref<2xf32, #tpu.memory_space<smem>>
      %get3A_107 = arith.constant 0 : index
      %get3A_108 = memref.load %arg7[%get3A_107] : memref<2xf32, #tpu.memory_space<smem>>
      %max3A_109 = arith.constant 1.000000e+00 : f32
      %max3A_110 = arith.maximumf %get3A_106, %max3A_109 : f32
      %div3A_111 = arith.divf %get3A_108, %max3A_110 : f32
      %mul3A_112 = arith.constant 1.000000e-01 : f32
      %mul3A_113 = arith.mulf %mul3A_112, %div3A_104 : f32
      %add3A_114 = arith.addf %div3A_111, %mul3A_113 : f32
      %eq3A_115 = arith.constant 0.000000e+00 : f32
      %eq3A_116 = arith.cmpf oeq, %get3A_106, %eq3A_115 : f32
      %jit3A_117 = arith.constant 0.000000e+00 : f32
      %select_n3A_118 = arith.select %eq3A_116, %jit3A_117, %add3A_114 : f32
      %broadcast_in_dim3A_119 = vector.broadcast %select_n3A_118 : f32 to vector<1x1xf32>
      %swap3A_120 = arith.constant 0 : index
      %swap3A_121 = arith.constant 0 : index
      %swap3A_122 = vector.load %arg6[%swap3A_120, %swap3A_121] : memref<1x1xf32, #tpu.memory_space<vmem>>, vector<1x1xf32>
      tpu.vector_store %arg6[%swap3A_120, %swap3A_121], %broadcast_in_dim3A_119 {strides = array<i32>} : memref<1x1xf32, #tpu.memory_space<vmem>>, vector<1x1xf32>,
    } else {
    }
    return
  }
  func.func @transform_0(%arg0: i32) -> (i32, i32) {
    %c0_i32 = arith.constant 0 : i32
    %c0_i32_0 = arith.constant 0 : i32
    return %arg0, %c0_i32 : i32, i32
  }
  func.func @transform_1(%arg0: i32) -> (i32, i32, i32) {
    %c0_i32 = arith.constant 0 : i32
    %c0_i32_0 = arith.constant 0 : i32
    %c0_i32_1 = arith.constant 0 : i32
    %c0_i32_2 = arith.constant 0 : i32
    return %c0_i32, %c0_i32_0, %c0_i32_1 : i32, i32, i32
  }
  func.func @transform_2(%arg0: i32) -> (i32, i32) {
    %c0_i32 = arith.constant 0 : i32
    %c0_i32_0 = arith.constant 0 : i32
    return %arg0, %c0_i32 : i32, i32
  }
  func.func @transform_3(%arg0: i32) -> (i32, i32) {
    %c0_i32 = arith.constant 0 : i32
    %c0_i32_0 = arith.constant 0 : i32
    %c0_i32_1 = arith.constant 0 : i32
    return %c0_i32, %c0_i32_0 : i32, i32
  }
  func.func @transform_4(%arg0: i32) -> (i32, i32) {
    %c0_i32 = arith.constant 0 : i32
    %c0_i32_0 = arith.constant 0 : i32
    return %arg0, %c0_i32 : i32, i32
  }
  func.func @transform_5(%arg0: i32) -> (i32, i32) {
    %c0_i32 = arith.constant 0 : i32
    %c0_i32_0 = arith.constant 0 : i32
    %c0_i32_1 = arith.constant 0 : i32
    return %c0_i32, %c0_i32_0 : i32, i32
  }
}

</mosaic_0001>

<sc_bundles>
// kernel: kernel.12.cloned.1.call-start
scs
__scs_entry_jumppad:
0x0: {  	(pc) =	sbr.rel $0x88, $3  }
0x1: {  	(tag) =	ssettag $0x0;
	lr =	simm.s32 $0x1  }
0x2: {  	[smem:$0x3F98] =	sst lr;
	_ =	strace $0xD0000000  }
0x3: {  	_ = 	snop  }
0x4: {  	_ = 	snop  }
0x5: {  	_ = 	snop  }
0x6: {  	_ = 	snop  }
0x7: {  	_ = 	snop  }
__scs_overlays_trampoline_lowered:
0x8: {  	[smem:$0x3FA7] =	sst s0  }
0x9: {  	[smem:$0x3FA8] =	sst s1  }
0xa: {  	[smem:$0x3FA9] =	sst s2  }
0xb: {  	[smem:$0x3FAA] =	sst s3  }
0xc: {  	[smem:$0x3FAB] =	sst s4  }
0xd: {  	[smem:$0x3FAC] =	sst s5  }
0xe: {  	[smem:$0x3FAD] =	sst s6  }
0xf: {  	[smem:$0x3FAE] =	sst s7  }
0x10: {  	[smem:$0x3FAF] =	sst s8  }
0x11: {  	[smem:$0x3FB0] =	sst s9;
	s0 =	simm.s32 @!p0 $0x0  }
0x12: {  	s1 =	sld [smem:$0x3F96];
	s0 =	simm.s32 @p0 $0x1  }
0x13: {  	[smem:$0x3FB1] =	sst s0;
	s0 =	simm.s32 @!p1 $0x0  }
0x14: {  	s2 =	sld [smem:$0x3F95];
	s0 =	simm.s32 @p1 $0x1  }
0x15: {  	[smem:$0x3FB2] =	sst s0;
	s0 =	simm.s32 @!p2 $0x0  }
0x16: {  	s3 =	sld [smem:$0x3FDB];
	s0 =	simm.s32 @p2 $0x1  }
0x17: {  	s4 =	simm.s32 $0x1BF5;
	[smem:$0x3FB4] =	sst s0  }
0x18: {  	s0 =	sld [smem:$0x3F97];
	_ =	swait.ge [sflag:s4], $0x0  }
0x19: {  	s7 =	sld [smem:$0x3F98]  }
0x1a: {  	s8 =	sadd.s32 $0xFFFFE003, lr  }
0x1b: {  	s9 =	sadd.s32 $0xFFFFFEF7, lr;
	s5 =	simm.s32 $0xFFFFFFFF;
	p2 =	slt.u32 s8, $0xFFFFF086  }
0x1c: {  	p1 =	slt.u32 s9, $0xF7A;
	s5 =	simm.s32 @!p2 $0x0  }
0x1d: {  	s5 =	simm.s32 @p1 $0x1;
	p0 =	seq.s32 s7, s2  }
0x1e: {  	s7 =	smul.u32 @!p0 $0xF7A, s2;
	p2 =	seq.s32 @!p0 s5, $0x0  }
0x1f: {  	s9 =	smul.u32 $0xF7A, s1;
	s8 =	simm.s32 @!p0 $0x1BF5;
	p2 =	por !p2, p0  }
0x20: {  	[sflag:s8] =	ssyncset.s32 @!p0 $0xFFFFF086;
	s6 =	sadd.s32 @!p0 s3, s7;
	s7 =	simm.s32 @!p0 $0x108  }
0x21: {  	s3 =	sadd.s32 s3, s9;
	s6 =	sadd.s32 @!p0 $0x88, s6;
	s7 =	simm.s32 @p2 $0x1082  }
0x22: {  	[simem:s7], [sflag:s8] =	dma.local @!p0 [hbm:s6], $0xF7A  }
0x23: {  	s9 =	sor.u32 $0xD0000000, s2;
	s6 =	simm.s32 $0x108;
	_ =	swait.ge @!p0 [sflag:s8], $0x0  }
0x24: {  	s3 =	sadd.s32 $0x88, s3;
	s6 =	simm.s32 @!p1 $0x1082;
	[sflag:s4] =	ssyncset.s32 $0xFFFFF086  }
0x25: {  	[simem:s6], [sflag:s4] =	dma.local [hbm:s3], $0xF7A  }
0x26: {  	[smem:$0x3F98] =	sst s1;
	(tag) =	ssettag s2;
	_ =	strace s9  }
0x27: {  	s1 =	sld [smem:$0x3FA8]  }
0x28: {  	s2 =	sld [smem:$0x3FA9]  }
0x29: {  	s4 =	sld [smem:$0x3FAB]  }
0x2a: {  	p0 =	seq.s32 s5, $0x0;
	s5 =	sld [smem:$0x3FAC]  }
0x2b: {  	s6 =	sld [smem:$0x3FAD]  }
0x2c: {  	s7 =	sld [smem:$0x3FAE]  }
0x2d: {  	s3 =	simm.s32 $0x108;
	s8 =	sld [smem:$0x3FAF]  }
0x2e: {  	s3 =	simm.s32 @!p0 $0x1082;
	s9 =	sld [smem:$0x3FB0]  }
0x2f: {  	lr =	sadd.s32 s0, s3;
	s0 =	sld [smem:$0x3FA7]  }
0x30: {  	s3 =	sld [smem:$0x3FAA]  }
0x31: {  	[smem:$0x3FB3] =	sst s10  }
0x32: {  	s10 =	sld [smem:$0x3FB1];
	_ =	sdelay $0x3  }
0x33: {  	p0 =	seq.s32 s10, $0x1;
	s10 =	sld [smem:$0x3FB3];
	_ =	sdelay $0x3  }
0x34: {  	[smem:$0x3FB3] =	sst s10  }
0x35: {  	s10 =	sld [smem:$0x3FB2];
	_ =	sdelay $0x3  }
0x36: {  	p1 =	seq.s32 s10, $0x1;
	s10 =	sld [smem:$0x3FB3];
	_ =	sdelay $0x3  }
0x37: {  	[smem:$0x3FB3] =	sst s10  }
0x38: {  	s10 =	sld [smem:$0x3FB4]  }
0x39: {  	_ = 	snop;
	(pc) =	sbr.ind lr, $3  }
0x3a: {  	_ = 	snop  }
0x3b: {  	_ = 	snop  }
0x3c: {  	p2 =	seq.s32 s10, $0x1;
	s10 =	sld [smem:$0x3FB3]  }
0x3d: {  	_ =	shalt  }
0x3e: {  	_ =	shalt  }
0x3f: {  	_ =	shalt  }
0x40: {  	_ =	shalt  }
0x41: {  	_ =	shalt  }
0x42: {  	_ =	shalt  }
0x43: {  	_ =	shalt  }
0x44: {  	_ =	shalt  }
0x45: {  	_ =	shalt  }
0x46: {  	_ =	shalt  }
0x47: {  	_ =	shalt  }
0x48: {  	_ =	shalt  }
0x49: {  	_ =	shalt  }
0x4a: {  	_ =	shalt  }
0x4b: {  	_ =	shalt  }
0x4c: {  	_ =	shalt  }
0x4d: {  	_ =	shalt  }
0x4e: {  	_ =	shalt  }
0x4f: {  	_ =	shalt  }
0x50: {  	_ =	shalt  }
0x51: {  	_ =	shalt  }
0x52: {  	_ =	shalt  }
0x53: {  	_ =	shalt  }
0x54: {  	_ =	shalt  }
0x55: {  	_ =	shalt  }
0x56: {  	_ =	shalt  }
0x57: {  	_ =	shalt  }
0x58: {  	_ =	shalt  }
0x59: {  	_ =	shalt  }
0x5a: {  	_ =	shalt  }
0x5b: {  	_ =	shalt  }
0x5c: {  	_ =	shalt  }
0x5d: {  	_ =	shalt  }
0x5e: {  	_ =	shalt  }
0x5f: {  	_ =	shalt  }
0x60: {  	_ =	shalt  }
0x61: {  	_ =	shalt  }
0x62: {  	_ =	shalt  }
0x63: {  	_ =	shalt  }
0x64: {  	_ =	shalt  }
0x65: {  	_ =	shalt  }
0x66: {  	_ =	shalt  }
0x67: {  	_ =	shalt  }
0x68: {  	_ =	shalt  }
0x69: {  	_ =	shalt  }
0x6a: {  	_ =	shalt  }
0x6b: {  	_ =	shalt  }
0x6c: {  	_ =	shalt  }
0x6d: {  	_ =	shalt  }
0x6e: {  	_ =	shalt  }
0x6f: {  	_ =	shalt  }
0x70: {  	_ =	shalt  }
0x71: {  	_ =	shalt  }
0x72: {  	_ =	shalt  }
0x73: {  	_ =	shalt  }
0x74: {  	_ =	shalt  }
0x75: {  	_ =	shalt  }
0x76: {  	_ =	shalt  }
0x77: {  	_ =	shalt  }
0x78: {  	_ =	shalt  }
0x79: {  	_ =	shalt  }
0x7a: {  	_ =	shalt  }
0x7b: {  	_ =	shalt  }
0x7c: {  	_ =	shalt  }
0x7d: {  	_ =	shalt  }
0x7e: {  	_ =	shalt  }
0x7f: {  	_ =	shalt  }
0x80: {  	_ =	shalt  }
0x81: {  	_ =	shalt  }
0x82: {  	_ =	shalt  }
0x83: {  	_ =	shalt  }
0x84: {  	_ =	shalt  }
0x85: {  	_ =	shalt  }
0x86: {  	_ =	shalt  }
0x87: {  	_ =	shalt  }
.Lfunc_end0:
.L_simem_size_0:
called_computation.1_lowered:
.L_overlay_start_0:
0x88: {  	s2 =	sld [smem:$0x3FD9]  }
0x89: {  	s3 =	sld [smem:$0x3FFE];
	_ =	sdelay $0x1  }
0x8a: {  	s1 =	srdreg.scid  }
0x8b: {  	s0 =	sand.u32 $0x1, s1  }
0x8c: {  	s14 =	sshll.u32 s0, $0xA;
	s2 =	sadd.s32 s3, s2  }
0x8d: {  	s2 =	sadd.s32 s2, s14  }
0x8e: {  	[smem:$0x3FBF] =	sst s2  }
0x8f: {  	_ = 	snop  }
0x90: {  	s2 =	sld [smem:$0x3FD0];
	_ =	sdelay $0x2  }
0x91: {  	s15 =	simm.s32 $0xA;
	s4 =	simm.s32 $0x10  }
0x92: {  	[smem:s4], [sflag:s15] =	dma.local [hbm:s2], $0x1  }
0x93: {  	_ =	swait.eq [sflag:s15], $0x1  }
0x94: {  	[sflag:s15] =	ssyncset.done $0x0  }
0x95: {  	[sflag:s15] =	ssyncadd.s32 $0xFFFFFFFF  }
0x96: {  	s16 =	sld [smem:$0x10];
	(tm) =	ssettm $0x1  }
0x97: {  	s17 =	sld [smem:$0x3FFB];
	_ =	sdelay $0x3  }
0x98: {  	_ =	strace s17  }
0x99: {  	s3 =	sld [smem:$0x3FFC];
	_ =	sdelay $0x3  }
0x9a: {  	_ =	strace s3  }
0x9b: {  	s3 =	sld [smem:$0x3FFD];
	_ =	sdelay $0x3  }
0x9c: {  	_ =	strace s3  }
0x9d: {  	_ =	strace $0x8FFFFFFF  }
0x9e: {  	s18 =	sld [smem:$0x3FDB];
	_ =	sdelay $0x1  }
0x9f: {  	s19 =	simm.s32 $_scs_section_size  }
0xa0: {  	s5 =	simm.s32 $_size__tile_overlayer_lowered;
	s6 =	simm.s32 $_tile_overlayer_lowered  }
0xa1: {  	s22 =	simm.s32 $0x1BFF;
	s21 =	sshll.u32 s6, $0x1;
	s3 =	sadd.s32 s19, s18  }
0xa2: {  	s7 =	simm.s32 $0x0;
	s20 =	sshll.u32 s5, $0x1;
	s5 =	sadd.s32 s21, s3  }
0xa3: {  	[timem:s7], [sflag:s22] =	dma.local [hbm:s5], s20  }
0xa4: {  	_ =	swait.ge [sflag:s22], s20  }
0xa5: {  	s4 =	ssub.s32 $0x0, s20;
	[sflag:s22] =	ssyncset.done $0x0  }
0xa6: {  	[sflag:s22] =	ssyncadd.s32 s4;
	_ =	sdelay $0x1  }
0xa7: {  	s23 =	simm.s32 $0x1B8B  }
0xa8: {  	_ =	swait.ge [sflag:s23], $0x1  }
0xa9: {  	[sflag:s23] =	ssyncset.done $0x0  }
0xaa: {  	s25 =	simm.s32 $0x1B8E;
	s24 =	sld [smem:$0x3FFE];
	[sflag:s23] =	ssyncadd.s32 $0xFFFFFFFF  }
0xab: {  	s26 =	simm.s32 $execute0_lowered;
	[smem:$0x3FD2] =	sst s25  }
0xac: {  	s5 =	sshll.u32 s26, $0x1;
	_ =	strace $0x80000049;
	[dreg:$0x1] =	wrdreg $0xFFFFFFFF  }
0xad: {  	s28 =	simm.s32 $_size_execute0_lowered;
	s3 =	sadd.s32 s3, s5;
	[dreg:$0x0] =	wrdreg $0x0  }
0xae: {  	s5 =	sshll.u32 s28, $0x1;
	[dreg:$0x2] =	wrdreg s3  }
0xaf: {  	[dreg:$0x3] =	wrdreg s5  }
0xb0: {  	[dreg:$0x4] =	wrdreg $0xC0  }
0xb1: {  	_ =	task [dreg:s7], $0x5FFFF  }
0xb2: {  	[dreg:$0x1] =	wrdreg $0xFFFFFFFF  }
0xb3: {  	[dreg:$0x0] =	wrdreg $0x60  }
0xb4: {  	[dreg:$0x2] =	wrdreg s16  }
0xb5: {  	[dreg:$0x3] =	wrdreg s24  }
0xb6: {  	[dreg:$0x4] =	wrdreg $0x90000  }
0xb7: {  	[dreg:$0x5] =	wrdreg $0x9  }
0xb8: {  	_ =	task.clear_ibuf [dreg:s7], $0x6FFFF;
	_ =	strace $0x90000049  }
0xb9: {  	s29 =	simm.s32 $0x9;
	_ =	strace $0x8000004B  }
0xba: {  	_ =	swait.ge [sflag:s29], $0x1  }
0xbb: {  	[sflag:s29] =	ssyncadd.s32 $0xFFFFFFFF  }
0xbc: {  	_ =	strace $0x9000004B  }
0xbd: {  	_ =	sfence  }
0xbe: {  	s30 =	sld [smem:$0x0];
	_ =	sdelay $0x2  }
0xbf: {  	s31 =	sshll.u32 s1, $0xD;
	s1 =	sshrl.u32 s1, $0x2  }
0xc0: {  	s3 =	sand.u32 $0x4000, s31;
	s1 =	sadd.s32 s1, s30  }
0xc1: {  	s0 =	sor.u32 s3, s0;
	s1 =	sshll.u32 s1, $0x11  }
0xc2: {  	s0 =	sor.u32 s1, s0  }
0xc3: {  	s0 =	sadd.s32 $0x8F2B, s0  }
0xc4: {  	[sflag:s0] =	ssyncadd.remote.s32 $0x1  }
0xc5: {  	_ =	sfence.sel $0xFFFF  }
0xc6: {  	[dreg:$0x0] =	wrdreg $0xFFFFFFFF;
	(pc) =	sbr.abs _section_cstart, $3  }
0xc7: {  	[dreg:$0x1] =	wrdreg $0xFFFFFFFF  }
0xc8: {  	_ =	task.clear_ibuf [dreg:s7], $0x2FFFF;
	_ =	strace $0x9FFFFFFF  }
0xc9: {  	(tm) =	ssettm $0x7FFFFFFF  }
tec
execute0_lowered:
.L_overlay_start_1:
0x0: {  	(tag) =	ssettag $0x1  }
0x1: {  	s1 =	rddreg [dreg:$0x0]  }
0x2: {  	s0 =	srdreg.scid;
	s2 =	rddreg [dreg:$0x1]  }
0x3: {  	s8 =	stileid.u32;
	s3 =	rddreg [dreg:$0x2];
	s4 =	simm.s32 $0x0  }
0x4: {  	s11 =	simm.s32 $0x100;
	s12 =	simm.s32 $0x880;
	[smem:$0x7FF] =	sst s4  }
0x5: {  	s13 =	simm.s32 $0x180;
	_ =	strace $0x8000004A;
	[dreg:$0x6] =	wrdreg s11  }
0x6: {  	s15 =	simm.s32 $0x900;
	s17 =	simm.s32 $0x200;
	[dreg:$0x7] =	wrdreg s12  }
0x7: {  	s19 =	simm.s32 $0x980;
	s21 =	simm.s32 $0x280;
	[dreg:$0x8] =	wrdreg s13  }
0x8: {  	s22 =	simm.s32 $0xA00;
	s23 =	simm.s32 $0x300;
	[dreg:$0x9] =	wrdreg s15  }
0x9: {  	s24 =	simm.s32 $0xA80;
	s25 =	simm.s32 $0x380;
	[dreg:$0xa] =	wrdreg s17  }
0xa: {  	s26 =	simm.s32 $0xB00;
	s28 =	simm.s32 $0x600;
	[dreg:$0xb] =	wrdreg s19  }
0xb: {  	s29 =	simm.s32 $0xD80;
	s30 =	simm.s32 $0x680;
	[dreg:$0xc] =	wrdreg s21  }
0xc: {  	s31 =	simm.s32 $0xE00;
	s5 =	smul.u32 $0x2800, s8;
	[dreg:$0xd] =	wrdreg s22  }
0xd: {  	s0 =	sand.u32 $0x1, s0;
	s8 =	smul.u32 $0x50000, s8;
	[dreg:$0xe] =	wrdreg s23  }
0xe: {  	s6 =	smul.u32 $0x28000, s0;
	s0 =	ssub.s32 $0x2, s0;
	[dreg:$0xf] =	wrdreg s24  }
0xf: {  	s12 =	simm.s32 $0x1000;
	s13 =	simm.s32 $0x3;
	[dreg:$0x10] =	wrdreg s25  }
0x10: {  	s15 =	simm.s32 $0x80;
	s17 =	simm.s32 $0x1;
	[dreg:$0x11] =	wrdreg s26  }
0x11: {  	s19 =	simm.s32 $0x400;
	s21 =	simm.s32 $0x480;
	s22 =	simm.s32 $0xC00  }
0x12: {  	s23 =	simm.s32 $0x500;
	s7 =	sshrl.u32 s0, $0x1;
	s8 =	sshrl.u32 s8, $0x2  }
0x13: {  	s24 =	simm.s32 $0xC80;
	s0 =	ssub.s32 s0, s7;
	s10 =	sadd.s32 s8, s3  }
0x14: {  	s25 =	simm.s32 $0x580;
	s0 =	smax.u32 s0, $0x1;
	[dreg:$0x12] =	wrdreg s10  }
0x15: {  	s26 =	simm.s32 $0xD00;
	s14 =	sadd.s32 $0x4000, s10;
	[dreg:$0x14] =	wrdreg s0  }
0x16: {  	s5 =	sadd.s32 s5, s6;
	s16 =	sadd.s32 $0x8000, s10;
	[dreg:$0x15] =	wrdreg s14  }
0x17: {  	s8 =	simm.s32 $0xF80;
	s18 =	sadd.s32 $0xC000, s10;
	[dreg:$0x16] =	wrdreg s16  }
0x18: {  	s6 =	sshrl.u32 s5, $0x3;
	s20 =	sadd.s32 $0x10000, s10;
	[dreg:$0x17] =	wrdreg s18  }
0x19: {  	s6 =	sadd.s32 s6, s2;
	s2 =	sadd.s32 s5, s2;
	[dreg:$0x18] =	wrdreg s20  }
0x1a: {  	s14 =	simm.s32 $0x800;
	s16 =	simm.s32 $0x5000;
	s7 =	sadd.s32 $0xDE00, s6  }
0x1b: {  	s18 =	simm.s32 $0x2;
	s9 =	sadd.s32 $0x3E00, s6;
	[dreg:$0x4] =	wrdreg s7  }
0x1c: {  	s20 =	simm.s32 $0xB80;
	s2 =	sadd.s32 $0x6BE00, s2;
	[dreg:$0x5] =	wrdreg s9  }
0x1d: {  	s0 =	simm.s32 $0xE80;
	s6 =	simm.s32 $0x780;
	[dreg:$0x13] =	wrdreg s2  }
0x1e: {  	v0 =	vimm.f32 $0.0e+00;
	s2 =	simm.s32 $0x700;
	s7 =	simm.s32 $0xF00;
	s9 =	simm.s32 $0x0  }
.LBB2_1:
0x1f: {  	s10 =	simm.s32 $0x0;
	s11 =	simm.s32 $0x200  }
.LBB2_2:
0x20: {  	p0 =	sne.s32 s11, $0xFE00;
	[tilespmem:s10+$0x1070] =	vst v0  }
0x21: {  	[tilespmem:s10+$0x1000] =	vst v0  }
0x22: {  	[tilespmem:s10+$0x1010] =	vst v0  }
.Ltmp0:
0x23: {  	[tilespmem:s10+$0x1020] =	vst v0;
	(pc) =	sbr.rel @p0 .LBB2_2-.Ltmp0, $4  }
0x24: {  	[tilespmem:s10+$0x1030] =	vst v0  }
0x25: {  	[tilespmem:s10+$0x1040] =	vst v0  }
0x26: {  	[tilespmem:s10+$0x1050] =	vst v0  }
0x27: {  	[tilespmem:s10+$0x1060] =	vst v0;
	s10 =	sshra.s32 s11, $0x2;
	s11 =	sadd.s32 $0x200, s11  }
0x28: {  	[tilespmem:s10+$0x1070] =	vst v0  }
0x29: {  	[tilespmem:s10+$0x1000] =	vst v0  }
0x2a: {  	[tilespmem:s10+$0x1010] =	vst v0  }
0x2b: {  	[tilespmem:s10+$0x1020] =	vst v0  }
0x2c: {  	[tilespmem:s10+$0x1030] =	vst v0  }
0x2d: {  	[tilespmem:s10+$0x1040] =	vst v0  }
0x2e: {  	[dreg:$0x19] =	wrdreg s9;
	[tilespmem:s10+$0x1050] =	vst v0  }
0x2f: {  	[tilespmem:s10+$0x1060] =	vst v0;
	s5 =	rddreg [dreg:$0x12]  }
0x30: {  	[spmem:s5] =	stream.linear.scatter [tilespmem:s12], [sflag:$0x3], $0x4000, $0x38;
	[tilespmem:$0x1D000] =	vst v63  }
0x31: {  	_ =	swait.ge [sflag:s13], $0x4000  }
0x32: {  	[sflag:s13] =	ssyncset.done $0x0  }
0x33: {  	s9 =	rddreg [dreg:$0x15];
	[sflag:s13] =	ssyncadd.s32 $0xFFFFC000  }
0x34: {  	[spmem:s9] =	stream.linear.scatter [tilespmem:s12], [sflag:$0x3], $0x4000, $0x38;
	[tilespmem:$0x1D000] =	vst v63  }
0x35: {  	_ =	swait.ge [sflag:s13], $0x4000  }
0x36: {  	[sflag:s13] =	ssyncset.done $0x0  }
0x37: {  	s10 =	rddreg [dreg:$0x16];
	[sflag:s13] =	ssyncadd.s32 $0xFFFFC000  }
0x38: {  	[spmem:s10] =	stream.linear.scatter [tilespmem:s12], [sflag:$0x3], $0x4000, $0x38;
	[tilespmem:$0x1D000] =	vst v63  }
0x39: {  	_ =	swait.ge [sflag:s13], $0x4000  }
0x3a: {  	[sflag:s13] =	ssyncset.done $0x0  }
0x3b: {  	s11 =	rddreg [dreg:$0x17];
	[sflag:s13] =	ssyncadd.s32 $0xFFFFC000  }
0x3c: {  	[spmem:s11] =	stream.linear.scatter [tilespmem:s12], [sflag:$0x3], $0x4000, $0x38;
	[tilespmem:$0x1D000] =	vst v63  }
0x3d: {  	_ =	swait.ge [sflag:s13], $0x4000  }
0x3e: {  	[sflag:s13] =	ssyncset.done $0x0  }
0x3f: {  	s9 =	rddreg [dreg:$0x18];
	[sflag:s13] =	ssyncadd.s32 $0xFFFFC000  }
0x40: {  	[spmem:s9] =	stream.linear.scatter [tilespmem:s12], [sflag:$0x3], $0x4000, $0x38;
	[tilespmem:$0x1D000] =	vst v63  }
0x41: {  	_ =	swait.ge [sflag:s13], $0x4000  }
0x42: {  	[sflag:s13] =	ssyncset.done $0x0  }
0x43: {  	[sflag:s13] =	ssyncadd.s32 $0xFFFFC000  }
0x44: {  	[bflag:$0x0] =	sbarrier.arrive $0xFFFF  }
0x45: {  	s10 =	rddreg [dreg:$0x5]  }
0x46: {  	s5 =	sadd.s32 $0x0, s10  }
0x47: {  	[tilespmem:s4], [sflag:$0x3] =	stream.linear.gather [hbm4b:s5+s4], $0x800, $0x38;
	[tilespmem:$0x1D000] =	vst v63  }
0x48: {  	_ =	swait.ge [sflag:s13], $0x800  }
0x49: {  	s11 =	rddreg [dreg:$0x4];
	[sflag:s13] =	ssyncset.done $0x0  }
0x4a: {  	[sflag:s13] =	ssyncadd.s32 $0xFFFFF800;
	s5 =	sadd.s32 $0x0, s11  }
0x4b: {  	[tilespmem:s14], [sflag:$0x3] =	stream.linear.gather [hbm4b:s5+s4], $0x800, $0x38;
	[tilespmem:$0x1D000] =	vst v63  }
0x4c: {  	_ =	swait.ge [sflag:s13], $0x800  }
0x4d: {  	[sflag:s13] =	ssyncset.done $0x0  }
0x4e: {  	[sflag:s13] =	ssyncadd.s32 $0xFFFFF800  }
0x4f: {  	[tilespmem:s12], [sflag:$0x1] =	stream.indirect.gather [hbm4b:s1+s15], $0x80, s4, s15, $0xb8;
	[tilespmem:$0x1D000] =	vst v63  }
0x50: {  	_ = 	snop  }
0x51: {  	[tilespmem:s16], [sflag:$0x2] =	stream.indirect.gather [hbm4b:s1+s15], $0x80, s15, s15, $0xb8;
	[tilespmem:$0x1D000] =	vst v63  }
0x52: {  	_ =	swait.ge [sflag:s17], $0x4000  }
0x53: {  	[sflag:s17] =	ssyncset.done $0x0  }
0x54: {  	[sflag:s17] =	ssyncadd.s32 $0xFFFFC000  }
0x55: {  	[spmem:s3] =	stream.indirect.scatter.add.f32 [tilespmem:s12], [sflag:$0x3], $0x80, s14, s15, $0xb8;
	[tilespmem:$0x1D000] =	vst v63  }
0x56: {  	_ =	swait.ge [sflag:s13], $0x4000  }
0x57: {  	[sflag:s13] =	ssyncset.done $0x0  }
0x58: {  	s9 =	rddreg [dreg:$0x6];
	[sflag:s13] =	ssyncadd.s32 $0xFFFFC000  }
0x59: {  	[tilespmem:s12], [sflag:$0x1] =	stream.indirect.gather [hbm4b:s1+s15], $0x80, s9, s15, $0xb8;
	[tilespmem:$0x1D000] =	vst v63  }
0x5a: {  	_ =	swait.ge [sflag:s18], $0x4000  }
0x5b: {  	[sflag:s18] =	ssyncset.done $0x0  }
0x5c: {  	s10 =	rddreg [dreg:$0x7];
	[sflag:s18] =	ssyncadd.s32 $0xFFFFC000  }
0x5d: {  	[spmem:s3] =	stream.indirect.scatter.add.f32 [tilespmem:s16], [sflag:$0x3], $0x80, s10, s15, $0xb8;
	[tilespmem:$0x1D000] =	vst v63  }
0x5e: {  	_ =	swait.ge [sflag:s13], $0x4000  }
0x5f: {  	[sflag:s13] =	ssyncset.done $0x0  }
0x60: {  	s11 =	rddreg [dreg:$0x8];
	[sflag:s13] =	ssyncadd.s32 $0xFFFFC000  }
0x61: {  	[tilespmem:s16], [sflag:$0x2] =	stream.indirect.gather [hbm4b:s1+s15], $0x80, s11, s15, $0xb8;
	[tilespmem:$0x1D000] =	vst v63  }
0x62: {  	_ =	swait.ge [sflag:s17], $0x4000  }
0x63: {  	[sflag:s17] =	ssyncset.done $0x0  }
0x64: {  	s9 =	rddreg [dreg:$0x9];
	[sflag:s17] =	ssyncadd.s32 $0xFFFFC000  }
0x65: {  	[spmem:s3] =	stream.indirect.scatter.add.f32 [tilespmem:s12], [sflag:$0x3], $0x80, s9, s15, $0xb8;
	[tilespmem:$0x1D000] =	vst v63  }
0x66: {  	_ =	swait.ge [sflag:s13], $0x4000  }
0x67: {  	[sflag:s13] =	ssyncset.done $0x0  }
0x68: {  	s10 =	rddreg [dreg:$0xa];
	[sflag:s13] =	ssyncadd.s32 $0xFFFFC000  }
0x69: {  	[tilespmem:s12], [sflag:$0x1] =	stream.indirect.gather [hbm4b:s1+s15], $0x80, s10, s15, $0xb8;
	[tilespmem:$0x1D000] =	vst v63  }
0x6a: {  	_ =	swait.ge [sflag:s18], $0x4000  }
0x6b: {  	[sflag:s18] =	ssyncset.done $0x0  }
0x6c: {  	s11 =	rddreg [dreg:$0xb];
	[sflag:s18] =	ssyncadd.s32 $0xFFFFC000  }
0x6d: {  	[spmem:s3] =	stream.indirect.scatter.add.f32 [tilespmem:s16], [sflag:$0x3], $0x80, s11, s15, $0xb8;
	[tilespmem:$0x1D000] =	vst v63  }
0x6e: {  	_ =	swait.ge [sflag:s13], $0x4000  }
0x6f: {  	[sflag:s13] =	ssyncset.done $0x0  }
0x70: {  	s9 =	rddreg [dreg:$0xc];
	[sflag:s13] =	ssyncadd.s32 $0xFFFFC000  }
0x71: {  	[tilespmem:s16], [sflag:$0x2] =	stream.indirect.gather [hbm4b:s1+s15], $0x80, s9, s15, $0xb8;
	[tilespmem:$0x1D000] =	vst v63  }
0x72: {  	_ =	swait.ge [sflag:s17], $0x4000  }
0x73: {  	[sflag:s17] =	ssyncset.done $0x0  }
0x74: {  	s10 =	rddreg [dreg:$0xd];
	[sflag:s17] =	ssyncadd.s32 $0xFFFFC000  }
0x75: {  	[spmem:s3] =	stream.indirect.scatter.add.f32 [tilespmem:s12], [sflag:$0x3], $0x80, s10, s15, $0xb8;
	[tilespmem:$0x1D000] =	vst v63  }
0x76: {  	_ =	swait.ge [sflag:s13], $0x4000  }
0x77: {  	[sflag:s13] =	ssyncset.done $0x0  }
0x78: {  	s11 =	rddreg [dreg:$0xe];
	[sflag:s13] =	ssyncadd.s32 $0xFFFFC000  }
0x79: {  	[tilespmem:s12], [sflag:$0x1] =	stream.indirect.gather [hbm4b:s1+s15], $0x80, s11, s15, $0xb8;
	[tilespmem:$0x1D000] =	vst v63  }
0x7a: {  	_ =	swait.ge [sflag:s18], $0x4000  }
0x7b: {  	[sflag:s18] =	ssyncset.done $0x0  }
0x7c: {  	s9 =	rddreg [dreg:$0xf];
	[sflag:s18] =	ssyncadd.s32 $0xFFFFC000  }
0x7d: {  	[spmem:s3] =	stream.indirect.scatter.add.f32 [tilespmem:s16], [sflag:$0x3], $0x80, s9, s15, $0xb8;
	[tilespmem:$0x1D000] =	vst v63  }
0x7e: {  	_ =	swait.ge [sflag:s13], $0x4000  }
0x7f: {  	[sflag:s13] =	ssyncset.done $0x0  }
0x80: {  	s10 =	rddreg [dreg:$0x10];
	[sflag:s13] =	ssyncadd.s32 $0xFFFFC000  }
0x81: {  	[tilespmem:s16], [sflag:$0x2] =	stream.indirect.gather [hbm4b:s1+s15], $0x80, s10, s15, $0xb8;
	[tilespmem:$0x1D000] =	vst v63  }
0x82: {  	_ =	swait.ge [sflag:s17], $0x4000  }
0x83: {  	[sflag:s17] =	ssyncset.done $0x0  }
0x84: {  	s11 =	rddreg [dreg:$0x11];
	[sflag:s17] =	ssyncadd.s32 $0xFFFFC000  }
0x85: {  	[spmem:s3] =	stream.indirect.scatter.add.f32 [tilespmem:s12], [sflag:$0x3], $0x80, s11, s15, $0xb8;
	[tilespmem:$0x1D000] =	vst v63  }
0x86: {  	_ =	swait.ge [sflag:s13], $0x4000  }
0x87: {  	[sflag:s13] =	ssyncset.done $0x0  }
0x88: {  	[sflag:s13] =	ssyncadd.s32 $0xFFFFC000  }
0x89: {  	[tilespmem:s12], [sflag:$0x1] =	stream.indirect.gather [hbm4b:s1+s15], $0x80, s19, s15, $0xb8;
	[tilespmem:$0x1D000] =	vst v63  }
0x8a: {  	_ =	swait.ge [sflag:s18], $0x4000  }
0x8b: {  	[sflag:s18] =	ssyncset.done $0x0  }
0x8c: {  	[sflag:s18] =	ssyncadd.s32 $0xFFFFC000  }
0x8d: {  	[spmem:s3] =	stream.indirect.scatter.add.f32 [tilespmem:s16], [sflag:$0x3], $0x80, s20, s15, $0xb8;
	[tilespmem:$0x1D000] =	vst v63  }
0x8e: {  	_ =	swait.ge [sflag:s13], $0x4000  }
0x8f: {  	[sflag:s13] =	ssyncset.done $0x0  }
0x90: {  	[sflag:s13] =	ssyncadd.s32 $0xFFFFC000  }
0x91: {  	[tilespmem:s16], [sflag:$0x2] =	stream.indirect.gather [hbm4b:s1+s15], $0x80, s21, s15, $0xb8;
	[tilespmem:$0x1D000] =	vst v63  }
0x92: {  	_ =	swait.ge [sflag:s17], $0x4000  }
0x93: {  	[sflag:s17] =	ssyncset.done $0x0  }
0x94: {  	[sflag:s17] =	ssyncadd.s32 $0xFFFFC000  }
0x95: {  	[spmem:s3] =	stream.indirect.scatter.add.f32 [tilespmem:s12], [sflag:$0x3], $0x80, s22, s15, $0xb8;
	[tilespmem:$0x1D000] =	vst v63  }
0x96: {  	_ =	swait.ge [sflag:s13], $0x4000  }
0x97: {  	[sflag:s13] =	ssyncset.done $0x0  }
0x98: {  	[sflag:s13] =	ssyncadd.s32 $0xFFFFC000  }
0x99: {  	[tilespmem:s12], [sflag:$0x1] =	stream.indirect.gather [hbm4b:s1+s15], $0x80, s23, s15, $0xb8;
	[tilespmem:$0x1D000] =	vst v63  }
0x9a: {  	_ =	swait.ge [sflag:s18], $0x4000  }
0x9b: {  	[sflag:s18] =	ssyncset.done $0x0  }
0x9c: {  	[sflag:s18] =	ssyncadd.s32 $0xFFFFC000  }
0x9d: {  	[spmem:s3] =	stream.indirect.scatter.add.f32 [tilespmem:s16], [sflag:$0x3], $0x80, s24, s15, $0xb8;
	[tilespmem:$0x1D000] =	vst v63  }
0x9e: {  	_ =	swait.ge [sflag:s13], $0x4000  }
0x9f: {  	[sflag:s13] =	ssyncset.done $0x0  }
0xa0: {  	[sflag:s13] =	ssyncadd.s32 $0xFFFFC000  }
0xa1: {  	[tilespmem:s16], [sflag:$0x2] =	stream.indirect.gather [hbm4b:s1+s15], $0x80, s25, s15, $0xb8;
	[tilespmem:$0x1D000] =	vst v63  }
0xa2: {  	_ =	swait.ge [sflag:s17], $0x4000  }
0xa3: {  	[sflag:s17] =	ssyncset.done $0x0  }
0xa4: {  	[sflag:s17] =	ssyncadd.s32 $0xFFFFC000  }
0xa5: {  	[spmem:s3] =	stream.indirect.scatter.add.f32 [tilespmem:s12], [sflag:$0x3], $0x80, s26, s15, $0xb8;
	[tilespmem:$0x1D000] =	vst v63  }
0xa6: {  	_ =	swait.ge [sflag:s13], $0x4000  }
0xa7: {  	[sflag:s13] =	ssyncset.done $0x0  }
0xa8: {  	[sflag:s13] =	ssyncadd.s32 $0xFFFFC000  }
0xa9: {  	[tilespmem:s12], [sflag:$0x1] =	stream.indirect.gather [hbm4b:s1+s15], $0x80, s28, s15, $0xb8;
	[tilespmem:$0x1D000] =	vst v63  }
0xaa: {  	_ =	swait.ge [sflag:s18], $0x4000  }
0xab: {  	[sflag:s18] =	ssyncset.done $0x0  }
0xac: {  	[sflag:s18] =	ssyncadd.s32 $0xFFFFC000  }
0xad: {  	[spmem:s3] =	stream.indirect.scatter.add.f32 [tilespmem:s16], [sflag:$0x3], $0x80, s29, s15, $0xb8;
	[tilespmem:$0x1D000] =	vst v63  }
0xae: {  	_ =	swait.ge [sflag:s13], $0x4000  }
0xaf: {  	[sflag:s13] =	ssyncset.done $0x0  }
0xb0: {  	[sflag:s13] =	ssyncadd.s32 $0xFFFFC000  }
0xb1: {  	[tilespmem:s16], [sflag:$0x2] =	stream.indirect.gather [hbm4b:s1+s15], $0x80, s30, s15, $0xb8;
	[tilespmem:$0x1D000] =	vst v63  }
0xb2: {  	_ =	swait.ge [sflag:s17], $0x4000  }
0xb3: {  	[sflag:s17] =	ssyncset.done $0x0  }
0xb4: {  	[sflag:s17] =	ssyncadd.s32 $0xFFFFC000  }
0xb5: {  	[spmem:s3] =	stream.indirect.scatter.add.f32 [tilespmem:s12], [sflag:$0x3], $0x80, s31, s15, $0xb8;
	[tilespmem:$0x1D000] =	vst v63  }
0xb6: {  	_ =	swait.ge [sflag:s13], $0x4000  }
0xb7: {  	[sflag:s13] =	ssyncset.done $0x0  }
0xb8: {  	[sflag:s13] =	ssyncadd.s32 $0xFFFFC000  }
0xb9: {  	[tilespmem:s12], [sflag:$0x1] =	stream.indirect.gather [hbm4b:s1+s15], $0x80, s2, s15, $0xb8;
	[tilespmem:$0x1D000] =	vst v63  }
0xba: {  	_ =	swait.ge [sflag:s18], $0x4000  }
0xbb: {  	[sflag:s18] =	ssyncset.done $0x0  }
0xbc: {  	[sflag:s18] =	ssyncadd.s32 $0xFFFFC000  }
0xbd: {  	[spmem:s3] =	stream.indirect.scatter.add.f32 [tilespmem:s16], [sflag:$0x3], $0x80, s0, s15, $0xb8;
	[tilespmem:$0x1D000] =	vst v63  }
0xbe: {  	_ =	swait.ge [sflag:s13], $0x4000  }
0xbf: {  	[sflag:s13] =	ssyncset.done $0x0  }
0xc0: {  	[sflag:s13] =	ssyncadd.s32 $0xFFFFC000  }
0xc1: {  	[tilespmem:s16], [sflag:$0x2] =	stream.indirect.gather [hbm4b:s1+s15], $0x80, s6, s15, $0xb8;
	[tilespmem:$0x1D000] =	vst v63  }
0xc2: {  	_ =	swait.ge [sflag:s17], $0x4000  }
0xc3: {  	[sflag:s17] =	ssyncset.done $0x0  }
0xc4: {  	[sflag:s17] =	ssyncadd.s32 $0xFFFFC000  }
0xc5: {  	[spmem:s3] =	stream.indirect.scatter.add.f32 [tilespmem:s12], [sflag:$0x3], $0x80, s7, s15, $0xb8;
	[tilespmem:$0x1D000] =	vst v63  }
0xc6: {  	_ =	swait.ge [sflag:s13], $0x4000  }
0xc7: {  	[sflag:s13] =	ssyncset.done $0x0  }
0xc8: {  	[sflag:s13] =	ssyncadd.s32 $0xFFFFC000  }
0xc9: {  	_ =	swait.ge [sflag:s18], $0x4000  }
0xca: {  	[sflag:s18] =	ssyncset.done $0x0  }
0xcb: {  	[sflag:s18] =	ssyncadd.s32 $0xFFFFC000  }
0xcc: {  	[spmem:s3] =	stream.indirect.scatter.add.f32 [tilespmem:s16], [sflag:$0x3], $0x80, s8, s15, $0xb8;
	[tilespmem:$0x1D000] =	vst v63  }
0xcd: {  	s10 =	simm.s32 $0x100;
	_ =	swait.ge [sflag:s13], $0x4000  }
0xce: {  	s11 =	simm.s32 $0x200;
	s5 =	rddreg [dreg:$0x5];
	[sflag:s13] =	ssyncset.done $0x0  }
.LBB2_4:
0xcf: {  	[sflag:s13] =	ssyncadd.s32 $0xFFFFC000;
	s5 =	sadd.s32 s10, s5  }
0xd0: {  	[tilespmem:s4], [sflag:$0x3] =	stream.linear.gather [hbm4b:s5+s4], $0x800, $0x38;
	[tilespmem:$0x1D000] =	vst v63  }
0xd1: {  	_ =	swait.ge [sflag:s13], $0x800  }
0xd2: {  	s5 =	rddreg [dreg:$0x4];
	[sflag:s13] =	ssyncset.done $0x0  }
0xd3: {  	[sflag:s13] =	ssyncadd.s32 $0xFFFFF800;
	s5 =	sadd.s32 s10, s5  }
0xd4: {  	[tilespmem:s14], [sflag:$0x3] =	stream.linear.gather [hbm4b:s5+s4], $0x800, $0x38;
	[tilespmem:$0x1D000] =	vst v63  }
0xd5: {  	_ =	swait.ge [sflag:s13], $0x800  }
0xd6: {  	[sflag:s13] =	ssyncset.done $0x0  }
0xd7: {  	[sflag:s13] =	ssyncadd.s32 $0xFFFFF800  }
0xd8: {  	[tilespmem:s12], [sflag:$0x1] =	stream.indirect.gather [hbm4b:s1+s15], $0x80, s4, s15, $0xb8;
	[tilespmem:$0x1D000] =	vst v63  }
0xd9: {  	_ = 	snop  }
0xda: {  	[tilespmem:s16], [sflag:$0x2] =	stream.indirect.gather [hbm4b:s1+s15], $0x80, s15, s15, $0xb8;
	[tilespmem:$0x1D000] =	vst v63  }
0xdb: {  	_ =	swait.ge [sflag:s17], $0x4000  }
0xdc: {  	[sflag:s17] =	ssyncset.done $0x0  }
0xdd: {  	[sflag:s17] =	ssyncadd.s32 $0xFFFFC000  }
0xde: {  	[spmem:s3] =	stream.indirect.scatter.add.f32 [tilespmem:s12], [sflag:$0x3], $0x80, s14, s15, $0xb8;
	[tilespmem:$0x1D000] =	vst v63  }
0xdf: {  	_ =	swait.ge [sflag:s13], $0x4000  }
0xe0: {  	s9 =	smov.u32 s11;
	[sflag:s13] =	ssyncset.done $0x0  }
0xe1: {  	s10 =	smov.u32 s9;
	s9 =	rddreg [dreg:$0x6];
	[sflag:s13] =	ssyncadd.s32 $0xFFFFC000  }
0xe2: {  	[tilespmem:s12], [sflag:$0x1] =	stream.indirect.gather [hbm4b:s1+s15], $0x80, s9, s15, $0xb8;
	[tilespmem:$0x1D000] =	vst v63  }
0xe3: {  	_ =	swait.ge [sflag:s18], $0x4000  }
0xe4: {  	[sflag:s18] =	ssyncset.done $0x0  }
0xe5: {  	s9 =	rddreg [dreg:$0x7];
	[sflag:s18] =	ssyncadd.s32 $0xFFFFC000  }
0xe6: {  	[spmem:s3] =	stream.indirect.scatter.add.f32 [tilespmem:s16], [sflag:$0x3], $0x80, s9, s15, $0xb8;
	[tilespmem:$0x1D000] =	vst v63  }
0xe7: {  	_ =	swait.ge [sflag:s13], $0x4000  }
0xe8: {  	[sflag:s13] =	ssyncset.done $0x0  }
0xe9: {  	s9 =	rddreg [dreg:$0x8];
	[sflag:s13] =	ssyncadd.s32 $0xFFFFC000  }
0xea: {  	[tilespmem:s16], [sflag:$0x2] =	stream.indirect.gather [hbm4b:s1+s15], $0x80, s9, s15, $0xb8;
	[tilespmem:$0x1D000] =	vst v63  }
0xeb: {  	_ =	swait.ge [sflag:s17], $0x4000  }
0xec: {  	[sflag:s17] =	ssyncset.done $0x0  }
0xed: {  	s9 =	rddreg [dreg:$0x9];
	[sflag:s17] =	ssyncadd.s32 $0xFFFFC000  }
0xee: {  	[spmem:s3] =	stream.indirect.scatter.add.f32 [tilespmem:s12], [sflag:$0x3], $0x80, s9, s15, $0xb8;
	[tilespmem:$0x1D000] =	vst v63  }
0xef: {  	_ =	swait.ge [sflag:s13], $0x4000  }
0xf0: {  	[sflag:s13] =	ssyncset.done $0x0  }
0xf1: {  	s9 =	rddreg [dreg:$0xa];
	[sflag:s13] =	ssyncadd.s32 $0xFFFFC000  }
0xf2: {  	[tilespmem:s12], [sflag:$0x1] =	stream.indirect.gather [hbm4b:s1+s15], $0x80, s9, s15, $0xb8;
	[tilespmem:$0x1D000] =	vst v63  }
0xf3: {  	_ =	swait.ge [sflag:s18], $0x4000  }
0xf4: {  	[sflag:s18] =	ssyncset.done $0x0  }
0xf5: {  	s9 =	rddreg [dreg:$0xb];
	[sflag:s18] =	ssyncadd.s32 $0xFFFFC000  }
0xf6: {  	[spmem:s3] =	stream.indirect.scatter.add.f32 [tilespmem:s16], [sflag:$0x3], $0x80, s9, s15, $0xb8;
	[tilespmem:$0x1D000] =	vst v63  }
0xf7: {  	_ =	swait.ge [sflag:s13], $0x4000  }
0xf8: {  	[sflag:s13] =	ssyncset.done $0x0  }
0xf9: {  	s9 =	rddreg [dreg:$0xc];
	[sflag:s13] =	ssyncadd.s32 $0xFFFFC000  }
0xfa: {  	[tilespmem:s16], [sflag:$0x2] =	stream.indirect.gather [hbm4b:s1+s15], $0x80, s9, s15, $0xb8;
	[tilespmem:$0x1D000] =	vst v63  }
0xfb: {  	_ =	swait.ge [sflag:s17], $0x4000  }
0xfc: {  	[sflag:s17] =	ssyncset.done $0x0  }
0xfd: {  	s9 =	rddreg [dreg:$0xd];
	[sflag:s17] =	ssyncadd.s32 $0xFFFFC000  }
0xfe: {  	[spmem:s3] =	stream.indirect.scatter.add.f32 [tilespmem:s12], [sflag:$0x3], $0x80, s9, s15, $0xb8;
	[tilespmem:$0x1D000] =	vst v63  }
0xff: {  	_ =	swait.ge [sflag:s13], $0x4000  }
0x100: {  	[sflag:s13] =	ssyncset.done $0x0  }
0x101: {  	s9 =	rddreg [dreg:$0xe];
	[sflag:s13] =	ssyncadd.s32 $0xFFFFC000  }
0x102: {  	[tilespmem:s12], [sflag:$0x1] =	stream.indirect.gather [hbm4b:s1+s15], $0x80, s9, s15, $0xb8;
	[tilespmem:$0x1D000] =	vst v63  }
0x103: {  	_ =	swait.ge [sflag:s18], $0x4000  }
0x104: {  	[sflag:s18] =	ssyncset.done $0x0  }
0x105: {  	s9 =	rddreg [dreg:$0xf];
	[sflag:s18] =	ssyncadd.s32 $0xFFFFC000  }
0x106: {  	[spmem:s3] =	stream.indirect.scatter.add.f32 [tilespmem:s16], [sflag:$0x3], $0x80, s9, s15, $0xb8;
	[tilespmem:$0x1D000] =	vst v63  }
0x107: {  	_ =	swait.ge [sflag:s13], $0x4000  }
0x108: {  	[sflag:s13] =	ssyncset.done $0x0  }
0x109: {  	s9 =	rddreg [dreg:$0x10];
	[sflag:s13] =	ssyncadd.s32 $0xFFFFC000  }
0x10a: {  	[tilespmem:s16], [sflag:$0x2] =	stream.indirect.gather [hbm4b:s1+s15], $0x80, s9, s15, $0xb8;
	[tilespmem:$0x1D000] =	vst v63  }
0x10b: {  	_ =	swait.ge [sflag:s17], $0x4000  }
0x10c: {  	[sflag:s17] =	ssyncset.done $0x0  }
0x10d: {  	s9 =	rddreg [dreg:$0x11];
	[sflag:s17] =	ssyncadd.s32 $0xFFFFC000  }
0x10e: {  	[spmem:s3] =	stream.indirect.scatter.add.f32 [tilespmem:s12], [sflag:$0x3], $0x80, s9, s15, $0xb8;
	[tilespmem:$0x1D000] =	vst v63  }
0x10f: {  	_ =	swait.ge [sflag:s13], $0x4000  }
0x110: {  	[sflag:s13] =	ssyncset.done $0x0  }
0x111: {  	[sflag:s13] =	ssyncadd.s32 $0xFFFFC000  }
0x112: {  	[tilespmem:s12], [sflag:$0x1] =	stream.indirect.gather [hbm4b:s1+s15], $0x80, s19, s15, $0xb8;
	[tilespmem:$0x1D000] =	vst v63  }
0x113: {  	_ =	swait.ge [sflag:s18], $0x4000  }
0x114: {  	[sflag:s18] =	ssyncset.done $0x0  }
0x115: {  	[sflag:s18] =	ssyncadd.s32 $0xFFFFC000  }
0x116: {  	[spmem:s3] =	stream.indirect.scatter.add.f32 [tilespmem:s16], [sflag:$0x3], $0x80, s20, s15, $0xb8;
	[tilespmem:$0x1D000] =	vst v63  }
0x117: {  	_ =	swait.ge [sflag:s13], $0x4000  }
0x118: {  	[sflag:s13] =	ssyncset.done $0x0  }
0x119: {  	[sflag:s13] =	ssyncadd.s32 $0xFFFFC000  }
0x11a: {  	[tilespmem:s16], [sflag:$0x2] =	stream.indirect.gather [hbm4b:s1+s15], $0x80, s21, s15, $0xb8;
	[tilespmem:$0x1D000] =	vst v63  }
0x11b: {  	_ =	swait.ge [sflag:s17], $0x4000  }
0x11c: {  	[sflag:s17] =	ssyncset.done $0x0  }
0x11d: {  	[sflag:s17] =	ssyncadd.s32 $0xFFFFC000  }
0x11e: {  	[spmem:s3] =	stream.indirect.scatter.add.f32 [tilespmem:s12], [sflag:$0x3], $0x80, s22, s15, $0xb8;
	[tilespmem:$0x1D000] =	vst v63  }
0x11f: {  	_ =	swait.ge [sflag:s13], $0x4000  }
0x120: {  	[sflag:s13] =	ssyncset.done $0x0  }
0x121: {  	[sflag:s13] =	ssyncadd.s32 $0xFFFFC000  }
0x122: {  	[tilespmem:s12], [sflag:$0x1] =	stream.indirect.gather [hbm4b:s1+s15], $0x80, s23, s15, $0xb8;
	[tilespmem:$0x1D000] =	vst v63  }
0x123: {  	_ =	swait.ge [sflag:s18], $0x4000  }
0x124: {  	[sflag:s18] =	ssyncset.done $0x0  }
0x125: {  	[sflag:s18] =	ssyncadd.s32 $0xFFFFC000  }
0x126: {  	[spmem:s3] =	stream.indirect.scatter.add.f32 [tilespmem:s16], [sflag:$0x3], $0x80, s24, s15, $0xb8;
	[tilespmem:$0x1D000] =	vst v63  }
0x127: {  	_ =	swait.ge [sflag:s13], $0x4000  }
0x128: {  	[sflag:s13] =	ssyncset.done $0x0  }
0x129: {  	[sflag:s13] =	ssyncadd.s32 $0xFFFFC000  }
0x12a: {  	[tilespmem:s16], [sflag:$0x2] =	stream.indirect.gather [hbm4b:s1+s15], $0x80, s25, s15, $0xb8;
	[tilespmem:$0x1D000] =	vst v63  }
0x12b: {  	_ =	swait.ge [sflag:s17], $0x4000  }
0x12c: {  	[sflag:s17] =	ssyncset.done $0x0  }
0x12d: {  	[sflag:s17] =	ssyncadd.s32 $0xFFFFC000  }
0x12e: {  	[spmem:s3] =	stream.indirect.scatter.add.f32 [tilespmem:s12], [sflag:$0x3], $0x80, s26, s15, $0xb8;
	[tilespmem:$0x1D000] =	vst v63  }
0x12f: {  	_ =	swait.ge [sflag:s13], $0x4000  }
0x130: {  	[sflag:s13] =	ssyncset.done $0x0  }
0x131: {  	[sflag:s13] =	ssyncadd.s32 $0xFFFFC000  }
0x132: {  	[tilespmem:s12], [sflag:$0x1] =	stream.indirect.gather [hbm4b:s1+s15], $0x80, s28, s15, $0xb8;
	[tilespmem:$0x1D000] =	vst v63  }
0x133: {  	_ =	swait.ge [sflag:s18], $0x4000  }
0x134: {  	[sflag:s18] =	ssyncset.done $0x0  }
0x135: {  	[sflag:s18] =	ssyncadd.s32 $0xFFFFC000  }
0x136: {  	[spmem:s3] =	stream.indirect.scatter.add.f32 [tilespmem:s16], [sflag:$0x3], $0x80, s29, s15, $0xb8;
	[tilespmem:$0x1D000] =	vst v63  }
0x137: {  	_ =	swait.ge [sflag:s13], $0x4000  }
0x138: {  	[sflag:s13] =	ssyncset.done $0x0  }
0x139: {  	[sflag:s13] =	ssyncadd.s32 $0xFFFFC000  }
0x13a: {  	[tilespmem:s16], [sflag:$0x2] =	stream.indirect.gather [hbm4b:s1+s15], $0x80, s30, s15, $0xb8;
	[tilespmem:$0x1D000] =	vst v63  }
0x13b: {  	_ =	swait.ge [sflag:s17], $0x4000  }
0x13c: {  	[sflag:s17] =	ssyncset.done $0x0  }
0x13d: {  	[sflag:s17] =	ssyncadd.s32 $0xFFFFC000  }
0x13e: {  	[spmem:s3] =	stream.indirect.scatter.add.f32 [tilespmem:s12], [sflag:$0x3], $0x80, s31, s15, $0xb8;
	[tilespmem:$0x1D000] =	vst v63  }
0x13f: {  	_ =	swait.ge [sflag:s13], $0x4000  }
0x140: {  	[sflag:s13] =	ssyncset.done $0x0  }
0x141: {  	[sflag:s13] =	ssyncadd.s32 $0xFFFFC000  }
0x142: {  	[tilespmem:s12], [sflag:$0x1] =	stream.indirect.gather [hbm4b:s1+s15], $0x80, s2, s15, $0xb8;
	[tilespmem:$0x1D000] =	vst v63  }
0x143: {  	_ =	swait.ge [sflag:s18], $0x4000  }
0x144: {  	[sflag:s18] =	ssyncset.done $0x0  }
0x145: {  	[sflag:s18] =	ssyncadd.s32 $0xFFFFC000  }
0x146: {  	[spmem:s3] =	stream.indirect.scatter.add.f32 [tilespmem:s16], [sflag:$0x3], $0x80, s0, s15, $0xb8;
	[tilespmem:$0x1D000] =	vst v63  }
0x147: {  	_ =	swait.ge [sflag:s13], $0x4000  }
0x148: {  	[sflag:s13] =	ssyncset.done $0x0  }
0x149: {  	[sflag:s13] =	ssyncadd.s32 $0xFFFFC000  }
0x14a: {  	[tilespmem:s16], [sflag:$0x2] =	stream.indirect.gather [hbm4b:s1+s15], $0x80, s6, s15, $0xb8;
	[tilespmem:$0x1D000] =	vst v63  }
0x14b: {  	_ =	swait.ge [sflag:s17], $0x4000  }
0x14c: {  	[sflag:s17] =	ssyncset.done $0x0  }
0x14d: {  	[sflag:s17] =	ssyncadd.s32 $0xFFFFC000  }
0x14e: {  	[spmem:s3] =	stream.indirect.scatter.add.f32 [tilespmem:s12], [sflag:$0x3], $0x80, s7, s15, $0xb8;
	[tilespmem:$0x1D000] =	vst v63  }
0x14f: {  	_ =	swait.ge [sflag:s13], $0x4000  }
0x150: {  	[sflag:s13] =	ssyncset.done $0x0  }
0x151: {  	[sflag:s13] =	ssyncadd.s32 $0xFFFFC000  }
0x152: {  	p0 =	sne.s32 s11, $0x400;
	_ =	swait.ge [sflag:s18], $0x4000  }
.Ltmp1:
0x153: {  	[sflag:s18] =	ssyncset.done $0x0;
	(pc) =	sbr.rel @p0 .LBB2_4-.Ltmp1, $4  }
0x154: {  	[sflag:s18] =	ssyncadd.s32 $0xFFFFC000  }
0x155: {  	[spmem:s3] =	stream.indirect.scatter.add.f32 [tilespmem:s16], [sflag:$0x3], $0x80, s8, s15, $0xb8;
	[tilespmem:$0x1D000] =	vst v63  }
0x156: {  	_ =	swait.ge [sflag:s13], $0x4000  }
0x157: {  	s11 =	sadd.s32 $0x100, s11;
	s5 =	rddreg [dreg:$0x5];
	[sflag:s13] =	ssyncset.done $0x0  }
0x158: {  	[sflag:s13] =	ssyncadd.s32 $0xFFFFC000;
	s5 =	sadd.s32 s10, s5  }
0x159: {  	[tilespmem:s4], [sflag:$0x3] =	stream.linear.gather [hbm4b:s5+s4], $0x800, $0x38;
	[tilespmem:$0x1D000] =	vst v63  }
0x15a: {  	_ =	swait.ge [sflag:s13], $0x800  }
0x15b: {  	s9 =	rddreg [dreg:$0x4];
	[sflag:s13] =	ssyncset.done $0x0  }
0x15c: {  	[sflag:s13] =	ssyncadd.s32 $0xFFFFF800;
	s5 =	sadd.s32 s10, s9  }
0x15d: {  	[tilespmem:s14], [sflag:$0x3] =	stream.linear.gather [hbm4b:s5+s4], $0x800, $0x38;
	[tilespmem:$0x1D000] =	vst v63  }
0x15e: {  	_ =	swait.ge [sflag:s13], $0x800  }
0x15f: {  	[sflag:s13] =	ssyncset.done $0x0  }
0x160: {  	[sflag:s13] =	ssyncadd.s32 $0xFFFFF800  }
0x161: {  	[tilespmem:s12], [sflag:$0x1] =	stream.indirect.gather [hbm4b:s1+s15], $0x80, s4, s15, $0xb8;
	[tilespmem:$0x1D000] =	vst v63  }
0x162: {  	_ = 	snop  }
0x163: {  	[tilespmem:s16], [sflag:$0x2] =	stream.indirect.gather [hbm4b:s1+s15], $0x80, s15, s15, $0xb8;
	[tilespmem:$0x1D000] =	vst v63  }
0x164: {  	_ =	swait.ge [sflag:s17], $0x4000  }
0x165: {  	[sflag:s17] =	ssyncset.done $0x0  }
0x166: {  	[sflag:s17] =	ssyncadd.s32 $0xFFFFC000  }
0x167: {  	[spmem:s3] =	stream.indirect.scatter.add.f32 [tilespmem:s12], [sflag:$0x3], $0x80, s14, s15, $0xb8;
	[tilespmem:$0x1D000] =	vst v63  }
0x168: {  	_ =	swait.ge [sflag:s13], $0x4000  }
0x169: {  	[sflag:s13] =	ssyncset.done $0x0  }
0x16a: {  	s10 =	rddreg [dreg:$0x6];
	[sflag:s13] =	ssyncadd.s32 $0xFFFFC000  }
0x16b: {  	[tilespmem:s12], [sflag:$0x1] =	stream.indirect.gather [hbm4b:s1+s15], $0x80, s10, s15, $0xb8;
	[tilespmem:$0x1D000] =	vst v63  }
0x16c: {  	_ =	swait.ge [sflag:s18], $0x4000  }
0x16d: {  	[sflag:s18] =	ssyncset.done $0x0  }
0x16e: {  	s11 =	rddreg [dreg:$0x7];
	[sflag:s18] =	ssyncadd.s32 $0xFFFFC000  }
0x16f: {  	[spmem:s3] =	stream.indirect.scatter.add.f32 [tilespmem:s16], [sflag:$0x3], $0x80, s11, s15, $0xb8;
	[tilespmem:$0x1D000] =	vst v63  }
0x170: {  	_ =	swait.ge [sflag:s13], $0x4000  }
0x171: {  	[sflag:s13] =	ssyncset.done $0x0  }
0x172: {  	s9 =	rddreg [dreg:$0x8];
	[sflag:s13] =	ssyncadd.s32 $0xFFFFC000  }
0x173: {  	[tilespmem:s16], [sflag:$0x2] =	stream.indirect.gather [hbm4b:s1+s15], $0x80, s9, s15, $0xb8;
	[tilespmem:$0x1D000] =	vst v63  }
0x174: {  	_ =	swait.ge [sflag:s17], $0x4000  }
0x175: {  	[sflag:s17] =	ssyncset.done $0x0  }
0x176: {  	s10 =	rddreg [dreg:$0x9];
	[sflag:s17] =	ssyncadd.s32 $0xFFFFC000  }
0x177: {  	[spmem:s3] =	stream.indirect.scatter.add.f32 [tilespmem:s12], [sflag:$0x3], $0x80, s10, s15, $0xb8;
	[tilespmem:$0x1D000] =	vst v63  }
0x178: {  	_ =	swait.ge [sflag:s13], $0x4000  }
0x179: {  	[sflag:s13] =	ssyncset.done $0x0  }
0x17a: {  	s11 =	rddreg [dreg:$0xa];
	[sflag:s13] =	ssyncadd.s32 $0xFFFFC000  }
0x17b: {  	[tilespmem:s12], [sflag:$0x1] =	stream.indirect.gather [hbm4b:s1+s15], $0x80, s11, s15, $0xb8;
	[tilespmem:$0x1D000] =	vst v63  }
0x17c: {  	_ =	swait.ge [sflag:s18], $0x4000  }
0x17d: {  	[sflag:s18] =	ssyncset.done $0x0  }
0x17e: {  	s9 =	rddreg [dreg:$0xb];
	[sflag:s18] =	ssyncadd.s32 $0xFFFFC000  }
0x17f: {  	[spmem:s3] =	stream.indirect.scatter.add.f32 [tilespmem:s16], [sflag:$0x3], $0x80, s9, s15, $0xb8;
	[tilespmem:$0x1D000] =	vst v63  }
0x180: {  	_ =	swait.ge [sflag:s13], $0x4000  }
0x181: {  	[sflag:s13] =	ssyncset.done $0x0  }
0x182: {  	s10 =	rddreg [dreg:$0xc];
	[sflag:s13] =	ssyncadd.s32 $0xFFFFC000  }
0x183: {  	[tilespmem:s16], [sflag:$0x2] =	stream.indirect.gather [hbm4b:s1+s15], $0x80, s10, s15, $0xb8;
	[tilespmem:$0x1D000] =	vst v63  }
0x184: {  	_ =	swait.ge [sflag:s17], $0x4000  }
0x185: {  	[sflag:s17] =	ssyncset.done $0x0  }
0x186: {  	s11 =	rddreg [dreg:$0xd];
	[sflag:s17] =	ssyncadd.s32 $0xFFFFC000  }
0x187: {  	[spmem:s3] =	stream.indirect.scatter.add.f32 [tilespmem:s12], [sflag:$0x3], $0x80, s11, s15, $0xb8;
	[tilespmem:$0x1D000] =	vst v63  }
0x188: {  	_ =	swait.ge [sflag:s13], $0x4000  }
0x189: {  	[sflag:s13] =	ssyncset.done $0x0  }
0x18a: {  	s9 =	rddreg [dreg:$0xe];
	[sflag:s13] =	ssyncadd.s32 $0xFFFFC000  }
0x18b: {  	[tilespmem:s12], [sflag:$0x1] =	stream.indirect.gather [hbm4b:s1+s15], $0x80, s9, s15, $0xb8;
	[tilespmem:$0x1D000] =	vst v63  }
0x18c: {  	_ =	swait.ge [sflag:s18], $0x4000  }
0x18d: {  	[sflag:s18] =	ssyncset.done $0x0  }
0x18e: {  	s10 =	rddreg [dreg:$0xf];
	[sflag:s18] =	ssyncadd.s32 $0xFFFFC000  }
0x18f: {  	[spmem:s3] =	stream.indirect.scatter.add.f32 [tilespmem:s16], [sflag:$0x3], $0x80, s10, s15, $0xb8;
	[tilespmem:$0x1D000] =	vst v63  }
0x190: {  	_ =	swait.ge [sflag:s13], $0x4000  }
0x191: {  	[sflag:s13] =	ssyncset.done $0x0  }
0x192: {  	s11 =	rddreg [dreg:$0x10];
	[sflag:s13] =	ssyncadd.s32 $0xFFFFC000  }
0x193: {  	[tilespmem:s16], [sflag:$0x2] =	stream.indirect.gather [hbm4b:s1+s15], $0x80, s11, s15, $0xb8;
	[tilespmem:$0x1D000] =	vst v63  }
0x194: {  	_ =	swait.ge [sflag:s17], $0x4000  }
0x195: {  	[sflag:s17] =	ssyncset.done $0x0  }
0x196: {  	s9 =	rddreg [dreg:$0x11];
	[sflag:s17] =	ssyncadd.s32 $0xFFFFC000  }
0x197: {  	[spmem:s3] =	stream.indirect.scatter.add.f32 [tilespmem:s12], [sflag:$0x3], $0x80, s9, s15, $0xb8;
	[tilespmem:$0x1D000] =	vst v63  }
0x198: {  	_ =	swait.ge [sflag:s13], $0x4000  }
0x199: {  	[sflag:s13] =	ssyncset.done $0x0  }
0x19a: {  	[sflag:s13] =	ssyncadd.s32 $0xFFFFC000  }
0x19b: {  	[tilespmem:s12], [sflag:$0x1] =	stream.indirect.gather [hbm4b:s1+s15], $0x80, s19, s15, $0xb8;
	[tilespmem:$0x1D000] =	vst v63  }
0x19c: {  	_ =	swait.ge [sflag:s18], $0x4000  }
0x19d: {  	[sflag:s18] =	ssyncset.done $0x0  }
0x19e: {  	[sflag:s18] =	ssyncadd.s32 $0xFFFFC000  }
0x19f: {  	[spmem:s3] =	stream.indirect.scatter.add.f32 [tilespmem:s16], [sflag:$0x3], $0x80, s20, s15, $0xb8;
	[tilespmem:$0x1D000] =	vst v63  }
0x1a0: {  	_ =	swait.ge [sflag:s13], $0x4000  }
0x1a1: {  	[sflag:s13] =	ssyncset.done $0x0  }
0x1a2: {  	[sflag:s13] =	ssyncadd.s32 $0xFFFFC000  }
0x1a3: {  	[tilespmem:s16], [sflag:$0x2] =	stream.indirect.gather [hbm4b:s1+s15], $0x80, s21, s15, $0xb8;
	[tilespmem:$0x1D000] =	vst v63  }
0x1a4: {  	_ =	swait.ge [sflag:s17], $0x4000  }
0x1a5: {  	[sflag:s17] =	ssyncset.done $0x0  }
0x1a6: {  	[sflag:s17] =	ssyncadd.s32 $0xFFFFC000  }
0x1a7: {  	[spmem:s3] =	stream.indirect.scatter.add.f32 [tilespmem:s12], [sflag:$0x3], $0x80, s22, s15, $0xb8;
	[tilespmem:$0x1D000] =	vst v63  }
0x1a8: {  	_ =	swait.ge [sflag:s13], $0x4000  }
0x1a9: {  	[sflag:s13] =	ssyncset.done $0x0  }
0x1aa: {  	[sflag:s13] =	ssyncadd.s32 $0xFFFFC000  }
0x1ab: {  	[tilespmem:s12], [sflag:$0x1] =	stream.indirect.gather [hbm4b:s1+s15], $0x80, s23, s15, $0xb8;
	[tilespmem:$0x1D000] =	vst v63  }
0x1ac: {  	_ =	swait.ge [sflag:s18], $0x4000  }
0x1ad: {  	[sflag:s18] =	ssyncset.done $0x0  }
0x1ae: {  	[sflag:s18] =	ssyncadd.s32 $0xFFFFC000  }
0x1af: {  	[spmem:s3] =	stream.indirect.scatter.add.f32 [tilespmem:s16], [sflag:$0x3], $0x80, s24, s15, $0xb8;
	[tilespmem:$0x1D000] =	vst v63  }
0x1b0: {  	_ =	swait.ge [sflag:s13], $0x4000  }
0x1b1: {  	[sflag:s13] =	ssyncset.done $0x0  }
0x1b2: {  	[sflag:s13] =	ssyncadd.s32 $0xFFFFC000  }
0x1b3: {  	[tilespmem:s16], [sflag:$0x2] =	stream.indirect.gather [hbm4b:s1+s15], $0x80, s25, s15, $0xb8;
	[tilespmem:$0x1D000] =	vst v63  }
0x1b4: {  	_ =	swait.ge [sflag:s17], $0x4000  }
0x1b5: {  	[sflag:s17] =	ssyncset.done $0x0  }
0x1b6: {  	[sflag:s17] =	ssyncadd.s32 $0xFFFFC000  }
0x1b7: {  	[spmem:s3] =	stream.indirect.scatter.add.f32 [tilespmem:s12], [sflag:$0x3], $0x80, s26, s15, $0xb8;
	[tilespmem:$0x1D000] =	vst v63  }
0x1b8: {  	_ =	swait.ge [sflag:s13], $0x4000  }
0x1b9: {  	[sflag:s13] =	ssyncset.done $0x0  }
0x1ba: {  	[sflag:s13] =	ssyncadd.s32 $0xFFFFC000  }
0x1bb: {  	[tilespmem:s12], [sflag:$0x1] =	stream.indirect.gather [hbm4b:s1+s15], $0x80, s28, s15, $0xb8;
	[tilespmem:$0x1D000] =	vst v63  }
0x1bc: {  	_ =	swait.ge [sflag:s18], $0x4000  }
0x1bd: {  	[sflag:s18] =	ssyncset.done $0x0  }
0x1be: {  	[sflag:s18] =	ssyncadd.s32 $0xFFFFC000  }
0x1bf: {  	[spmem:s3] =	stream.indirect.scatter.add.f32 [tilespmem:s16], [sflag:$0x3], $0x80, s29, s15, $0xb8;
	[tilespmem:$0x1D000] =	vst v63  }
0x1c0: {  	_ =	swait.ge [sflag:s13], $0x4000  }
0x1c1: {  	[sflag:s13] =	ssyncset.done $0x0  }
0x1c2: {  	[sflag:s13] =	ssyncadd.s32 $0xFFFFC000  }
0x1c3: {  	[tilespmem:s16], [sflag:$0x2] =	stream.indirect.gather [hbm4b:s1+s15], $0x80, s30, s15, $0xb8;
	[tilespmem:$0x1D000] =	vst v63  }
0x1c4: {  	_ =	swait.ge [sflag:s17], $0x4000  }
0x1c5: {  	[sflag:s17] =	ssyncset.done $0x0  }
0x1c6: {  	[sflag:s17] =	ssyncadd.s32 $0xFFFFC000  }
0x1c7: {  	[spmem:s3] =	stream.indirect.scatter.add.f32 [tilespmem:s12], [sflag:$0x3], $0x80, s31, s15, $0xb8;
	[tilespmem:$0x1D000] =	vst v63  }
0x1c8: {  	_ =	swait.ge [sflag:s13], $0x4000  }
0x1c9: {  	[sflag:s13] =	ssyncset.done $0x0  }
0x1ca: {  	[sflag:s13] =	ssyncadd.s32 $0xFFFFC000  }
0x1cb: {  	[tilespmem:s12], [sflag:$0x1] =	stream.indirect.gather [hbm4b:s1+s15], $0x80, s2, s15, $0xb8;
	[tilespmem:$0x1D000] =	vst v63  }
0x1cc: {  	_ =	swait.ge [sflag:s18], $0x4000  }
0x1cd: {  	[sflag:s18] =	ssyncset.done $0x0  }
0x1ce: {  	[sflag:s18] =	ssyncadd.s32 $0xFFFFC000  }
0x1cf: {  	[spmem:s3] =	stream.indirect.scatter.add.f32 [tilespmem:s16], [sflag:$0x3], $0x80, s0, s15, $0xb8;
	[tilespmem:$0x1D000] =	vst v63  }
0x1d0: {  	_ =	swait.ge [sflag:s13], $0x4000  }
0x1d1: {  	[sflag:s13] =	ssyncset.done $0x0  }
0x1d2: {  	[sflag:s13] =	ssyncadd.s32 $0xFFFFC000  }
0x1d3: {  	[tilespmem:s16], [sflag:$0x2] =	stream.indirect.gather [hbm4b:s1+s15], $0x80, s6, s15, $0xb8;
	[tilespmem:$0x1D000] =	vst v63  }
0x1d4: {  	_ =	swait.ge [sflag:s17], $0x4000  }
0x1d5: {  	[sflag:s17] =	ssyncset.done $0x0  }
0x1d6: {  	[sflag:s17] =	ssyncadd.s32 $0xFFFFC000  }
0x1d7: {  	[spmem:s3] =	stream.indirect.scatter.add.f32 [tilespmem:s12], [sflag:$0x3], $0x80, s7, s15, $0xb8;
	[tilespmem:$0x1D000] =	vst v63  }
0x1d8: {  	_ =	swait.ge [sflag:s13], $0x4000  }
0x1d9: {  	[sflag:s13] =	ssyncset.done $0x0  }
0x1da: {  	[sflag:s13] =	ssyncadd.s32 $0xFFFFC000  }
0x1db: {  	_ =	swait.ge [sflag:s18], $0x4000  }
0x1dc: {  	[sflag:s18] =	ssyncset.done $0x0  }
0x1dd: {  	[sflag:s18] =	ssyncadd.s32 $0xFFFFC000  }
0x1de: {  	[spmem:s3] =	stream.indirect.scatter.add.f32 [tilespmem:s16], [sflag:$0x3], $0x80, s8, s15, $0xb8;
	[tilespmem:$0x1D000] =	vst v63  }
0x1df: {  	_ =	swait.ge [sflag:s13], $0x4000  }
0x1e0: {  	[sflag:s13] =	ssyncset.done $0x0  }
0x1e1: {  	[sflag:s13] =	ssyncadd.s32 $0xFFFFC000  }
0x1e2: {  	s10 =	stileid.u32;
	[bflag:$0x0] =	sbarrier.arrive $0xFFFF  }
0x1e3: {  	s5 =	sshll.u32 s10, $0x6;
	s9 =	rddreg [dreg:$0x12]  }
0x1e4: {  	s5 =	sor.u32 $0x1C03, s5;
	s11 =	rddreg [dreg:$0x13];
	s9 =	sshrl.u32 s9, $0x3  }
0x1e5: {  	[hbm:s11], [sflag:s5] =	dma.local [spmem:s9], $0x2800  }
0x1e6: {  	_ =	swait.ge [sflag:s13], $0x2800  }
0x1e7: {  	s10 =	rddreg [dreg:$0x19]  }
0x1e8: {  	s11 =	rddreg [dreg:$0x14];
	s9 =	sadd.s32 $0x1, s10  }
0x1e9: {  	p0 =	sne.s32 s9, s11  }
.Ltmp2:
0x1ea: {  	_ = 	snop;
	(pc) =	sbr.rel @p0 .LBB2_1-.Ltmp2, $3  }
0x1eb: {  	_ =	sdelay $0x1  }
0x1ec: {  	[sflag:s13] =	ssyncset.done $0x0  }
0x1ed: {  	[sflag:s13] =	ssyncadd.s32 $0xFFFFD800  }
0x1ee: {  	_ =	sfence.sel $0x180000  }
0x1ef: {  	[bflag:$0x0] =	sbarrier.arrive $0xFFFF  }
0x1f0: {  	_ =	strace $0x9000004A  }
0x1f1: {  	s0 =	stileid.u32;
	[bflag:$0x2] =	sbarrier.arrive $0xFFFF  }
0x1f2: {  	p0 =	sne.s32 s0, $0x0;
	s0 =	rddreg [dreg:$0x3]  }
0x1f3: {  	s0 =	sadd.s32 @!p0 $0x100000, s0  }
0x1f4: {  	[sflag:s0] =	ssyncadd.tile.s32 @!p0 $0x1;
	_ =	shalt  }
.Lfunc_end2:
_tile_overlayer_lowered:
.L_overlay_start_2:
0x1f5: {  	(tag) =	ssettag $0x2  }
0x1f6: {  	s0 =	rddreg [dreg:$0x0];
	s2 =	stileid.u32  }
0x1f7: {  	s1 =	rddreg [dreg:$0x1];
	p0 =	sne.s32 s2, $0x0  }
0x1f8: {  	s3 =	rddreg [dreg:$0x2];
	[bflag:$0x3] =	sbarrier.arrive $0xFFFF;
	s2 =	simm.s32 @!p0 $0x1C03  }
0x1f9: {  	[timem:s3], [sflag:s2] =	dma.local @!p0 [hbm:s0], s1  }
0x1fa: {  	s0 =	simm.s32 @!p0 $0x3  }
0x1fb: {  	_ =	swait.ge @!p0 [sflag:s0], s1  }
0x1fc: {  	s1 =	ssub.s32 @!p0 $0x0, s1;
	[sflag:s0] =	ssyncset.done @!p0 $0x0  }
0x1fd: {  	[sflag:s0] =	ssyncadd.s32 @!p0 s1  }
0x1fe: {  	[bflag:$0x3] =	sbarrier.arrive $0xFFFF  }
0x1ff: {  	_ =	shalt  }

// kernel: kernel.15.cloned.1.call-start
scs
__scs_entry_jumppad:
0x0: {  	(pc) =	sbr.rel $0x88, $3  }
0x1: {  	(tag) =	ssettag $0x0;
	lr =	simm.s32 $0x1  }
0x2: {  	[smem:$0x3F98] =	sst lr;
	_ =	strace $0xD0000000  }
0x3: {  	_ = 	snop  }
0x4: {  	_ = 	snop  }
0x5: {  	_ = 	snop  }
0x6: {  	_ = 	snop  }
0x7: {  	_ = 	snop  }
__scs_overlays_trampoline_lowered:
0x8: {  	[smem:$0x3FA7] =	sst s0  }
0x9: {  	[smem:$0x3FA8] =	sst s1  }
0xa: {  	[smem:$0x3FA9] =	sst s2  }
0xb: {  	[smem:$0x3FAA] =	sst s3  }
0xc: {  	[smem:$0x3FAB] =	sst s4  }
0xd: {  	[smem:$0x3FAC] =	sst s5  }
0xe: {  	[smem:$0x3FAD] =	sst s6  }
0xf: {  	[smem:$0x3FAE] =	sst s7  }
0x10: {  	[smem:$0x3FAF] =	sst s8  }
0x11: {  	[smem:$0x3FB0] =	sst s9;
	s0 =	simm.s32 @!p0 $0x0  }
0x12: {  	s1 =	sld [smem:$0x3F96];
	s0 =	simm.s32 @p0 $0x1  }
0x13: {  	[smem:$0x3FB1] =	sst s0;
	s0 =	simm.s32 @!p1 $0x0  }
0x14: {  	s2 =	sld [smem:$0x3F95];
	s0 =	simm.s32 @p1 $0x1  }
0x15: {  	[smem:$0x3FB2] =	sst s0;
	s0 =	simm.s32 @!p2 $0x0  }
0x16: {  	s3 =	sld [smem:$0x3FDB];
	s0 =	simm.s32 @p2 $0x1  }
0x17: {  	s4 =	simm.s32 $0x1BF5;
	[smem:$0x3FB4] =	sst s0  }
0x18: {  	s0 =	sld [smem:$0x3F97];
	_ =	swait.ge [sflag:s4], $0x0  }
0x19: {  	s7 =	sld [smem:$0x3F98]  }
0x1a: {  	s8 =	sadd.s32 $0xFFFFE003, lr  }
0x1b: {  	s9 =	sadd.s32 $0xFFFFFEF7, lr;
	s5 =	simm.s32 $0xFFFFFFFF;
	p2 =	slt.u32 s8, $0xFFFFF086  }
0x1c: {  	p1 =	slt.u32 s9, $0xF7A;
	s5 =	simm.s32 @!p2 $0x0  }
0x1d: {  	s5 =	simm.s32 @p1 $0x1;
	p0 =	seq.s32 s7, s2  }
0x1e: {  	s7 =	smul.u32 @!p0 $0xF7A, s2;
	p2 =	seq.s32 @!p0 s5, $0x0  }
0x1f: {  	s9 =	smul.u32 $0xF7A, s1;
	s8 =	simm.s32 @!p0 $0x1BF5;
	p2 =	por !p2, p0  }
0x20: {  	[sflag:s8] =	ssyncset.s32 @!p0 $0xFFFFF086;
	s6 =	sadd.s32 @!p0 s3, s7;
	s7 =	simm.s32 @!p0 $0x108  }
0x21: {  	s3 =	sadd.s32 s3, s9;
	s6 =	sadd.s32 @!p0 $0x88, s6;
	s7 =	simm.s32 @p2 $0x1082  }
0x22: {  	[simem:s7], [sflag:s8] =	dma.local @!p0 [hbm:s6], $0xF7A  }
0x23: {  	s9 =	sor.u32 $0xD0000000, s2;
	s6 =	simm.s32 $0x108;
	_ =	swait.ge @!p0 [sflag:s8], $0x0  }
0x24: {  	s3 =	sadd.s32 $0x88, s3;
	s6 =	simm.s32 @!p1 $0x1082;
	[sflag:s4] =	ssyncset.s32 $0xFFFFF086  }
0x25: {  	[simem:s6], [sflag:s4] =	dma.local [hbm:s3], $0xF7A  }
0x26: {  	[smem:$0x3F98] =	sst s1;
	(tag) =	ssettag s2;
	_ =	strace s9  }
0x27: {  	s1 =	sld [smem:$0x3FA8]  }
0x28: {  	s2 =	sld [smem:$0x3FA9]  }
0x29: {  	s4 =	sld [smem:$0x3FAB]  }
0x2a: {  	p0 =	seq.s32 s5, $0x0;
	s5 =	sld [smem:$0x3FAC]  }
0x2b: {  	s6 =	sld [smem:$0x3FAD]  }
0x2c: {  	s7 =	sld [smem:$0x3FAE]  }
0x2d: {  	s3 =	simm.s32 $0x108;
	s8 =	sld [smem:$0x3FAF]  }
0x2e: {  	s3 =	simm.s32 @!p0 $0x1082;
	s9 =	sld [smem:$0x3FB0]  }
0x2f: {  	lr =	sadd.s32 s0, s3;
	s0 =	sld [smem:$0x3FA7]  }
0x30: {  	s3 =	sld [smem:$0x3FAA]  }
0x31: {  	[smem:$0x3FB3] =	sst s10  }
0x32: {  	s10 =	sld [smem:$0x3FB1];
	_ =	sdelay $0x3  }
0x33: {  	p0 =	seq.s32 s10, $0x1;
	s10 =	sld [smem:$0x3FB3];
	_ =	sdelay $0x3  }
0x34: {  	[smem:$0x3FB3] =	sst s10  }
0x35: {  	s10 =	sld [smem:$0x3FB2];
	_ =	sdelay $0x3  }
0x36: {  	p1 =	seq.s32 s10, $0x1;
	s10 =	sld [smem:$0x3FB3];
	_ =	sdelay $0x3  }
0x37: {  	[smem:$0x3FB3] =	sst s10  }
0x38: {  	s10 =	sld [smem:$0x3FB4]  }
0x39: {  	_ = 	snop;
	(pc) =	sbr.ind lr, $3  }
0x3a: {  	_ = 	snop  }
0x3b: {  	_ = 	snop  }
0x3c: {  	p2 =	seq.s32 s10, $0x1;
	s10 =	sld [smem:$0x3FB3]  }
0x3d: {  	_ =	shalt  }
0x3e: {  	_ =	shalt  }
0x3f: {  	_ =	shalt  }
0x40: {  	_ =	shalt  }
0x41: {  	_ =	shalt  }
0x42: {  	_ =	shalt  }
0x43: {  	_ =	shalt  }
0x44: {  	_ =	shalt  }
0x45: {  	_ =	shalt  }
0x46: {  	_ =	shalt  }
0x47: {  	_ =	shalt  }
0x48: {  	_ =	shalt  }
0x49: {  	_ =	shalt  }
0x4a: {  	_ =	shalt  }
0x4b: {  	_ =	shalt  }
0x4c: {  	_ =	shalt  }
0x4d: {  	_ =	shalt  }
0x4e: {  	_ =	shalt  }
0x4f: {  	_ =	shalt  }
0x50: {  	_ =	shalt  }
0x51: {  	_ =	shalt  }
0x52: {  	_ =	shalt  }
0x53: {  	_ =	shalt  }
0x54: {  	_ =	shalt  }
0x55: {  	_ =	shalt  }
0x56: {  	_ =	shalt  }
0x57: {  	_ =	shalt  }
0x58: {  	_ =	shalt  }
0x59: {  	_ =	shalt  }
0x5a: {  	_ =	shalt  }
0x5b: {  	_ =	shalt  }
0x5c: {  	_ =	shalt  }
0x5d: {  	_ =	shalt  }
0x5e: {  	_ =	shalt  }
0x5f: {  	_ =	shalt  }
0x60: {  	_ =	shalt  }
0x61: {  	_ =	shalt  }
0x62: {  	_ =	shalt  }
0x63: {  	_ =	shalt  }
0x64: {  	_ =	shalt  }
0x65: {  	_ =	shalt  }
0x66: {  	_ =	shalt  }
0x67: {  	_ =	shalt  }
0x68: {  	_ =	shalt  }
0x69: {  	_ =	shalt  }
0x6a: {  	_ =	shalt  }
0x6b: {  	_ =	shalt  }
0x6c: {  	_ =	shalt  }
0x6d: {  	_ =	shalt  }
0x6e: {  	_ =	shalt  }
0x6f: {  	_ =	shalt  }
0x70: {  	_ =	shalt  }
0x71: {  	_ =	shalt  }
0x72: {  	_ =	shalt  }
0x73: {  	_ =	shalt  }
0x74: {  	_ =	shalt  }
0x75: {  	_ =	shalt  }
0x76: {  	_ =	shalt  }
0x77: {  	_ =	shalt  }
0x78: {  	_ =	shalt  }
0x79: {  	_ =	shalt  }
0x7a: {  	_ =	shalt  }
0x7b: {  	_ =	shalt  }
0x7c: {  	_ =	shalt  }
0x7d: {  	_ =	shalt  }
0x7e: {  	_ =	shalt  }
0x7f: {  	_ =	shalt  }
0x80: {  	_ =	shalt  }
0x81: {  	_ =	shalt  }
0x82: {  	_ =	shalt  }
0x83: {  	_ =	shalt  }
0x84: {  	_ =	shalt  }
0x85: {  	_ =	shalt  }
0x86: {  	_ =	shalt  }
0x87: {  	_ =	shalt  }
.Lfunc_end0:
.L_simem_size_0:
called_computation.2_lowered:
.L_overlay_start_0:
0x88: {  	s2 =	sld [smem:$0x3FD9]  }
0x89: {  	s3 =	sld [smem:$0x3FFE];
	_ =	sdelay $0x1  }
0x8a: {  	s1 =	srdreg.scid  }
0x8b: {  	s0 =	sand.u32 $0x1, s1  }
0x8c: {  	s14 =	sshll.u32 s0, $0xA;
	s2 =	sadd.s32 s3, s2  }
0x8d: {  	s2 =	sadd.s32 s2, s14  }
0x8e: {  	[smem:$0x3FBF] =	sst s2  }
0x8f: {  	_ = 	snop  }
0x90: {  	s2 =	sld [smem:$0x3FD0];
	_ =	sdelay $0x2  }
0x91: {  	s15 =	simm.s32 $0xA;
	s4 =	simm.s32 $0x10  }
0x92: {  	[smem:s4], [sflag:s15] =	dma.local [hbm:s2], $0x1  }
0x93: {  	_ =	swait.eq [sflag:s15], $0x1  }
0x94: {  	[sflag:s15] =	ssyncset.done $0x0  }
0x95: {  	[sflag:s15] =	ssyncadd.s32 $0xFFFFFFFF  }
0x96: {  	s16 =	sld [smem:$0x10];
	(tm) =	ssettm $0x1  }
0x97: {  	s17 =	sld [smem:$0x3FFB];
	_ =	sdelay $0x3  }
0x98: {  	_ =	strace s17  }
0x99: {  	s3 =	sld [smem:$0x3FFC];
	_ =	sdelay $0x3  }
0x9a: {  	_ =	strace s3  }
0x9b: {  	s3 =	sld [smem:$0x3FFD];
	_ =	sdelay $0x3  }
0x9c: {  	_ =	strace s3  }
0x9d: {  	_ =	strace $0x8FFFFFFF  }
0x9e: {  	s18 =	sld [smem:$0x3FDB];
	_ =	sdelay $0x1  }
0x9f: {  	s19 =	simm.s32 $_scs_section_size  }
0xa0: {  	s5 =	simm.s32 $_size__tile_overlayer_lowered;
	s6 =	simm.s32 $_tile_overlayer_lowered  }
0xa1: {  	s22 =	simm.s32 $0x1BFF;
	s21 =	sshll.u32 s6, $0x1;
	s3 =	sadd.s32 s19, s18  }
0xa2: {  	s7 =	simm.s32 $0x0;
	s20 =	sshll.u32 s5, $0x1;
	s5 =	sadd.s32 s21, s3  }
0xa3: {  	[timem:s7], [sflag:s22] =	dma.local [hbm:s5], s20  }
0xa4: {  	_ =	swait.ge [sflag:s22], s20  }
0xa5: {  	s4 =	ssub.s32 $0x0, s20;
	[sflag:s22] =	ssyncset.done $0x0  }
0xa6: {  	[sflag:s22] =	ssyncadd.s32 s4;
	_ =	sdelay $0x1  }
0xa7: {  	s23 =	simm.s32 $0x1B8B  }
0xa8: {  	_ =	swait.ge [sflag:s23], $0x1  }
0xa9: {  	[sflag:s23] =	ssyncset.done $0x0  }
0xaa: {  	s25 =	simm.s32 $0x1B8E;
	s24 =	sld [smem:$0x3FFE];
	[sflag:s23] =	ssyncadd.s32 $0xFFFFFFFF  }
0xab: {  	s26 =	simm.s32 $execute0_lowered;
	[smem:$0x3FD2] =	sst s25  }
0xac: {  	s5 =	sshll.u32 s26, $0x1;
	_ =	strace $0x8000004C;
	[dreg:$0x1] =	wrdreg $0xFFFFFFFF  }
0xad: {  	s28 =	simm.s32 $_size_execute0_lowered;
	s3 =	sadd.s32 s3, s5;
	[dreg:$0x0] =	wrdreg $0x0  }
0xae: {  	s5 =	sshll.u32 s28, $0x1;
	[dreg:$0x2] =	wrdreg s3  }
0xaf: {  	[dreg:$0x3] =	wrdreg s5  }
0xb0: {  	[dreg:$0x4] =	wrdreg $0xC0  }
0xb1: {  	_ =	task [dreg:s7], $0x5FFFF  }
0xb2: {  	[dreg:$0x1] =	wrdreg $0xFFFFFFFF  }
0xb3: {  	[dreg:$0x0] =	wrdreg $0x60  }
0xb4: {  	[dreg:$0x2] =	wrdreg s16  }
0xb5: {  	[dreg:$0x3] =	wrdreg s24  }
0xb6: {  	[dreg:$0x4] =	wrdreg $0x90000  }
0xb7: {  	[dreg:$0x5] =	wrdreg $0x9  }
0xb8: {  	_ =	task.clear_ibuf [dreg:s7], $0x6FFFF;
	_ =	strace $0x9000004C  }
0xb9: {  	s29 =	simm.s32 $0x9;
	_ =	strace $0x8000004E  }
0xba: {  	_ =	swait.ge [sflag:s29], $0x1  }
0xbb: {  	[sflag:s29] =	ssyncadd.s32 $0xFFFFFFFF  }
0xbc: {  	_ =	strace $0x9000004E  }
0xbd: {  	_ =	sfence  }
0xbe: {  	s30 =	sld [smem:$0x0];
	_ =	sdelay $0x2  }
0xbf: {  	s31 =	sshll.u32 s1, $0xD;
	s1 =	sshrl.u32 s1, $0x2  }
0xc0: {  	s3 =	sand.u32 $0x4000, s31;
	s1 =	sadd.s32 s1, s30  }
0xc1: {  	s0 =	sor.u32 s3, s0;
	s1 =	sshll.u32 s1, $0x11  }
0xc2: {  	s0 =	sor.u32 s1, s0  }
0xc3: {  	s0 =	sadd.s32 $0x8F2B, s0  }
0xc4: {  	[sflag:s0] =	ssyncadd.remote.s32 $0x1  }
0xc5: {  	_ =	sfence.sel $0xFFFF  }
0xc6: {  	[dreg:$0x0] =	wrdreg $0xFFFFFFFF;
	(pc) =	sbr.abs _section_cstart, $3  }
0xc7: {  	[dreg:$0x1] =	wrdreg $0xFFFFFFFF  }
0xc8: {  	_ =	task.clear_ibuf [dreg:s7], $0x2FFFF;
	_ =	strace $0x9FFFFFFF  }
0xc9: {  	(tm) =	ssettm $0x7FFFFFFF  }
tec
execute0_lowered:
.L_overlay_start_1:
0x0: {  	(tag) =	ssettag $0x1  }
0x1: {  	s1 =	rddreg [dreg:$0x0]  }
0x2: {  	s0 =	srdreg.scid;
	s2 =	rddreg [dreg:$0x1]  }
0x3: {  	s8 =	stileid.u32;
	s3 =	rddreg [dreg:$0x2];
	s4 =	simm.s32 $0x0  }
0x4: {  	s11 =	simm.s32 $0x100;
	s12 =	simm.s32 $0x880;
	[smem:$0x7FF] =	sst s4  }
0x5: {  	s13 =	simm.s32 $0x180;
	_ =	strace $0x8000004D;
	[dreg:$0x6] =	wrdreg s11  }
0x6: {  	s15 =	simm.s32 $0x900;
	s17 =	simm.s32 $0x200;
	[dreg:$0x7] =	wrdreg s12  }
0x7: {  	s19 =	simm.s32 $0x980;
	s21 =	simm.s32 $0x280;
	[dreg:$0x8] =	wrdreg s13  }
0x8: {  	s22 =	simm.s32 $0xA00;
	s23 =	simm.s32 $0x300;
	[dreg:$0x9] =	wrdreg s15  }
0x9: {  	s24 =	simm.s32 $0xA80;
	s25 =	simm.s32 $0x380;
	[dreg:$0xa] =	wrdreg s17  }
0xa: {  	s26 =	simm.s32 $0xB00;
	s28 =	simm.s32 $0x600;
	[dreg:$0xb] =	wrdreg s19  }
0xb: {  	s29 =	simm.s32 $0xD80;
	s30 =	simm.s32 $0x680;
	[dreg:$0xc] =	wrdreg s21  }
0xc: {  	s31 =	simm.s32 $0xE00;
	s5 =	smul.u32 $0x2800, s8;
	[dreg:$0xd] =	wrdreg s22  }
0xd: {  	s0 =	sand.u32 $0x1, s0;
	s8 =	smul.u32 $0x50000, s8;
	[dreg:$0xe] =	wrdreg s23  }
0xe: {  	s6 =	smul.u32 $0x28000, s0;
	s0 =	ssub.s32 $0x2, s0;
	[dreg:$0xf] =	wrdreg s24  }
0xf: {  	s12 =	simm.s32 $0x1000;
	s13 =	simm.s32 $0x3;
	[dreg:$0x10] =	wrdreg s25  }
0x10: {  	s15 =	simm.s32 $0x80;
	s17 =	simm.s32 $0x1;
	[dreg:$0x11] =	wrdreg s26  }
0x11: {  	s19 =	simm.s32 $0x400;
	s21 =	simm.s32 $0x480;
	s22 =	simm.s32 $0xC00  }
0x12: {  	s23 =	simm.s32 $0x500;
	s7 =	sshrl.u32 s0, $0x1;
	s8 =	sshrl.u32 s8, $0x2  }
0x13: {  	s24 =	simm.s32 $0xC80;
	s0 =	ssub.s32 s0, s7;
	s10 =	sadd.s32 s8, s3  }
0x14: {  	s25 =	simm.s32 $0x580;
	s0 =	smax.u32 s0, $0x1;
	[dreg:$0x12] =	wrdreg s10  }
0x15: {  	s26 =	simm.s32 $0xD00;
	s14 =	sadd.s32 $0x4000, s10;
	[dreg:$0x14] =	wrdreg s0  }
0x16: {  	s5 =	sadd.s32 s5, s6;
	s16 =	sadd.s32 $0x8000, s10;
	[dreg:$0x15] =	wrdreg s14  }
0x17: {  	s8 =	simm.s32 $0xF80;
	s18 =	sadd.s32 $0xC000, s10;
	[dreg:$0x16] =	wrdreg s16  }
0x18: {  	s6 =	sshrl.u32 s5, $0x3;
	s20 =	sadd.s32 $0x10000, s10;
	[dreg:$0x17] =	wrdreg s18  }
0x19: {  	s6 =	sadd.s32 s6, s2;
	s2 =	sadd.s32 s5, s2;
	[dreg:$0x18] =	wrdreg s20  }
0x1a: {  	s14 =	simm.s32 $0x800;
	s16 =	simm.s32 $0x5000;
	s7 =	sadd.s32 $0xDE00, s6  }
0x1b: {  	s18 =	simm.s32 $0x2;
	s9 =	sadd.s32 $0x3E00, s6;
	[dreg:$0x4] =	wrdreg s7  }
0x1c: {  	s20 =	simm.s32 $0xB80;
	s2 =	sadd.s32 $0x6BE00, s2;
	[dreg:$0x5] =	wrdreg s9  }
0x1d: {  	s0 =	simm.s32 $0xE80;
	s6 =	simm.s32 $0x780;
	[dreg:$0x13] =	wrdreg s2  }
0x1e: {  	v0 =	vimm.f32 $0.0e+00;
	s2 =	simm.s32 $0x700;
	s7 =	simm.s32 $0xF00;
	s9 =	simm.s32 $0x0  }
.LBB2_1:
0x1f: {  	s10 =	simm.s32 $0x0;
	s11 =	simm.s32 $0x200  }
.LBB2_2:
0x20: {  	p0 =	sne.s32 s11, $0xFE00;
	[tilespmem:s10+$0x1070] =	vst v0  }
0x21: {  	[tilespmem:s10+$0x1000] =	vst v0  }
0x22: {  	[tilespmem:s10+$0x1010] =	vst v0  }
.Ltmp0:
0x23: {  	[tilespmem:s10+$0x1020] =	vst v0;
	(pc) =	sbr.rel @p0 .LBB2_2-.Ltmp0, $4  }
0x24: {  	[tilespmem:s10+$0x1030] =	vst v0  }
0x25: {  	[tilespmem:s10+$0x1040] =	vst v0  }
0x26: {  	[tilespmem:s10+$0x1050] =	vst v0  }
0x27: {  	[tilespmem:s10+$0x1060] =	vst v0;
	s10 =	sshra.s32 s11, $0x2;
	s11 =	sadd.s32 $0x200, s11  }
0x28: {  	[tilespmem:s10+$0x1070] =	vst v0  }
0x29: {  	[tilespmem:s10+$0x1000] =	vst v0  }
0x2a: {  	[tilespmem:s10+$0x1010] =	vst v0  }
0x2b: {  	[tilespmem:s10+$0x1020] =	vst v0  }
0x2c: {  	[tilespmem:s10+$0x1030] =	vst v0  }
0x2d: {  	[tilespmem:s10+$0x1040] =	vst v0  }
0x2e: {  	[dreg:$0x19] =	wrdreg s9;
	[tilespmem:s10+$0x1050] =	vst v0  }
0x2f: {  	[tilespmem:s10+$0x1060] =	vst v0;
	s5 =	rddreg [dreg:$0x12]  }
0x30: {  	[spmem:s5] =	stream.linear.scatter [tilespmem:s12], [sflag:$0x3], $0x4000, $0x38;
	[tilespmem:$0x1D000] =	vst v63  }
0x31: {  	_ =	swait.ge [sflag:s13], $0x4000  }
0x32: {  	[sflag:s13] =	ssyncset.done $0x0  }
0x33: {  	s9 =	rddreg [dreg:$0x15];
	[sflag:s13] =	ssyncadd.s32 $0xFFFFC000  }
0x34: {  	[spmem:s9] =	stream.linear.scatter [tilespmem:s12], [sflag:$0x3], $0x4000, $0x38;
	[tilespmem:$0x1D000] =	vst v63  }
0x35: {  	_ =	swait.ge [sflag:s13], $0x4000  }
0x36: {  	[sflag:s13] =	ssyncset.done $0x0  }
0x37: {  	s10 =	rddreg [dreg:$0x16];
	[sflag:s13] =	ssyncadd.s32 $0xFFFFC000  }
0x38: {  	[spmem:s10] =	stream.linear.scatter [tilespmem:s12], [sflag:$0x3], $0x4000, $0x38;
	[tilespmem:$0x1D000] =	vst v63  }
0x39: {  	_ =	swait.ge [sflag:s13], $0x4000  }
0x3a: {  	[sflag:s13] =	ssyncset.done $0x0  }
0x3b: {  	s11 =	rddreg [dreg:$0x17];
	[sflag:s13] =	ssyncadd.s32 $0xFFFFC000  }
0x3c: {  	[spmem:s11] =	stream.linear.scatter [tilespmem:s12], [sflag:$0x3], $0x4000, $0x38;
	[tilespmem:$0x1D000] =	vst v63  }
0x3d: {  	_ =	swait.ge [sflag:s13], $0x4000  }
0x3e: {  	[sflag:s13] =	ssyncset.done $0x0  }
0x3f: {  	s9 =	rddreg [dreg:$0x18];
	[sflag:s13] =	ssyncadd.s32 $0xFFFFC000  }
0x40: {  	[spmem:s9] =	stream.linear.scatter [tilespmem:s12], [sflag:$0x3], $0x4000, $0x38;
	[tilespmem:$0x1D000] =	vst v63  }
0x41: {  	_ =	swait.ge [sflag:s13], $0x4000  }
0x42: {  	[sflag:s13] =	ssyncset.done $0x0  }
0x43: {  	[sflag:s13] =	ssyncadd.s32 $0xFFFFC000  }
0x44: {  	[bflag:$0x0] =	sbarrier.arrive $0xFFFF  }
0x45: {  	s10 =	rddreg [dreg:$0x5]  }
0x46: {  	s5 =	sadd.s32 $0x0, s10  }
0x47: {  	[tilespmem:s4], [sflag:$0x3] =	stream.linear.gather [hbm4b:s5+s4], $0x800, $0x38;
	[tilespmem:$0x1D000] =	vst v63  }
0x48: {  	_ =	swait.ge [sflag:s13], $0x800  }
0x49: {  	s11 =	rddreg [dreg:$0x4];
	[sflag:s13] =	ssyncset.done $0x0  }
0x4a: {  	[sflag:s13] =	ssyncadd.s32 $0xFFFFF800;
	s5 =	sadd.s32 $0x0, s11  }
0x4b: {  	[tilespmem:s14], [sflag:$0x3] =	stream.linear.gather [hbm4b:s5+s4], $0x800, $0x38;
	[tilespmem:$0x1D000] =	vst v63  }
0x4c: {  	_ =	swait.ge [sflag:s13], $0x800  }
0x4d: {  	[sflag:s13] =	ssyncset.done $0x0  }
0x4e: {  	[sflag:s13] =	ssyncadd.s32 $0xFFFFF800  }
0x4f: {  	[tilespmem:s12], [sflag:$0x1] =	stream.indirect.gather [hbm4b:s1+s15], $0x80, s4, s15, $0xb8;
	[tilespmem:$0x1D000] =	vst v63  }
0x50: {  	_ = 	snop  }
0x51: {  	[tilespmem:s16], [sflag:$0x2] =	stream.indirect.gather [hbm4b:s1+s15], $0x80, s15, s15, $0xb8;
	[tilespmem:$0x1D000] =	vst v63  }
0x52: {  	_ =	swait.ge [sflag:s17], $0x4000  }
0x53: {  	[sflag:s17] =	ssyncset.done $0x0  }
0x54: {  	[sflag:s17] =	ssyncadd.s32 $0xFFFFC000  }
0x55: {  	[spmem:s3] =	stream.indirect.scatter.add.f32 [tilespmem:s12], [sflag:$0x3], $0x80, s14, s15, $0xb8;
	[tilespmem:$0x1D000] =	vst v63  }
0x56: {  	_ =	swait.ge [sflag:s13], $0x4000  }
0x57: {  	[sflag:s13] =	ssyncset.done $0x0  }
0x58: {  	s9 =	rddreg [dreg:$0x6];
	[sflag:s13] =	ssyncadd.s32 $0xFFFFC000  }
0x59: {  	[tilespmem:s12], [sflag:$0x1] =	stream.indirect.gather [hbm4b:s1+s15], $0x80, s9, s15, $0xb8;
	[tilespmem:$0x1D000] =	vst v63  }
0x5a: {  	_ =	swait.ge [sflag:s18], $0x4000  }
0x5b: {  	[sflag:s18] =	ssyncset.done $0x0  }
0x5c: {  	s10 =	rddreg [dreg:$0x7];
	[sflag:s18] =	ssyncadd.s32 $0xFFFFC000  }
0x5d: {  	[spmem:s3] =	stream.indirect.scatter.add.f32 [tilespmem:s16], [sflag:$0x3], $0x80, s10, s15, $0xb8;
	[tilespmem:$0x1D000] =	vst v63  }
0x5e: {  	_ =	swait.ge [sflag:s13], $0x4000  }
0x5f: {  	[sflag:s13] =	ssyncset.done $0x0  }
0x60: {  	s11 =	rddreg [dreg:$0x8];
	[sflag:s13] =	ssyncadd.s32 $0xFFFFC000  }
0x61: {  	[tilespmem:s16], [sflag:$0x2] =	stream.indirect.gather [hbm4b:s1+s15], $0x80, s11, s15, $0xb8;
	[tilespmem:$0x1D000] =	vst v63  }
0x62: {  	_ =	swait.ge [sflag:s17], $0x4000  }
0x63: {  	[sflag:s17] =	ssyncset.done $0x0  }
0x64: {  	s9 =	rddreg [dreg:$0x9];
	[sflag:s17] =	ssyncadd.s32 $0xFFFFC000  }
0x65: {  	[spmem:s3] =	stream.indirect.scatter.add.f32 [tilespmem:s12], [sflag:$0x3], $0x80, s9, s15, $0xb8;
	[tilespmem:$0x1D000] =	vst v63  }
0x66: {  	_ =	swait.ge [sflag:s13], $0x4000  }
0x67: {  	[sflag:s13] =	ssyncset.done $0x0  }
0x68: {  	s10 =	rddreg [dreg:$0xa];
	[sflag:s13] =	ssyncadd.s32 $0xFFFFC000  }
0x69: {  	[tilespmem:s12], [sflag:$0x1] =	stream.indirect.gather [hbm4b:s1+s15], $0x80, s10, s15, $0xb8;
	[tilespmem:$0x1D000] =	vst v63  }
0x6a: {  	_ =	swait.ge [sflag:s18], $0x4000  }
0x6b: {  	[sflag:s18] =	ssyncset.done $0x0  }
0x6c: {  	s11 =	rddreg [dreg:$0xb];
	[sflag:s18] =	ssyncadd.s32 $0xFFFFC000  }
0x6d: {  	[spmem:s3] =	stream.indirect.scatter.add.f32 [tilespmem:s16], [sflag:$0x3], $0x80, s11, s15, $0xb8;
	[tilespmem:$0x1D000] =	vst v63  }
0x6e: {  	_ =	swait.ge [sflag:s13], $0x4000  }
0x6f: {  	[sflag:s13] =	ssyncset.done $0x0  }
0x70: {  	s9 =	rddreg [dreg:$0xc];
	[sflag:s13] =	ssyncadd.s32 $0xFFFFC000  }
0x71: {  	[tilespmem:s16], [sflag:$0x2] =	stream.indirect.gather [hbm4b:s1+s15], $0x80, s9, s15, $0xb8;
	[tilespmem:$0x1D000] =	vst v63  }
0x72: {  	_ =	swait.ge [sflag:s17], $0x4000  }
0x73: {  	[sflag:s17] =	ssyncset.done $0x0  }
0x74: {  	s10 =	rddreg [dreg:$0xd];
	[sflag:s17] =	ssyncadd.s32 $0xFFFFC000  }
0x75: {  	[spmem:s3] =	stream.indirect.scatter.add.f32 [tilespmem:s12], [sflag:$0x3], $0x80, s10, s15, $0xb8;
	[tilespmem:$0x1D000] =	vst v63  }
0x76: {  	_ =	swait.ge [sflag:s13], $0x4000  }
0x77: {  	[sflag:s13] =	ssyncset.done $0x0  }
0x78: {  	s11 =	rddreg [dreg:$0xe];
	[sflag:s13] =	ssyncadd.s32 $0xFFFFC000  }
0x79: {  	[tilespmem:s12], [sflag:$0x1] =	stream.indirect.gather [hbm4b:s1+s15], $0x80, s11, s15, $0xb8;
	[tilespmem:$0x1D000] =	vst v63  }
0x7a: {  	_ =	swait.ge [sflag:s18], $0x4000  }
0x7b: {  	[sflag:s18] =	ssyncset.done $0x0  }
0x7c: {  	s9 =	rddreg [dreg:$0xf];
	[sflag:s18] =	ssyncadd.s32 $0xFFFFC000  }
0x7d: {  	[spmem:s3] =	stream.indirect.scatter.add.f32 [tilespmem:s16], [sflag:$0x3], $0x80, s9, s15, $0xb8;
	[tilespmem:$0x1D000] =	vst v63  }
0x7e: {  	_ =	swait.ge [sflag:s13], $0x4000  }
0x7f: {  	[sflag:s13] =	ssyncset.done $0x0  }
0x80: {  	s10 =	rddreg [dreg:$0x10];
	[sflag:s13] =	ssyncadd.s32 $0xFFFFC000  }
0x81: {  	[tilespmem:s16], [sflag:$0x2] =	stream.indirect.gather [hbm4b:s1+s15], $0x80, s10, s15, $0xb8;
	[tilespmem:$0x1D000] =	vst v63  }
0x82: {  	_ =	swait.ge [sflag:s17], $0x4000  }
0x83: {  	[sflag:s17] =	ssyncset.done $0x0  }
0x84: {  	s11 =	rddreg [dreg:$0x11];
	[sflag:s17] =	ssyncadd.s32 $0xFFFFC000  }
0x85: {  	[spmem:s3] =	stream.indirect.scatter.add.f32 [tilespmem:s12], [sflag:$0x3], $0x80, s11, s15, $0xb8;
	[tilespmem:$0x1D000] =	vst v63  }
0x86: {  	_ =	swait.ge [sflag:s13], $0x4000  }
0x87: {  	[sflag:s13] =	ssyncset.done $0x0  }
0x88: {  	[sflag:s13] =	ssyncadd.s32 $0xFFFFC000  }
0x89: {  	[tilespmem:s12], [sflag:$0x1] =	stream.indirect.gather [hbm4b:s1+s15], $0x80, s19, s15, $0xb8;
	[tilespmem:$0x1D000] =	vst v63  }
0x8a: {  	_ =	swait.ge [sflag:s18], $0x4000  }
0x8b: {  	[sflag:s18] =	ssyncset.done $0x0  }
0x8c: {  	[sflag:s18] =	ssyncadd.s32 $0xFFFFC000  }
0x8d: {  	[spmem:s3] =	stream.indirect.scatter.add.f32 [tilespmem:s16], [sflag:$0x3], $0x80, s20, s15, $0xb8;
	[tilespmem:$0x1D000] =	vst v63  }
0x8e: {  	_ =	swait.ge [sflag:s13], $0x4000  }
0x8f: {  	[sflag:s13] =	ssyncset.done $0x0  }
0x90: {  	[sflag:s13] =	ssyncadd.s32 $0xFFFFC000  }
0x91: {  	[tilespmem:s16], [sflag:$0x2] =	stream.indirect.gather [hbm4b:s1+s15], $0x80, s21, s15, $0xb8;
	[tilespmem:$0x1D000] =	vst v63  }
0x92: {  	_ =	swait.ge [sflag:s17], $0x4000  }
0x93: {  	[sflag:s17] =	ssyncset.done $0x0  }
0x94: {  	[sflag:s17] =	ssyncadd.s32 $0xFFFFC000  }
0x95: {  	[spmem:s3] =	stream.indirect.scatter.add.f32 [tilespmem:s12], [sflag:$0x3], $0x80, s22, s15, $0xb8;
	[tilespmem:$0x1D000] =	vst v63  }
0x96: {  	_ =	swait.ge [sflag:s13], $0x4000  }
0x97: {  	[sflag:s13] =	ssyncset.done $0x0  }
0x98: {  	[sflag:s13] =	ssyncadd.s32 $0xFFFFC000  }
0x99: {  	[tilespmem:s12], [sflag:$0x1] =	stream.indirect.gather [hbm4b:s1+s15], $0x80, s23, s15, $0xb8;
	[tilespmem:$0x1D000] =	vst v63  }
0x9a: {  	_ =	swait.ge [sflag:s18], $0x4000  }
0x9b: {  	[sflag:s18] =	ssyncset.done $0x0  }
0x9c: {  	[sflag:s18] =	ssyncadd.s32 $0xFFFFC000  }
0x9d: {  	[spmem:s3] =	stream.indirect.scatter.add.f32 [tilespmem:s16], [sflag:$0x3], $0x80, s24, s15, $0xb8;
	[tilespmem:$0x1D000] =	vst v63  }
0x9e: {  	_ =	swait.ge [sflag:s13], $0x4000  }
0x9f: {  	[sflag:s13] =	ssyncset.done $0x0  }
0xa0: {  	[sflag:s13] =	ssyncadd.s32 $0xFFFFC000  }
0xa1: {  	[tilespmem:s16], [sflag:$0x2] =	stream.indirect.gather [hbm4b:s1+s15], $0x80, s25, s15, $0xb8;
	[tilespmem:$0x1D000] =	vst v63  }
0xa2: {  	_ =	swait.ge [sflag:s17], $0x4000  }
0xa3: {  	[sflag:s17] =	ssyncset.done $0x0  }
0xa4: {  	[sflag:s17] =	ssyncadd.s32 $0xFFFFC000  }
0xa5: {  	[spmem:s3] =	stream.indirect.scatter.add.f32 [tilespmem:s12], [sflag:$0x3], $0x80, s26, s15, $0xb8;
	[tilespmem:$0x1D000] =	vst v63  }
0xa6: {  	_ =	swait.ge [sflag:s13], $0x4000  }
0xa7: {  	[sflag:s13] =	ssyncset.done $0x0  }
0xa8: {  	[sflag:s13] =	ssyncadd.s32 $0xFFFFC000  }
0xa9: {  	[tilespmem:s12], [sflag:$0x1] =	stream.indirect.gather [hbm4b:s1+s15], $0x80, s28, s15, $0xb8;
	[tilespmem:$0x1D000] =	vst v63  }
0xaa: {  	_ =	swait.ge [sflag:s18], $0x4000  }
0xab: {  	[sflag:s18] =	ssyncset.done $0x0  }
0xac: {  	[sflag:s18] =	ssyncadd.s32 $0xFFFFC000  }
0xad: {  	[spmem:s3] =	stream.indirect.scatter.add.f32 [tilespmem:s16], [sflag:$0x3], $0x80, s29, s15, $0xb8;
	[tilespmem:$0x1D000] =	vst v63  }
0xae: {  	_ =	swait.ge [sflag:s13], $0x4000  }
0xaf: {  	[sflag:s13] =	ssyncset.done $0x0  }
0xb0: {  	[sflag:s13] =	ssyncadd.s32 $0xFFFFC000  }
0xb1: {  	[tilespmem:s16], [sflag:$0x2] =	stream.indirect.gather [hbm4b:s1+s15], $0x80, s30, s15, $0xb8;
	[tilespmem:$0x1D000] =	vst v63  }
0xb2: {  	_ =	swait.ge [sflag:s17], $0x4000  }
0xb3: {  	[sflag:s17] =	ssyncset.done $0x0  }
0xb4: {  	[sflag:s17] =	ssyncadd.s32 $0xFFFFC000  }
0xb5: {  	[spmem:s3] =	stream.indirect.scatter.add.f32 [tilespmem:s12], [sflag:$0x3], $0x80, s31, s15, $0xb8;
	[tilespmem:$0x1D000] =	vst v63  }
0xb6: {  	_ =	swait.ge [sflag:s13], $0x4000  }
0xb7: {  	[sflag:s13] =	ssyncset.done $0x0  }
0xb8: {  	[sflag:s13] =	ssyncadd.s32 $0xFFFFC000  }
0xb9: {  	[tilespmem:s12], [sflag:$0x1] =	stream.indirect.gather [hbm4b:s1+s15], $0x80, s2, s15, $0xb8;
	[tilespmem:$0x1D000] =	vst v63  }
0xba: {  	_ =	swait.ge [sflag:s18], $0x4000  }
0xbb: {  	[sflag:s18] =	ssyncset.done $0x0  }
0xbc: {  	[sflag:s18] =	ssyncadd.s32 $0xFFFFC000  }
0xbd: {  	[spmem:s3] =	stream.indirect.scatter.add.f32 [tilespmem:s16], [sflag:$0x3], $0x80, s0, s15, $0xb8;
	[tilespmem:$0x1D000] =	vst v63  }
0xbe: {  	_ =	swait.ge [sflag:s13], $0x4000  }
0xbf: {  	[sflag:s13] =	ssyncset.done $0x0  }
0xc0: {  	[sflag:s13] =	ssyncadd.s32 $0xFFFFC000  }
0xc1: {  	[tilespmem:s16], [sflag:$0x2] =	stream.indirect.gather [hbm4b:s1+s15], $0x80, s6, s15, $0xb8;
	[tilespmem:$0x1D000] =	vst v63  }
0xc2: {  	_ =	swait.ge [sflag:s17], $0x4000  }
0xc3: {  	[sflag:s17] =	ssyncset.done $0x0  }
0xc4: {  	[sflag:s17] =	ssyncadd.s32 $0xFFFFC000  }
0xc5: {  	[spmem:s3] =	stream.indirect.scatter.add.f32 [tilespmem:s12], [sflag:$0x3], $0x80, s7, s15, $0xb8;
	[tilespmem:$0x1D000] =	vst v63  }
0xc6: {  	_ =	swait.ge [sflag:s13], $0x4000  }
0xc7: {  	[sflag:s13] =	ssyncset.done $0x0  }
0xc8: {  	[sflag:s13] =	ssyncadd.s32 $0xFFFFC000  }
0xc9: {  	_ =	swait.ge [sflag:s18], $0x4000  }
0xca: {  	[sflag:s18] =	ssyncset.done $0x0  }
0xcb: {  	[sflag:s18] =	ssyncadd.s32 $0xFFFFC000  }
0xcc: {  	[spmem:s3] =	stream.indirect.scatter.add.f32 [tilespmem:s16], [sflag:$0x3], $0x80, s8, s15, $0xb8;
	[tilespmem:$0x1D000] =	vst v63  }
0xcd: {  	s10 =	simm.s32 $0x100;
	_ =	swait.ge [sflag:s13], $0x4000  }
0xce: {  	s11 =	simm.s32 $0x200;
	s5 =	rddreg [dreg:$0x5];
	[sflag:s13] =	ssyncset.done $0x0  }
.LBB2_4:
0xcf: {  	[sflag:s13] =	ssyncadd.s32 $0xFFFFC000;
	s5 =	sadd.s32 s10, s5  }
0xd0: {  	[tilespmem:s4], [sflag:$0x3] =	stream.linear.gather [hbm4b:s5+s4], $0x800, $0x38;
	[tilespmem:$0x1D000] =	vst v63  }
0xd1: {  	_ =	swait.ge [sflag:s13], $0x800  }
0xd2: {  	s5 =	rddreg [dreg:$0x4];
	[sflag:s13] =	ssyncset.done $0x0  }
0xd3: {  	[sflag:s13] =	ssyncadd.s32 $0xFFFFF800;
	s5 =	sadd.s32 s10, s5  }
0xd4: {  	[tilespmem:s14], [sflag:$0x3] =	stream.linear.gather [hbm4b:s5+s4], $0x800, $0x38;
	[tilespmem:$0x1D000] =	vst v63  }
0xd5: {  	_ =	swait.ge [sflag:s13], $0x800  }
0xd6: {  	[sflag:s13] =	ssyncset.done $0x0  }
0xd7: {  	[sflag:s13] =	ssyncadd.s32 $0xFFFFF800  }
0xd8: {  	[tilespmem:s12], [sflag:$0x1] =	stream.indirect.gather [hbm4b:s1+s15], $0x80, s4, s15, $0xb8;
	[tilespmem:$0x1D000] =	vst v63  }
0xd9: {  	_ = 	snop  }
0xda: {  	[tilespmem:s16], [sflag:$0x2] =	stream.indirect.gather [hbm4b:s1+s15], $0x80, s15, s15, $0xb8;
	[tilespmem:$0x1D000] =	vst v63  }
0xdb: {  	_ =	swait.ge [sflag:s17], $0x4000  }
0xdc: {  	[sflag:s17] =	ssyncset.done $0x0  }
0xdd: {  	[sflag:s17] =	ssyncadd.s32 $0xFFFFC000  }
0xde: {  	[spmem:s3] =	stream.indirect.scatter.add.f32 [tilespmem:s12], [sflag:$0x3], $0x80, s14, s15, $0xb8;
	[tilespmem:$0x1D000] =	vst v63  }
0xdf: {  	_ =	swait.ge [sflag:s13], $0x4000  }
0xe0: {  	s9 =	smov.u32 s11;
	[sflag:s13] =	ssyncset.done $0x0  }
0xe1: {  	s10 =	smov.u32 s9;
	s9 =	rddreg [dreg:$0x6];
	[sflag:s13] =	ssyncadd.s32 $0xFFFFC000  }
0xe2: {  	[tilespmem:s12], [sflag:$0x1] =	stream.indirect.gather [hbm4b:s1+s15], $0x80, s9, s15, $0xb8;
	[tilespmem:$0x1D000] =	vst v63  }
0xe3: {  	_ =	swait.ge [sflag:s18], $0x4000  }
0xe4: {  	[sflag:s18] =	ssyncset.done $0x0  }
0xe5: {  	s9 =	rddreg [dreg:$0x7];
	[sflag:s18] =	ssyncadd.s32 $0xFFFFC000  }
0xe6: {  	[spmem:s3] =	stream.indirect.scatter.add.f32 [tilespmem:s16], [sflag:$0x3], $0x80, s9, s15, $0xb8;
	[tilespmem:$0x1D000] =	vst v63  }
0xe7: {  	_ =	swait.ge [sflag:s13], $0x4000  }
0xe8: {  	[sflag:s13] =	ssyncset.done $0x0  }
0xe9: {  	s9 =	rddreg [dreg:$0x8];
	[sflag:s13] =	ssyncadd.s32 $0xFFFFC000  }
0xea: {  	[tilespmem:s16], [sflag:$0x2] =	stream.indirect.gather [hbm4b:s1+s15], $0x80, s9, s15, $0xb8;
	[tilespmem:$0x1D000] =	vst v63  }
0xeb: {  	_ =	swait.ge [sflag:s17], $0x4000  }
0xec: {  	[sflag:s17] =	ssyncset.done $0x0  }
0xed: {  	s9 =	rddreg [dreg:$0x9];
	[sflag:s17] =	ssyncadd.s32 $0xFFFFC000  }
0xee: {  	[spmem:s3] =	stream.indirect.scatter.add.f32 [tilespmem:s12], [sflag:$0x3], $0x80, s9, s15, $0xb8;
	[tilespmem:$0x1D000] =	vst v63  }
0xef: {  	_ =	swait.ge [sflag:s13], $0x4000  }
0xf0: {  	[sflag:s13] =	ssyncset.done $0x0  }
0xf1: {  	s9 =	rddreg [dreg:$0xa];
	[sflag:s13] =	ssyncadd.s32 $0xFFFFC000  }
0xf2: {  	[tilespmem:s12], [sflag:$0x1] =	stream.indirect.gather [hbm4b:s1+s15], $0x80, s9, s15, $0xb8;
	[tilespmem:$0x1D000] =	vst v63  }
0xf3: {  	_ =	swait.ge [sflag:s18], $0x4000  }
0xf4: {  	[sflag:s18] =	ssyncset.done $0x0  }
0xf5: {  	s9 =	rddreg [dreg:$0xb];
	[sflag:s18] =	ssyncadd.s32 $0xFFFFC000  }
0xf6: {  	[spmem:s3] =	stream.indirect.scatter.add.f32 [tilespmem:s16], [sflag:$0x3], $0x80, s9, s15, $0xb8;
	[tilespmem:$0x1D000] =	vst v63  }
0xf7: {  	_ =	swait.ge [sflag:s13], $0x4000  }
0xf8: {  	[sflag:s13] =	ssyncset.done $0x0  }
0xf9: {  	s9 =	rddreg [dreg:$0xc];
	[sflag:s13] =	ssyncadd.s32 $0xFFFFC000  }
0xfa: {  	[tilespmem:s16], [sflag:$0x2] =	stream.indirect.gather [hbm4b:s1+s15], $0x80, s9, s15, $0xb8;
	[tilespmem:$0x1D000] =	vst v63  }
0xfb: {  	_ =	swait.ge [sflag:s17], $0x4000  }
0xfc: {  	[sflag:s17] =	ssyncset.done $0x0  }
0xfd: {  	s9 =	rddreg [dreg:$0xd];
	[sflag:s17] =	ssyncadd.s32 $0xFFFFC000  }
0xfe: {  	[spmem:s3] =	stream.indirect.scatter.add.f32 [tilespmem:s12], [sflag:$0x3], $0x80, s9, s15, $0xb8;
	[tilespmem:$0x1D000] =	vst v63  }
0xff: {  	_ =	swait.ge [sflag:s13], $0x4000  }
0x100: {  	[sflag:s13] =	ssyncset.done $0x0  }
0x101: {  	s9 =	rddreg [dreg:$0xe];
	[sflag:s13] =	ssyncadd.s32 $0xFFFFC000  }
0x102: {  	[tilespmem:s12], [sflag:$0x1] =	stream.indirect.gather [hbm4b:s1+s15], $0x80, s9, s15, $0xb8;
	[tilespmem:$0x1D000] =	vst v63  }
0x103: {  	_ =	swait.ge [sflag:s18], $0x4000  }
0x104: {  	[sflag:s18] =	ssyncset.done $0x0  }
0x105: {  	s9 =	rddreg [dreg:$0xf];
	[sflag:s18] =	ssyncadd.s32 $0xFFFFC000  }
0x106: {  	[spmem:s3] =	stream.indirect.scatter.add.f32 [tilespmem:s16], [sflag:$0x3], $0x80, s9, s15, $0xb8;
	[tilespmem:$0x1D000] =	vst v63  }
0x107: {  	_ =	swait.ge [sflag:s13], $0x4000  }
0x108: {  	[sflag:s13] =	ssyncset.done $0x0  }
0x109: {  	s9 =	rddreg [dreg:$0x10];
	[sflag:s13] =	ssyncadd.s32 $0xFFFFC000  }
0x10a: {  	[tilespmem:s16], [sflag:$0x2] =	stream.indirect.gather [hbm4b:s1+s15], $0x80, s9, s15, $0xb8;
	[tilespmem:$0x1D000] =	vst v63  }
0x10b: {  	_ =	swait.ge [sflag:s17], $0x4000  }
0x10c: {  	[sflag:s17] =	ssyncset.done $0x0  }
0x10d: {  	s9 =	rddreg [dreg:$0x11];
	[sflag:s17] =	ssyncadd.s32 $0xFFFFC000  }
0x10e: {  	[spmem:s3] =	stream.indirect.scatter.add.f32 [tilespmem:s12], [sflag:$0x3], $0x80, s9, s15, $0xb8;
	[tilespmem:$0x1D000] =	vst v63  }
0x10f: {  	_ =	swait.ge [sflag:s13], $0x4000  }
0x110: {  	[sflag:s13] =	ssyncset.done $0x0  }
0x111: {  	[sflag:s13] =	ssyncadd.s32 $0xFFFFC000  }
0x112: {  	[tilespmem:s12], [sflag:$0x1] =	stream.indirect.gather [hbm4b:s1+s15], $0x80, s19, s15, $0xb8;
	[tilespmem:$0x1D000] =	vst v63  }
0x113: {  	_ =	swait.ge [sflag:s18], $0x4000  }
0x114: {  	[sflag:s18] =	ssyncset.done $0x0  }
0x115: {  	[sflag:s18] =	ssyncadd.s32 $0xFFFFC000  }
0x116: {  	[spmem:s3] =	stream.indirect.scatter.add.f32 [tilespmem:s16], [sflag:$0x3], $0x80, s20, s15, $0xb8;
	[tilespmem:$0x1D000] =	vst v63  }
0x117: {  	_ =	swait.ge [sflag:s13], $0x4000  }
0x118: {  	[sflag:s13] =	ssyncset.done $0x0  }
0x119: {  	[sflag:s13] =	ssyncadd.s32 $0xFFFFC000  }
0x11a: {  	[tilespmem:s16], [sflag:$0x2] =	stream.indirect.gather [hbm4b:s1+s15], $0x80, s21, s15, $0xb8;
	[tilespmem:$0x1D000] =	vst v63  }
0x11b: {  	_ =	swait.ge [sflag:s17], $0x4000  }
0x11c: {  	[sflag:s17] =	ssyncset.done $0x0  }
0x11d: {  	[sflag:s17] =	ssyncadd.s32 $0xFFFFC000  }
0x11e: {  	[spmem:s3] =	stream.indirect.scatter.add.f32 [tilespmem:s12], [sflag:$0x3], $0x80, s22, s15, $0xb8;
	[tilespmem:$0x1D000] =	vst v63  }
0x11f: {  	_ =	swait.ge [sflag:s13], $0x4000  }
0x120: {  	[sflag:s13] =	ssyncset.done $0x0  }
0x121: {  	[sflag:s13] =	ssyncadd.s32 $0xFFFFC000  }
0x122: {  	[tilespmem:s12], [sflag:$0x1] =	stream.indirect.gather [hbm4b:s1+s15], $0x80, s23, s15, $0xb8;
	[tilespmem:$0x1D000] =	vst v63  }
0x123: {  	_ =	swait.ge [sflag:s18], $0x4000  }
0x124: {  	[sflag:s18] =	ssyncset.done $0x0  }
0x125: {  	[sflag:s18] =	ssyncadd.s32 $0xFFFFC000  }
0x126: {  	[spmem:s3] =	stream.indirect.scatter.add.f32 [tilespmem:s16], [sflag:$0x3], $0x80, s24, s15, $0xb8;
	[tilespmem:$0x1D000] =	vst v63  }
0x127: {  	_ =	swait.ge [sflag:s13], $0x4000  }
0x128: {  	[sflag:s13] =	ssyncset.done $0x0  }
0x129: {  	[sflag:s13] =	ssyncadd.s32 $0xFFFFC000  }
0x12a: {  	[tilespmem:s16], [sflag:$0x2] =	stream.indirect.gather [hbm4b:s1+s15], $0x80, s25, s15, $0xb8;
	[tilespmem:$0x1D000] =	vst v63  }
0x12b: {  	_ =	swait.ge [sflag:s17], $0x4000  }
0x12c: {  	[sflag:s17] =	ssyncset.done $0x0  }
0x12d: {  	[sflag:s17] =	ssyncadd.s32 $0xFFFFC000  }
0x12e: {  	[spmem:s3] =	stream.indirect.scatter.add.f32 [tilespmem:s12], [sflag:$0x3], $0x80, s26, s15, $0xb8;
	[tilespmem:$0x1D000] =	vst v63  }
0x12f: {  	_ =	swait.ge [sflag:s13], $0x4000  }
0x130: {  	[sflag:s13] =	ssyncset.done $0x0  }
0x131: {  	[sflag:s13] =	ssyncadd.s32 $0xFFFFC000  }
0x132: {  	[tilespmem:s12], [sflag:$0x1] =	stream.indirect.gather [hbm4b:s1+s15], $0x80, s28, s15, $0xb8;
	[tilespmem:$0x1D000] =	vst v63  }
0x133: {  	_ =	swait.ge [sflag:s18], $0x4000  }
0x134: {  	[sflag:s18] =	ssyncset.done $0x0  }
0x135: {  	[sflag:s18] =	ssyncadd.s32 $0xFFFFC000  }
0x136: {  	[spmem:s3] =	stream.indirect.scatter.add.f32 [tilespmem:s16], [sflag:$0x3], $0x80, s29, s15, $0xb8;
	[tilespmem:$0x1D000] =	vst v63  }
0x137: {  	_ =	swait.ge [sflag:s13], $0x4000  }
0x138: {  	[sflag:s13] =	ssyncset.done $0x0  }
0x139: {  	[sflag:s13] =	ssyncadd.s32 $0xFFFFC000  }
0x13a: {  	[tilespmem:s16], [sflag:$0x2] =	stream.indirect.gather [hbm4b:s1+s15], $0x80, s30, s15, $0xb8;
	[tilespmem:$0x1D000] =	vst v63  }
0x13b: {  	_ =	swait.ge [sflag:s17], $0x4000  }
0x13c: {  	[sflag:s17] =	ssyncset.done $0x0  }
0x13d: {  	[sflag:s17] =	ssyncadd.s32 $0xFFFFC000  }
0x13e: {  	[spmem:s3] =	stream.indirect.scatter.add.f32 [tilespmem:s12], [sflag:$0x3], $0x80, s31, s15, $0xb8;
	[tilespmem:$0x1D000] =	vst v63  }
0x13f: {  	_ =	swait.ge [sflag:s13], $0x4000  }
0x140: {  	[sflag:s13] =	ssyncset.done $0x0  }
0x141: {  	[sflag:s13] =	ssyncadd.s32 $0xFFFFC000  }
0x142: {  	[tilespmem:s12], [sflag:$0x1] =	stream.indirect.gather [hbm4b:s1+s15], $0x80, s2, s15, $0xb8;
	[tilespmem:$0x1D000] =	vst v63  }
0x143: {  	_ =	swait.ge [sflag:s18], $0x4000  }
0x144: {  	[sflag:s18] =	ssyncset.done $0x0  }
0x145: {  	[sflag:s18] =	ssyncadd.s32 $0xFFFFC000  }
0x146: {  	[spmem:s3] =	stream.indirect.scatter.add.f32 [tilespmem:s16], [sflag:$0x3], $0x80, s0, s15, $0xb8;
	[tilespmem:$0x1D000] =	vst v63  }
0x147: {  	_ =	swait.ge [sflag:s13], $0x4000  }
0x148: {  	[sflag:s13] =	ssyncset.done $0x0  }
0x149: {  	[sflag:s13] =	ssyncadd.s32 $0xFFFFC000  }
0x14a: {  	[tilespmem:s16], [sflag:$0x2] =	stream.indirect.gather [hbm4b:s1+s15], $0x80, s6, s15, $0xb8;
	[tilespmem:$0x1D000] =	vst v63  }
0x14b: {  	_ =	swait.ge [sflag:s17], $0x4000  }
0x14c: {  	[sflag:s17] =	ssyncset.done $0x0  }
0x14d: {  	[sflag:s17] =	ssyncadd.s32 $0xFFFFC000  }
0x14e: {  	[spmem:s3] =	stream.indirect.scatter.add.f32 [tilespmem:s12], [sflag:$0x3], $0x80, s7, s15, $0xb8;
	[tilespmem:$0x1D000] =	vst v63  }
0x14f: {  	_ =	swait.ge [sflag:s13], $0x4000  }
0x150: {  	[sflag:s13] =	ssyncset.done $0x0  }
0x151: {  	[sflag:s13] =	ssyncadd.s32 $0xFFFFC000  }
0x152: {  	p0 =	sne.s32 s11, $0x400;
	_ =	swait.ge [sflag:s18], $0x4000  }
.Ltmp1:
0x153: {  	[sflag:s18] =	ssyncset.done $0x0;
	(pc) =	sbr.rel @p0 .LBB2_4-.Ltmp1, $4  }
0x154: {  	[sflag:s18] =	ssyncadd.s32 $0xFFFFC000  }
0x155: {  	[spmem:s3] =	stream.indirect.scatter.add.f32 [tilespmem:s16], [sflag:$0x3], $0x80, s8, s15, $0xb8;
	[tilespmem:$0x1D000] =	vst v63  }
0x156: {  	_ =	swait.ge [sflag:s13], $0x4000  }
0x157: {  	s11 =	sadd.s32 $0x100, s11;
	s5 =	rddreg [dreg:$0x5];
	[sflag:s13] =	ssyncset.done $0x0  }
0x158: {  	[sflag:s13] =	ssyncadd.s32 $0xFFFFC000;
	s5 =	sadd.s32 s10, s5  }
0x159: {  	[tilespmem:s4], [sflag:$0x3] =	stream.linear.gather [hbm4b:s5+s4], $0x800, $0x38;
	[tilespmem:$0x1D000] =	vst v63  }
0x15a: {  	_ =	swait.ge [sflag:s13], $0x800  }
0x15b: {  	s9 =	rddreg [dreg:$0x4];
	[sflag:s13] =	ssyncset.done $0x0  }
0x15c: {  	[sflag:s13] =	ssyncadd.s32 $0xFFFFF800;
	s5 =	sadd.s32 s10, s9  }
0x15d: {  	[tilespmem:s14], [sflag:$0x3] =	stream.linear.gather [hbm4b:s5+s4], $0x800, $0x38;
	[tilespmem:$0x1D000] =	vst v63  }
0x15e: {  	_ =	swait.ge [sflag:s13], $0x800  }
0x15f: {  	[sflag:s13] =	ssyncset.done $0x0  }
0x160: {  	[sflag:s13] =	ssyncadd.s32 $0xFFFFF800  }
0x161: {  	[tilespmem:s12], [sflag:$0x1] =	stream.indirect.gather [hbm4b:s1+s15], $0x80, s4, s15, $0xb8;
	[tilespmem:$0x1D000] =	vst v63  }
0x162: {  	_ = 	snop  }
0x163: {  	[tilespmem:s16], [sflag:$0x2] =	stream.indirect.gather [hbm4b:s1+s15], $0x80, s15, s15, $0xb8;
	[tilespmem:$0x1D000] =	vst v63  }
0x164: {  	_ =	swait.ge [sflag:s17], $0x4000  }
0x165: {  	[sflag:s17] =	ssyncset.done $0x0  }
0x166: {  	[sflag:s17] =	ssyncadd.s32 $0xFFFFC000  }
0x167: {  	[spmem:s3] =	stream.indirect.scatter.add.f32 [tilespmem:s12], [sflag:$0x3], $0x80, s14, s15, $0xb8;
	[tilespmem:$0x1D000] =	vst v63  }
0x168: {  	_ =	swait.ge [sflag:s13], $0x4000  }
0x169: {  	[sflag:s13] =	ssyncset.done $0x0  }
0x16a: {  	s10 =	rddreg [dreg:$0x6];
	[sflag:s13] =	ssyncadd.s32 $0xFFFFC000  }
0x16b: {  	[tilespmem:s12], [sflag:$0x1] =	stream.indirect.gather [hbm4b:s1+s15], $0x80, s10, s15, $0xb8;
	[tilespmem:$0x1D000] =	vst v63  }
0x16c: {  	_ =	swait.ge [sflag:s18], $0x4000  }
0x16d: {  	[sflag:s18] =	ssyncset.done $0x0  }
0x16e: {  	s11 =	rddreg [dreg:$0x7];
	[sflag:s18] =	ssyncadd.s32 $0xFFFFC000  }
0x16f: {  	[spmem:s3] =	stream.indirect.scatter.add.f32 [tilespmem:s16], [sflag:$0x3], $0x80, s11, s15, $0xb8;
	[tilespmem:$0x1D000] =	vst v63  }
0x170: {  	_ =	swait.ge [sflag:s13], $0x4000  }
0x171: {  	[sflag:s13] =	ssyncset.done $0x0  }
0x172: {  	s9 =	rddreg [dreg:$0x8];
	[sflag:s13] =	ssyncadd.s32 $0xFFFFC000  }
0x173: {  	[tilespmem:s16], [sflag:$0x2] =	stream.indirect.gather [hbm4b:s1+s15], $0x80, s9, s15, $0xb8;
	[tilespmem:$0x1D000] =	vst v63  }
0x174: {  	_ =	swait.ge [sflag:s17], $0x4000  }
0x175: {  	[sflag:s17] =	ssyncset.done $0x0  }
0x176: {  	s10 =	rddreg [dreg:$0x9];
	[sflag:s17] =	ssyncadd.s32 $0xFFFFC000  }
0x177: {  	[spmem:s3] =	stream.indirect.scatter.add.f32 [tilespmem:s12], [sflag:$0x3], $0x80, s10, s15, $0xb8;
	[tilespmem:$0x1D000] =	vst v63  }
0x178: {  	_ =	swait.ge [sflag:s13], $0x4000  }
0x179: {  	[sflag:s13] =	ssyncset.done $0x0  }
0x17a: {  	s11 =	rddreg [dreg:$0xa];
	[sflag:s13] =	ssyncadd.s32 $0xFFFFC000  }
0x17b: {  	[tilespmem:s12], [sflag:$0x1] =	stream.indirect.gather [hbm4b:s1+s15], $0x80, s11, s15, $0xb8;
	[tilespmem:$0x1D000] =	vst v63  }
0x17c: {  	_ =	swait.ge [sflag:s18], $0x4000  }
0x17d: {  	[sflag:s18] =	ssyncset.done $0x0  }
0x17e: {  	s9 =	rddreg [dreg:$0xb];
	[sflag:s18] =	ssyncadd.s32 $0xFFFFC000  }
0x17f: {  	[spmem:s3] =	stream.indirect.scatter.add.f32 [tilespmem:s16], [sflag:$0x3], $0x80, s9, s15, $0xb8;
	[tilespmem:$0x1D000] =	vst v63  }
0x180: {  	_ =	swait.ge [sflag:s13], $0x4000  }
0x181: {  	[sflag:s13] =	ssyncset.done $0x0  }
0x182: {  	s10 =	rddreg [dreg:$0xc];
	[sflag:s13] =	ssyncadd.s32 $0xFFFFC000  }
0x183: {  	[tilespmem:s16], [sflag:$0x2] =	stream.indirect.gather [hbm4b:s1+s15], $0x80, s10, s15, $0xb8;
	[tilespmem:$0x1D000] =	vst v63  }
0x184: {  	_ =	swait.ge [sflag:s17], $0x4000  }
0x185: {  	[sflag:s17] =	ssyncset.done $0x0  }
0x186: {  	s11 =	rddreg [dreg:$0xd];
	[sflag:s17] =	ssyncadd.s32 $0xFFFFC000  }
0x187: {  	[spmem:s3] =	stream.indirect.scatter.add.f32 [tilespmem:s12], [sflag:$0x3], $0x80, s11, s15, $0xb8;
	[tilespmem:$0x1D000] =	vst v63  }
0x188: {  	_ =	swait.ge [sflag:s13], $0x4000  }
0x189: {  	[sflag:s13] =	ssyncset.done $0x0  }
0x18a: {  	s9 =	rddreg [dreg:$0xe];
	[sflag:s13] =	ssyncadd.s32 $0xFFFFC000  }
0x18b: {  	[tilespmem:s12], [sflag:$0x1] =	stream.indirect.gather [hbm4b:s1+s15], $0x80, s9, s15, $0xb8;
	[tilespmem:$0x1D000] =	vst v63  }
0x18c: {  	_ =	swait.ge [sflag:s18], $0x4000  }
0x18d: {  	[sflag:s18] =	ssyncset.done $0x0  }
0x18e: {  	s10 =	rddreg [dreg:$0xf];
	[sflag:s18] =	ssyncadd.s32 $0xFFFFC000  }
0x18f: {  	[spmem:s3] =	stream.indirect.scatter.add.f32 [tilespmem:s16], [sflag:$0x3], $0x80, s10, s15, $0xb8;
	[tilespmem:$0x1D000] =	vst v63  }
0x190: {  	_ =	swait.ge [sflag:s13], $0x4000  }
0x191: {  	[sflag:s13] =	ssyncset.done $0x0  }
0x192: {  	s11 =	rddreg [dreg:$0x10];
	[sflag:s13] =	ssyncadd.s32 $0xFFFFC000  }
0x193: {  	[tilespmem:s16], [sflag:$0x2] =	stream.indirect.gather [hbm4b:s1+s15], $0x80, s11, s15, $0xb8;
	[tilespmem:$0x1D000] =	vst v63  }
0x194: {  	_ =	swait.ge [sflag:s17], $0x4000  }
0x195: {  	[sflag:s17] =	ssyncset.done $0x0  }
0x196: {  	s9 =	rddreg [dreg:$0x11];
	[sflag:s17] =	ssyncadd.s32 $0xFFFFC000  }
0x197: {  	[spmem:s3] =	stream.indirect.scatter.add.f32 [tilespmem:s12], [sflag:$0x3], $0x80, s9, s15, $0xb8;
	[tilespmem:$0x1D000] =	vst v63  }
0x198: {  	_ =	swait.ge [sflag:s13], $0x4000  }
0x199: {  	[sflag:s13] =	ssyncset.done $0x0  }
0x19a: {  	[sflag:s13] =	ssyncadd.s32 $0xFFFFC000  }
0x19b: {  	[tilespmem:s12], [sflag:$0x1] =	stream.indirect.gather [hbm4b:s1+s15], $0x80, s19, s15, $0xb8;
	[tilespmem:$0x1D000] =	vst v63  }
0x19c: {  	_ =	swait.ge [sflag:s18], $0x4000  }
0x19d: {  	[sflag:s18] =	ssyncset.done $0x0  }
0x19e: {  	[sflag:s18] =	ssyncadd.s32 $0xFFFFC000  }
0x19f: {  	[spmem:s3] =	stream.indirect.scatter.add.f32 [tilespmem:s16], [sflag:$0x3], $0x80, s20, s15, $0xb8;
	[tilespmem:$0x1D000] =	vst v63  }
0x1a0: {  	_ =	swait.ge [sflag:s13], $0x4000  }
0x1a1: {  	[sflag:s13] =	ssyncset.done $0x0  }
0x1a2: {  	[sflag:s13] =	ssyncadd.s32 $0xFFFFC000  }
0x1a3: {  	[tilespmem:s16], [sflag:$0x2] =	stream.indirect.gather [hbm4b:s1+s15], $0x80, s21, s15, $0xb8;
	[tilespmem:$0x1D000] =	vst v63  }
0x1a4: {  	_ =	swait.ge [sflag:s17], $0x4000  }
0x1a5: {  	[sflag:s17] =	ssyncset.done $0x0  }
0x1a6: {  	[sflag:s17] =	ssyncadd.s32 $0xFFFFC000  }
0x1a7: {  	[spmem:s3] =	stream.indirect.scatter.add.f32 [tilespmem:s12], [sflag:$0x3], $0x80, s22, s15, $0xb8;
	[tilespmem:$0x1D000] =	vst v63  }
0x1a8: {  	_ =	swait.ge [sflag:s13], $0x4000  }
0x1a9: {  	[sflag:s13] =	ssyncset.done $0x0  }
0x1aa: {  	[sflag:s13] =	ssyncadd.s32 $0xFFFFC000  }
0x1ab: {  	[tilespmem:s12], [sflag:$0x1] =	stream.indirect.gather [hbm4b:s1+s15], $0x80, s23, s15, $0xb8;
	[tilespmem:$0x1D000] =	vst v63  }
0x1ac: {  	_ =	swait.ge [sflag:s18], $0x4000  }
0x1ad: {  	[sflag:s18] =	ssyncset.done $0x0  }
0x1ae: {  	[sflag:s18] =	ssyncadd.s32 $0xFFFFC000  }
0x1af: {  	[spmem:s3] =	stream.indirect.scatter.add.f32 [tilespmem:s16], [sflag:$0x3], $0x80, s24, s15, $0xb8;
	[tilespmem:$0x1D000] =	vst v63  }
0x1b0: {  	_ =	swait.ge [sflag:s13], $0x4000  }
0x1b1: {  	[sflag:s13] =	ssyncset.done $0x0  }
0x1b2: {  	[sflag:s13] =	ssyncadd.s32 $0xFFFFC000  }
0x1b3: {  	[tilespmem:s16], [sflag:$0x2] =	stream.indirect.gather [hbm4b:s1+s15], $0x80, s25, s15, $0xb8;
	[tilespmem:$0x1D000] =	vst v63  }
0x1b4: {  	_ =	swait.ge [sflag:s17], $0x4000  }
0x1b5: {  	[sflag:s17] =	ssyncset.done $0x0  }
0x1b6: {  	[sflag:s17] =	ssyncadd.s32 $0xFFFFC000  }
0x1b7: {  	[spmem:s3] =	stream.indirect.scatter.add.f32 [tilespmem:s12], [sflag:$0x3], $0x80, s26, s15, $0xb8;
	[tilespmem:$0x1D000] =	vst v63  }
0x1b8: {  	_ =	swait.ge [sflag:s13], $0x4000  }
0x1b9: {  	[sflag:s13] =	ssyncset.done $0x0  }
0x1ba: {  	[sflag:s13] =	ssyncadd.s32 $0xFFFFC000  }
0x1bb: {  	[tilespmem:s12], [sflag:$0x1] =	stream.indirect.gather [hbm4b:s1+s15], $0x80, s28, s15, $0xb8;
	[tilespmem:$0x1D000] =	vst v63  }
0x1bc: {  	_ =	swait.ge [sflag:s18], $0x4000  }
0x1bd: {  	[sflag:s18] =	ssyncset.done $0x0  }
0x1be: {  	[sflag:s18] =	ssyncadd.s32 $0xFFFFC000  }
0x1bf: {  	[spmem:s3] =	stream.indirect.scatter.add.f32 [tilespmem:s16], [sflag:$0x3], $0x80, s29, s15, $0xb8;
	[tilespmem:$0x1D000] =	vst v63  }
0x1c0: {  	_ =	swait.ge [sflag:s13], $0x4000  }
0x1c1: {  	[sflag:s13] =	ssyncset.done $0x0  }
0x1c2: {  	[sflag:s13] =	ssyncadd.s32 $0xFFFFC000  }
0x1c3: {  	[tilespmem:s16], [sflag:$0x2] =	stream.indirect.gather [hbm4b:s1+s15], $0x80, s30, s15, $0xb8;
	[tilespmem:$0x1D000] =	vst v63  }
0x1c4: {  	_ =	swait.ge [sflag:s17], $0x4000  }
0x1c5: {  	[sflag:s17] =	ssyncset.done $0x0  }
0x1c6: {  	[sflag:s17] =	ssyncadd.s32 $0xFFFFC000  }
0x1c7: {  	[spmem:s3] =	stream.indirect.scatter.add.f32 [tilespmem:s12], [sflag:$0x3], $0x80, s31, s15, $0xb8;
	[tilespmem:$0x1D000] =	vst v63  }
0x1c8: {  	_ =	swait.ge [sflag:s13], $0x4000  }
0x1c9: {  	[sflag:s13] =	ssyncset.done $0x0  }
0x1ca: {  	[sflag:s13] =	ssyncadd.s32 $0xFFFFC000  }
0x1cb: {  	[tilespmem:s12], [sflag:$0x1] =	stream.indirect.gather [hbm4b:s1+s15], $0x80, s2, s15, $0xb8;
	[tilespmem:$0x1D000] =	vst v63  }
0x1cc: {  	_ =	swait.ge [sflag:s18], $0x4000  }
0x1cd: {  	[sflag:s18] =	ssyncset.done $0x0  }
0x1ce: {  	[sflag:s18] =	ssyncadd.s32 $0xFFFFC000  }
0x1cf: {  	[spmem:s3] =	stream.indirect.scatter.add.f32 [tilespmem:s16], [sflag:$0x3], $0x80, s0, s15, $0xb8;
	[tilespmem:$0x1D000] =	vst v63  }
0x1d0: {  	_ =	swait.ge [sflag:s13], $0x4000  }
0x1d1: {  	[sflag:s13] =	ssyncset.done $0x0  }
0x1d2: {  	[sflag:s13] =	ssyncadd.s32 $0xFFFFC000  }
0x1d3: {  	[tilespmem:s16], [sflag:$0x2] =	stream.indirect.gather [hbm4b:s1+s15], $0x80, s6, s15, $0xb8;
	[tilespmem:$0x1D000] =	vst v63  }
0x1d4: {  	_ =	swait.ge [sflag:s17], $0x4000  }
0x1d5: {  	[sflag:s17] =	ssyncset.done $0x0  }
0x1d6: {  	[sflag:s17] =	ssyncadd.s32 $0xFFFFC000  }
0x1d7: {  	[spmem:s3] =	stream.indirect.scatter.add.f32 [tilespmem:s12], [sflag:$0x3], $0x80, s7, s15, $0xb8;
	[tilespmem:$0x1D000] =	vst v63  }
0x1d8: {  	_ =	swait.ge [sflag:s13], $0x4000  }
0x1d9: {  	[sflag:s13] =	ssyncset.done $0x0  }
0x1da: {  	[sflag:s13] =	ssyncadd.s32 $0xFFFFC000  }
0x1db: {  	_ =	swait.ge [sflag:s18], $0x4000  }
0x1dc: {  	[sflag:s18] =	ssyncset.done $0x0  }
0x1dd: {  	[sflag:s18] =	ssyncadd.s32 $0xFFFFC000  }
0x1de: {  	[spmem:s3] =	stream.indirect.scatter.add.f32 [tilespmem:s16], [sflag:$0x3], $0x80, s8, s15, $0xb8;
	[tilespmem:$0x1D000] =	vst v63  }
0x1df: {  	_ =	swait.ge [sflag:s13], $0x4000  }
0x1e0: {  	[sflag:s13] =	ssyncset.done $0x0  }
0x1e1: {  	[sflag:s13] =	ssyncadd.s32 $0xFFFFC000  }
0x1e2: {  	s10 =	stileid.u32;
	[bflag:$0x0] =	sbarrier.arrive $0xFFFF  }
0x1e3: {  	s5 =	sshll.u32 s10, $0x6;
	s9 =	rddreg [dreg:$0x12]  }
0x1e4: {  	s5 =	sor.u32 $0x1C03, s5;
	s11 =	rddreg [dreg:$0x13];
	s9 =	sshrl.u32 s9, $0x3  }
0x1e5: {  	[hbm:s11], [sflag:s5] =	dma.local [spmem:s9], $0x2800  }
0x1e6: {  	_ =	swait.ge [sflag:s13], $0x2800  }
0x1e7: {  	s10 =	rddreg [dreg:$0x19]  }
0x1e8: {  	s11 =	rddreg [dreg:$0x14];
	s9 =	sadd.s32 $0x1, s10  }
0x1e9: {  	p0 =	sne.s32 s9, s11  }
.Ltmp2:
0x1ea: {  	_ = 	snop;
	(pc) =	sbr.rel @p0 .LBB2_1-.Ltmp2, $3  }
0x1eb: {  	_ =	sdelay $0x1  }
0x1ec: {  	[sflag:s13] =	ssyncset.done $0x0  }
0x1ed: {  	[sflag:s13] =	ssyncadd.s32 $0xFFFFD800  }
0x1ee: {  	_ =	sfence.sel $0x180000  }
0x1ef: {  	[bflag:$0x0] =	sbarrier.arrive $0xFFFF  }
0x1f0: {  	_ =	strace $0x9000004D  }
0x1f1: {  	s0 =	stileid.u32;
	[bflag:$0x2] =	sbarrier.arrive $0xFFFF  }
0x1f2: {  	p0 =	sne.s32 s0, $0x0;
	s0 =	rddreg [dreg:$0x3]  }
0x1f3: {  	s0 =	sadd.s32 @!p0 $0x100000, s0  }
0x1f4: {  	[sflag:s0] =	ssyncadd.tile.s32 @!p0 $0x1;
	_ =	shalt  }
.Lfunc_end2:
_tile_overlayer_lowered:
.L_overlay_start_2:
0x1f5: {  	(tag) =	ssettag $0x2  }
0x1f6: {  	s0 =	rddreg [dreg:$0x0];
	s2 =	stileid.u32  }
0x1f7: {  	s1 =	rddreg [dreg:$0x1];
	p0 =	sne.s32 s2, $0x0  }
0x1f8: {  	s3 =	rddreg [dreg:$0x2];
	[bflag:$0x3] =	sbarrier.arrive $0xFFFF;
	s2 =	simm.s32 @!p0 $0x1C03  }
0x1f9: {  	[timem:s3], [sflag:s2] =	dma.local @!p0 [hbm:s0], s1  }
0x1fa: {  	s0 =	simm.s32 @!p0 $0x3  }
0x1fb: {  	_ =	swait.ge @!p0 [sflag:s0], s1  }
0x1fc: {  	s1 =	ssub.s32 @!p0 $0x0, s1;
	[sflag:s0] =	ssyncset.done @!p0 $0x0  }
0x1fd: {  	[sflag:s0] =	ssyncadd.s32 @!p0 s1  }
0x1fe: {  	[bflag:$0x3] =	sbarrier.arrive $0xFFFF  }
0x1ff: {  	_ =	shalt  }

// kernel: kernel.9.cloned.1.call-start
scs
__scs_entry_jumppad:
0x0: {  	(pc) =	sbr.rel $0x88, $3  }
0x1: {  	(tag) =	ssettag $0x0;
	lr =	simm.s32 $0x1  }
0x2: {  	[smem:$0x3F98] =	sst lr;
	_ =	strace $0xD0000000  }
0x3: {  	_ = 	snop  }
0x4: {  	_ = 	snop  }
0x5: {  	_ = 	snop  }
0x6: {  	_ = 	snop  }
0x7: {  	_ = 	snop  }
__scs_overlays_trampoline_lowered:
0x8: {  	[smem:$0x3FA7] =	sst s0  }
0x9: {  	[smem:$0x3FA8] =	sst s1  }
0xa: {  	[smem:$0x3FA9] =	sst s2  }
0xb: {  	[smem:$0x3FAA] =	sst s3  }
0xc: {  	[smem:$0x3FAB] =	sst s4  }
0xd: {  	[smem:$0x3FAC] =	sst s5  }
0xe: {  	[smem:$0x3FAD] =	sst s6  }
0xf: {  	[smem:$0x3FAE] =	sst s7  }
0x10: {  	[smem:$0x3FAF] =	sst s8  }
0x11: {  	[smem:$0x3FB0] =	sst s9;
	s0 =	simm.s32 @!p0 $0x0  }
0x12: {  	s1 =	sld [smem:$0x3F96];
	s0 =	simm.s32 @p0 $0x1  }
0x13: {  	[smem:$0x3FB1] =	sst s0;
	s0 =	simm.s32 @!p1 $0x0  }
0x14: {  	s2 =	sld [smem:$0x3F95];
	s0 =	simm.s32 @p1 $0x1  }
0x15: {  	[smem:$0x3FB2] =	sst s0;
	s0 =	simm.s32 @!p2 $0x0  }
0x16: {  	s3 =	sld [smem:$0x3FDB];
	s0 =	simm.s32 @p2 $0x1  }
0x17: {  	s4 =	simm.s32 $0x1BF5;
	[smem:$0x3FB4] =	sst s0  }
0x18: {  	s0 =	sld [smem:$0x3F97];
	_ =	swait.ge [sflag:s4], $0x0  }
0x19: {  	s7 =	sld [smem:$0x3F98]  }
0x1a: {  	s8 =	sadd.s32 $0xFFFFE003, lr  }
0x1b: {  	s9 =	sadd.s32 $0xFFFFFEF7, lr;
	s5 =	simm.s32 $0xFFFFFFFF;
	p2 =	slt.u32 s8, $0xFFFFF086  }
0x1c: {  	p1 =	slt.u32 s9, $0xF7A;
	s5 =	simm.s32 @!p2 $0x0  }
0x1d: {  	s5 =	simm.s32 @p1 $0x1;
	p0 =	seq.s32 s7, s2  }
0x1e: {  	s7 =	smul.u32 @!p0 $0xF7A, s2;
	p2 =	seq.s32 @!p0 s5, $0x0  }
0x1f: {  	s9 =	smul.u32 $0xF7A, s1;
	s8 =	simm.s32 @!p0 $0x1BF5;
	p2 =	por !p2, p0  }
0x20: {  	[sflag:s8] =	ssyncset.s32 @!p0 $0xFFFFF086;
	s6 =	sadd.s32 @!p0 s3, s7;
	s7 =	simm.s32 @!p0 $0x108  }
0x21: {  	s3 =	sadd.s32 s3, s9;
	s6 =	sadd.s32 @!p0 $0x88, s6;
	s7 =	simm.s32 @p2 $0x1082  }
0x22: {  	[simem:s7], [sflag:s8] =	dma.local @!p0 [hbm:s6], $0xF7A  }
0x23: {  	s9 =	sor.u32 $0xD0000000, s2;
	s6 =	simm.s32 $0x108;
	_ =	swait.ge @!p0 [sflag:s8], $0x0  }
0x24: {  	s3 =	sadd.s32 $0x88, s3;
	s6 =	simm.s32 @!p1 $0x1082;
	[sflag:s4] =	ssyncset.s32 $0xFFFFF086  }
0x25: {  	[simem:s6], [sflag:s4] =	dma.local [hbm:s3], $0xF7A  }
0x26: {  	[smem:$0x3F98] =	sst s1;
	(tag) =	ssettag s2;
	_ =	strace s9  }
0x27: {  	s1 =	sld [smem:$0x3FA8]  }
0x28: {  	s2 =	sld [smem:$0x3FA9]  }
0x29: {  	s4 =	sld [smem:$0x3FAB]  }
0x2a: {  	p0 =	seq.s32 s5, $0x0;
	s5 =	sld [smem:$0x3FAC]  }
0x2b: {  	s6 =	sld [smem:$0x3FAD]  }
0x2c: {  	s7 =	sld [smem:$0x3FAE]  }
0x2d: {  	s3 =	simm.s32 $0x108;
	s8 =	sld [smem:$0x3FAF]  }
0x2e: {  	s3 =	simm.s32 @!p0 $0x1082;
	s9 =	sld [smem:$0x3FB0]  }
0x2f: {  	lr =	sadd.s32 s0, s3;
	s0 =	sld [smem:$0x3FA7]  }
0x30: {  	s3 =	sld [smem:$0x3FAA]  }
0x31: {  	[smem:$0x3FB3] =	sst s10  }
0x32: {  	s10 =	sld [smem:$0x3FB1];
	_ =	sdelay $0x3  }
0x33: {  	p0 =	seq.s32 s10, $0x1;
	s10 =	sld [smem:$0x3FB3];
	_ =	sdelay $0x3  }
0x34: {  	[smem:$0x3FB3] =	sst s10  }
0x35: {  	s10 =	sld [smem:$0x3FB2];
	_ =	sdelay $0x3  }
0x36: {  	p1 =	seq.s32 s10, $0x1;
	s10 =	sld [smem:$0x3FB3];
	_ =	sdelay $0x3  }
0x37: {  	[smem:$0x3FB3] =	sst s10  }
0x38: {  	s10 =	sld [smem:$0x3FB4]  }
0x39: {  	_ = 	snop;
	(pc) =	sbr.ind lr, $3  }
0x3a: {  	_ = 	snop  }
0x3b: {  	_ = 	snop  }
0x3c: {  	p2 =	seq.s32 s10, $0x1;
	s10 =	sld [smem:$0x3FB3]  }
0x3d: {  	_ =	shalt  }
0x3e: {  	_ =	shalt  }
0x3f: {  	_ =	shalt  }
0x40: {  	_ =	shalt  }
0x41: {  	_ =	shalt  }
0x42: {  	_ =	shalt  }
0x43: {  	_ =	shalt  }
0x44: {  	_ =	shalt  }
0x45: {  	_ =	shalt  }
0x46: {  	_ =	shalt  }
0x47: {  	_ =	shalt  }
0x48: {  	_ =	shalt  }
0x49: {  	_ =	shalt  }
0x4a: {  	_ =	shalt  }
0x4b: {  	_ =	shalt  }
0x4c: {  	_ =	shalt  }
0x4d: {  	_ =	shalt  }
0x4e: {  	_ =	shalt  }
0x4f: {  	_ =	shalt  }
0x50: {  	_ =	shalt  }
0x51: {  	_ =	shalt  }
0x52: {  	_ =	shalt  }
0x53: {  	_ =	shalt  }
0x54: {  	_ =	shalt  }
0x55: {  	_ =	shalt  }
0x56: {  	_ =	shalt  }
0x57: {  	_ =	shalt  }
0x58: {  	_ =	shalt  }
0x59: {  	_ =	shalt  }
0x5a: {  	_ =	shalt  }
0x5b: {  	_ =	shalt  }
0x5c: {  	_ =	shalt  }
0x5d: {  	_ =	shalt  }
0x5e: {  	_ =	shalt  }
0x5f: {  	_ =	shalt  }
0x60: {  	_ =	shalt  }
0x61: {  	_ =	shalt  }
0x62: {  	_ =	shalt  }
0x63: {  	_ =	shalt  }
0x64: {  	_ =	shalt  }
0x65: {  	_ =	shalt  }
0x66: {  	_ =	shalt  }
0x67: {  	_ =	shalt  }
0x68: {  	_ =	shalt  }
0x69: {  	_ =	shalt  }
0x6a: {  	_ =	shalt  }
0x6b: {  	_ =	shalt  }
0x6c: {  	_ =	shalt  }
0x6d: {  	_ =	shalt  }
0x6e: {  	_ =	shalt  }
0x6f: {  	_ =	shalt  }
0x70: {  	_ =	shalt  }
0x71: {  	_ =	shalt  }
0x72: {  	_ =	shalt  }
0x73: {  	_ =	shalt  }
0x74: {  	_ =	shalt  }
0x75: {  	_ =	shalt  }
0x76: {  	_ =	shalt  }
0x77: {  	_ =	shalt  }
0x78: {  	_ =	shalt  }
0x79: {  	_ =	shalt  }
0x7a: {  	_ =	shalt  }
0x7b: {  	_ =	shalt  }
0x7c: {  	_ =	shalt  }
0x7d: {  	_ =	shalt  }
0x7e: {  	_ =	shalt  }
0x7f: {  	_ =	shalt  }
0x80: {  	_ =	shalt  }
0x81: {  	_ =	shalt  }
0x82: {  	_ =	shalt  }
0x83: {  	_ =	shalt  }
0x84: {  	_ =	shalt  }
0x85: {  	_ =	shalt  }
0x86: {  	_ =	shalt  }
0x87: {  	_ =	shalt  }
.Lfunc_end0:
.L_simem_size_0:
called_computation_lowered:
.L_overlay_start_0:
0x88: {  	s2 =	sld [smem:$0x3FD9]  }
0x89: {  	s3 =	sld [smem:$0x3FFE];
	_ =	sdelay $0x1  }
0x8a: {  	s1 =	srdreg.scid  }
0x8b: {  	s0 =	sand.u32 $0x1, s1  }
0x8c: {  	s14 =	sshll.u32 s0, $0xA;
	s2 =	sadd.s32 s3, s2  }
0x8d: {  	s2 =	sadd.s32 s2, s14  }
0x8e: {  	[smem:$0x3FBF] =	sst s2  }
0x8f: {  	_ = 	snop  }
0x90: {  	s2 =	sld [smem:$0x3FD0];
	_ =	sdelay $0x2  }
0x91: {  	s4 =	simm.s32 $0xA;
	s5 =	simm.s32 $0x10;
	s15 =	sld [smem:$0x3FC6]  }
0x92: {  	[smem:s5], [sflag:s4] =	dma.local [hbm:s2], $0x1  }
0x93: {  	_ =	swait.eq [sflag:s4], $0x1  }
0x94: {  	[sflag:s4] =	ssyncset.done $0x0  }
0x95: {  	[sflag:s4] =	ssyncadd.s32 $0xFFFFFFFF  }
0x96: {  	s16 =	sld [smem:$0x10];
	(tm) =	ssettm $0x1  }
0x97: {  	s17 =	sld [smem:$0x3FFB];
	_ =	sdelay $0x3  }
0x98: {  	_ =	strace s17  }
0x99: {  	s4 =	sld [smem:$0x3FFC];
	_ =	sdelay $0x3  }
0x9a: {  	_ =	strace s4  }
0x9b: {  	s4 =	sld [smem:$0x3FFD];
	_ =	sdelay $0x3  }
0x9c: {  	_ =	strace s4  }
0x9d: {  	_ =	strace $0x8FFFFFFF  }
0x9e: {  	s18 =	sld [smem:$0x3FDB];
	_ =	sdelay $0x1  }
0x9f: {  	s19 =	simm.s32 $_scs_section_size  }
0xa0: {  	s6 =	simm.s32 $_size__tile_overlayer_lowered;
	s7 =	simm.s32 $_tile_overlayer_lowered  }
0xa1: {  	s22 =	simm.s32 $0x1BFF;
	s21 =	sshll.u32 s7, $0x1;
	s4 =	sadd.s32 s19, s18  }
0xa2: {  	s8 =	simm.s32 $0x0;
	s20 =	sshll.u32 s6, $0x1;
	s6 =	sadd.s32 s21, s4  }
0xa3: {  	[timem:s8], [sflag:s22] =	dma.local [hbm:s6], s20  }
0xa4: {  	_ =	swait.ge [sflag:s22], s20  }
0xa5: {  	s5 =	ssub.s32 $0x0, s20;
	[sflag:s22] =	ssyncset.done $0x0  }
0xa6: {  	[sflag:s22] =	ssyncadd.s32 s5;
	_ =	sdelay $0x1  }
0xa7: {  	s23 =	simm.s32 $0x1B8B  }
0xa8: {  	_ =	swait.ge [sflag:s23], $0x1  }
0xa9: {  	[sflag:s23] =	ssyncset.done $0x0  }
0xaa: {  	s25 =	simm.s32 $0x1B8E;
	s24 =	sld [smem:$0x3FFE];
	[sflag:s23] =	ssyncadd.s32 $0xFFFFFFFF  }
0xab: {  	s26 =	simm.s32 $execute0_lowered;
	[smem:$0x3FD2] =	sst s25  }
0xac: {  	s6 =	sshll.u32 s26, $0x1;
	_ =	strace $0x80000046;
	[dreg:$0x1] =	wrdreg $0xFFFFFFFF  }
0xad: {  	s28 =	simm.s32 $_size_execute0_lowered;
	s4 =	sadd.s32 s4, s6;
	[dreg:$0x0] =	wrdreg $0x0  }
0xae: {  	s6 =	sshll.u32 s28, $0x1;
	[dreg:$0x2] =	wrdreg s4  }
0xaf: {  	[dreg:$0x3] =	wrdreg s6  }
0xb0: {  	[dreg:$0x4] =	wrdreg $0xC0  }
0xb1: {  	_ =	task [dreg:s8], $0x5FFFF  }
0xb2: {  	[dreg:$0x1] =	wrdreg $0xFFFFFFFF  }
0xb3: {  	[dreg:$0x0] =	wrdreg $0x60  }
0xb4: {  	[dreg:$0x2] =	wrdreg s24  }
0xb5: {  	[dreg:$0x3] =	wrdreg s16  }
0xb6: {  	[dreg:$0x4] =	wrdreg s15  }
0xb7: {  	[dreg:$0x5] =	wrdreg $0x78800  }
0xb8: {  	[dreg:$0x6] =	wrdreg $0x9  }
0xb9: {  	_ =	task.clear_ibuf [dreg:s8], $0x7FFFF;
	_ =	strace $0x90000046  }
0xba: {  	s29 =	simm.s32 $0x9;
	_ =	strace $0x80000048  }
0xbb: {  	_ =	swait.ge [sflag:s29], $0x1  }
0xbc: {  	[sflag:s29] =	ssyncadd.s32 $0xFFFFFFFF  }
0xbd: {  	_ =	strace $0x90000048  }
0xbe: {  	_ =	sfence  }
0xbf: {  	s30 =	sld [smem:$0x0];
	_ =	sdelay $0x2  }
0xc0: {  	s31 =	sshll.u32 s1, $0xD;
	s1 =	sshrl.u32 s1, $0x2  }
0xc1: {  	s3 =	sand.u32 $0x4000, s31;
	s1 =	sadd.s32 s1, s30  }
0xc2: {  	s0 =	sor.u32 s3, s0;
	s1 =	sshll.u32 s1, $0x11  }
0xc3: {  	s0 =	sor.u32 s1, s0  }
0xc4: {  	s0 =	sadd.s32 $0x8F2B, s0  }
0xc5: {  	[sflag:s0] =	ssyncadd.remote.s32 $0x1  }
0xc6: {  	_ =	sfence.sel $0xFFFF  }
0xc7: {  	[dreg:$0x0] =	wrdreg $0xFFFFFFFF;
	(pc) =	sbr.abs _section_cstart, $3  }
0xc8: {  	[dreg:$0x1] =	wrdreg $0xFFFFFFFF  }
0xc9: {  	_ =	task.clear_ibuf [dreg:s8], $0x2FFFF;
	_ =	strace $0x9FFFFFFF  }
0xca: {  	(tm) =	ssettm $0x7FFFFFFF  }
0xcb: {  	_ =	shalt  }
tec
execute0_lowered:
.L_overlay_start_1:
0x0: {  	(tag) =	ssettag $0x1  }
0x1: {  	s6 =	rddreg [dreg:$0x0]  }
0x2: {  	s1 =	rddreg [dreg:$0x1]  }
0x3: {  	s0 =	srdreg.scid;
	s3 =	rddreg [dreg:$0x2]  }
0x4: {  	s4 =	rddreg [dreg:$0x3];
	s5 =	simm.s32 $0x0;
	s16 =	simm.s32 $0x6800  }
0x5: {  	s17 =	simm.s32 $0x2;
	s18 =	simm.s32 $0x20;
	s19 =	simm.s32 $0x6880  }
0x6: {  	s20 =	simm.s32 $0x1;
	s7 =	sand.u32 $0x1, s0;
	s0 =	stileid.u32  }
0x7: {  	s21 =	simm.s32 $0x2800;
	s22 =	simm.s32 $0x80;
	s10 =	smul.u32 $0x2800, s0  }
0x8: {  	s25 =	simm.s32 $0x0;
	[smem:$0x7FF] =	sst s5;
	s11 =	smul.u32 $0x28000, s7  }
0x9: {  	s2 =	sshll.u32 s7, $0x4;
	s7 =	ssub.s32 $0x2, s7;
	s13 =	smul.u32 $0x50000, s0  }
0xa: {  	s23 =	sshll.u32 s0, $0x6;
	s8 =	sor.u32 s0, s2;
	s2 =	rddreg [dreg:$0x4]  }
0xb: {  	_ =	strace $0x80000047;
	s30 =	sshrl.u32 s7, $0x1;
	s23 =	sor.u32 $0x1C02, s23  }
0xc: {  	s9 =	smul.u32 $0x500, s8;
	s12 =	sshll.u32 s8, $0x2;
	s10 =	sadd.s32 s10, s11  }
0xd: {  	s8 =	sshll.u32 s8, $0x9;
	s31 =	sshrl.u32 s13, $0x2;
	s29 =	sadd.s32 s12, s6  }
0xe: {  	s10 =	sadd.s32 s10, s6;
	s8 =	sadd.s32 s8, s6;
	s12 =	ssub.s32 s7, s30  }
0xf: {  	s9 =	sadd.s32 s9, s6;
	s6 =	sadd.s32 $0x3C00, s29;
	s7 =	sadd.s32 $0x67E00, s8  }
0x10: {  	s10 =	sadd.s32 $0x17E00, s10;
	s8 =	sadd.s32 $0xDE00, s9;
	s9 =	sadd.s32 s31, s4  }
0x11: {  	s11 =	smax.u32 s12, $0x1;
	s12 =	sadd.s32 $0x4000, s9;
	s13 =	sadd.s32 $0x8000, s9  }
0x12: {  	v0 =	vimm.f32 $0.0e+00;
	s14 =	sadd.s32 $0xC000, s9;
	s15 =	sadd.s32 $0x10000, s9;
	s24 =	sshrl.u32 s9, $0x3  }
.LBB2_1:
0x13: {  	[tilespmem:s16], [sflag:$0x2] =	stream.linear.gather [hbm4b:s6+s5], $0x20, $0x38;
	[tilespmem:$0x1B880] =	vst v63  }
0x14: {  	_ =	swait.ge [sflag:s17], $0x20  }
0x15: {  	[sflag:s17] =	ssyncset.done $0x0  }
0x16: {  	[sflag:s17] =	ssyncadd.s32 $0xFFFFFFE0  }
0x17: {  	[tilespmem:s19], [sflag:$0x1] =	stream.indirect.gather [hbm4b:s3+s18], $0x80, s16, s18, $0xb8;
	[tilespmem:$0x1B880] =	vst v63  }
0x18: {  	_ =	swait.ge [sflag:s20], $0x1000  }
0x19: {  	[sflag:s20] =	ssyncset.done $0x0  }
0x1a: {  	[sflag:s20] =	ssyncadd.s32 $0xFFFFF000  }
0x1b: {  	[hbm4b:s7+s5] =	stream.linear.scatter [tilespmem:s19], [sflag:$0x2], $0x1000, $0x38;
	[tilespmem:$0x1B880] =	vst v63  }
0x1c: {  	_ =	swait.ge [sflag:s17], $0x1000  }
0x1d: {  	[sflag:s17] =	ssyncset.done $0x0  }
0x1e: {  	[sflag:s17] =	ssyncadd.s32 $0xFFFFF000  }
0x1f: {  	[tilespmem:s5], [sflag:$0x2] =	stream.linear.gather [hbm4b:s8+s5], $0x2800, $0x38;
	[tilespmem:$0x1B880] =	vst v63  }
0x20: {  	_ =	swait.ge [sflag:s17], $0x2800  }
0x21: {  	[sflag:s17] =	ssyncset.done $0x0  }
0x22: {  	s26 =	simm.s32 $0x0;
	s28 =	simm.s32 $0x200;
	[sflag:s17] =	ssyncadd.s32 $0xFFFFD800  }
.LBB2_2:
0x23: {  	p0 =	sne.s32 s28, $0xFE00;
	[tilespmem:s26+$0x2870] =	vst v0  }
0x24: {  	[tilespmem:s26+$0x2800] =	vst v0  }
0x25: {  	[tilespmem:s26+$0x2810] =	vst v0  }
.Ltmp0:
0x26: {  	[tilespmem:s26+$0x2820] =	vst v0;
	(pc) =	sbr.rel @p0 .LBB2_2-.Ltmp0, $4  }
0x27: {  	[tilespmem:s26+$0x2830] =	vst v0  }
0x28: {  	[tilespmem:s26+$0x2840] =	vst v0  }
0x29: {  	[tilespmem:s26+$0x2850] =	vst v0  }
0x2a: {  	[tilespmem:s26+$0x2860] =	vst v0;
	s26 =	sshra.s32 s28, $0x2;
	s28 =	sadd.s32 $0x200, s28  }
0x2b: {  	[tilespmem:s26+$0x2870] =	vst v0  }
0x2c: {  	[tilespmem:s26+$0x2800] =	vst v0  }
0x2d: {  	[tilespmem:s26+$0x2810] =	vst v0  }
0x2e: {  	[tilespmem:s26+$0x2820] =	vst v0  }
0x2f: {  	[tilespmem:s26+$0x2830] =	vst v0  }
0x30: {  	[tilespmem:s26+$0x2840] =	vst v0  }
0x31: {  	[tilespmem:s26+$0x2850] =	vst v0  }
0x32: {  	[tilespmem:s26+$0x2860] =	vst v0  }
0x33: {  	[spmem:s9] =	stream.linear.scatter [tilespmem:s21], [sflag:$0x2], $0x4000, $0x38;
	[tilespmem:$0x1B880] =	vst v63  }
0x34: {  	_ =	swait.ge [sflag:s17], $0x4000  }
0x35: {  	[sflag:s17] =	ssyncset.done $0x0  }
0x36: {  	[sflag:s17] =	ssyncadd.s32 $0xFFFFC000  }
0x37: {  	[spmem:s12] =	stream.linear.scatter [tilespmem:s21], [sflag:$0x2], $0x4000, $0x38;
	[tilespmem:$0x1B880] =	vst v63  }
0x38: {  	_ =	swait.ge [sflag:s17], $0x4000  }
0x39: {  	[sflag:s17] =	ssyncset.done $0x0  }
0x3a: {  	[sflag:s17] =	ssyncadd.s32 $0xFFFFC000  }
0x3b: {  	[spmem:s13] =	stream.linear.scatter [tilespmem:s21], [sflag:$0x2], $0x4000, $0x38;
	[tilespmem:$0x1B880] =	vst v63  }
0x3c: {  	_ =	swait.ge [sflag:s17], $0x4000  }
0x3d: {  	[sflag:s17] =	ssyncset.done $0x0  }
0x3e: {  	[sflag:s17] =	ssyncadd.s32 $0xFFFFC000  }
0x3f: {  	[spmem:s14] =	stream.linear.scatter [tilespmem:s21], [sflag:$0x2], $0x4000, $0x38;
	[tilespmem:$0x1B880] =	vst v63  }
0x40: {  	_ =	swait.ge [sflag:s17], $0x4000  }
0x41: {  	[sflag:s17] =	ssyncset.done $0x0  }
0x42: {  	[sflag:s17] =	ssyncadd.s32 $0xFFFFC000  }
0x43: {  	[spmem:s15] =	stream.linear.scatter [tilespmem:s21], [sflag:$0x2], $0x4000, $0x38;
	[tilespmem:$0x1B880] =	vst v63  }
0x44: {  	_ =	swait.ge [sflag:s17], $0x4000  }
0x45: {  	[sflag:s17] =	ssyncset.done $0x0  }
0x46: {  	s30 =	simm.s32 $0x0;
	[sflag:s17] =	ssyncadd.s32 $0xFFFFC000  }
0x47: {  	[tilespmem:s21], [sflag:$0x2] =	stream.linear.gather [hbm4b:s1+s30], $0x4000, $0x38;
	[tilespmem:$0x1B880] =	vst v63  }
0x48: {  	_ =	swait.ge [sflag:s17], $0x4000  }
0x49: {  	[sflag:s17] =	ssyncset.done $0x0  }
0x4a: {  	[sflag:s17] =	ssyncadd.s32 $0xFFFFC000  }
0x4b: {  	s31 =	simm.s32 $0x0;
	[bflag:$0x0] =	sbarrier.arrive $0xFFFF  }
0x4c: {  	[spmem:s4] =	stream.indirect.scatter.add.f32 [tilespmem:s21], [sflag:$0x2], $0x80, s31, s22, $0xb8;
	[tilespmem:$0x1B880] =	vst v63  }
0x4d: {  	_ =	swait.ge [sflag:s17], $0x4000  }
0x4e: {  	s26 =	simm.s32 $0x200;
	[sflag:s17] =	ssyncset.done $0x0  }
.LBB2_4:
0x4f: {  	s28 =	sshra.s32 s26, $0x2;
	[sflag:s17] =	ssyncadd.s32 $0xFFFFC000;
	p0 =	sne.s32 s26, $0x9E00  }
0x50: {  	[spmem:s4] =	stream.indirect.scatter.add.f32 [tilespmem:s21], [sflag:$0x2], $0x80, s28, s22, $0xb8;
	[tilespmem:$0x1B880] =	vst v63  }
.Ltmp1:
0x51: {  	_ = 	snop;
	(pc) =	sbr.rel @p0 .LBB2_4-.Ltmp1, $4  }
0x52: {  	_ = 	snop  }
0x53: {  	s26 =	sadd.s32 $0x200, s26  }
0x54: {  	_ =	swait.ge [sflag:s17], $0x4000  }
0x55: {  	[sflag:s17] =	ssyncset.done $0x0  }
0x56: {  	s25 =	sadd.s32 $0x1, s25  }
0x57: {  	[sflag:s17] =	ssyncadd.s32 $0xFFFFC000;
	p0 =	sne.s32 s25, s11  }
.Ltmp2:
0x58: {  	[bflag:$0x0] =	sbarrier.arrive $0xFFFF;
	(pc) =	sbr.rel @p0 .LBB2_1-.Ltmp2, $4  }
0x59: {  	[hbm:s10], [sflag:s23] =	dma.local [spmem:s24], $0x2800  }
0x5a: {  	_ =	swait.ge [sflag:s17], $0x2800  }
0x5b: {  	[sflag:s17] =	ssyncset.done $0x0  }
0x5c: {  	[sflag:s17] =	ssyncadd.s32 $0xFFFFD800  }
0x5d: {  	_ =	sfence.sel $0x180000  }
0x5e: {  	[bflag:$0x0] =	sbarrier.arrive $0xFFFF  }
0x5f: {  	p0 =	sne.s32 s0, $0x0;
	_ =	strace $0x90000047  }
0x60: {  	s0 =	sadd.s32 @!p0 $0x100000, s2;
	[bflag:$0x2] =	sbarrier.arrive $0xFFFF  }
0x61: {  	[sflag:s0] =	ssyncadd.tile.s32 @!p0 $0x1;
	_ =	shalt  }
.Lfunc_end2:
_tile_overlayer_lowered:
.L_overlay_start_2:
0x62: {  	(tag) =	ssettag $0x2  }
0x63: {  	s0 =	rddreg [dreg:$0x0];
	s2 =	stileid.u32  }
0x64: {  	s1 =	rddreg [dreg:$0x1];
	p0 =	sne.s32 s2, $0x0  }
0x65: {  	s3 =	rddreg [dreg:$0x2];
	[bflag:$0x3] =	sbarrier.arrive $0xFFFF;
	s2 =	simm.s32 @!p0 $0x1C02  }
0x66: {  	[timem:s3], [sflag:s2] =	dma.local @!p0 [hbm:s0], s1  }
0x67: {  	s0 =	simm.s32 @!p0 $0x2  }
0x68: {  	_ =	swait.ge @!p0 [sflag:s0], s1  }
0x69: {  	s1 =	ssub.s32 @!p0 $0x0, s1;
	[sflag:s0] =	ssyncset.done @!p0 $0x0  }
0x6a: {  	[sflag:s0] =	ssyncadd.s32 @!p0 s1  }
0x6b: {  	[bflag:$0x3] =	sbarrier.arrive $0xFFFF  }
0x6c: {  	_ =	shalt  }

</sc_bundles>
